<compile_context>
chip_gen: v7x
topology: tpu7x:2x2x1
jax: 0.10.2.dev20260603
libtpu: 0.0.44.dev20260713+nightly
codegen_flags: <defaults>
</compile_context>

<pallas_src>
import functools

import jax
import jax.numpy as jnp
from jax import lax
from jax.experimental import pallas as pl
from jax.experimental.pallas import tpu as pltpu
from jax.experimental.pallas import tpu_sc as plsc

D = 1024
E = 8
K = 2
F_E = 1024
F_S = 2048
N = 2048

BLK = 128
P_R = N * K + E * BLK
NB = P_R // BLK

NEG = -1e30

SC_NC = 2
SC_NS = 16
SC_NW = SC_NC * SC_NS



def _gate_body(x_ref, wg_ref, s_ref, idx_ref, w_ref, xbf_ref):
    x = x_ref[...]
    xbf_ref[...] = x.astype(jnp.bfloat16)
    wg = wg_ref[...]
    s = jnp.dot(x, wg, preferred_element_type=jnp.float32)
    s_ref[...] = s
    lane = lax.broadcasted_iota(jnp.int32, s.shape, 1)
    sm = jnp.where(lane < E, s, NEG)
    m1 = jnp.max(sm, axis=1, keepdims=True)
    i1 = jnp.min(jnp.where(sm == m1, lane, 127), axis=1, keepdims=True)
    sm2 = jnp.where(lane == i1, NEG, sm)
    m2 = jnp.max(sm2, axis=1, keepdims=True)
    i2 = jnp.min(jnp.where(sm2 == m2, lane, 127), axis=1, keepdims=True)
    z = jnp.sum(jnp.exp(sm - m1), axis=1, keepdims=True)
    w1 = 1.0 / z
    w2 = jnp.exp(m2 - m1) / z
    idx_ref[...] = jnp.where(lane == 0, i1, jnp.where(lane == 1, i2, 0))
    w_ref[...] = jnp.where(lane == 0, w1, jnp.where(lane == 1, w2, 0.0))


def _gate(xf, wg_pad):
    tb = 256
    return pl.pallas_call(
        _gate_body,
        grid=(N // tb,),
        in_specs=[
            pl.BlockSpec((tb, D), lambda t: (t, 0)),
            pl.BlockSpec((D, 128), lambda t: (0, 0)),
        ],
        out_specs=[
            pl.BlockSpec((tb, 128), lambda t: (t, 0)),
            pl.BlockSpec((tb, 128), lambda t: (t, 0)),
            pl.BlockSpec((tb, 128), lambda t: (t, 0)),
            pl.BlockSpec((tb, D), lambda t: (t, 0)),
        ],
        out_shape=[
            jax.ShapeDtypeStruct((N, 128), jnp.float32),
            jax.ShapeDtypeStruct((N, 128), jnp.int32),
            jax.ShapeDtypeStruct((N, 128), jnp.float32),
            jax.ShapeDtypeStruct((N, D), jnp.bfloat16),
        ],
    )(xf, wg_pad)



def _route(e1, e2):
    er = jnp.arange(E, dtype=jnp.int32)[None, :]
    oh1 = e1[:, None] == er
    oh2 = e2[:, None] == er
    oh = oh1.astype(jnp.int32) + oh2.astype(jnp.int32)
    cum = jnp.cumsum(oh, axis=0)
    counts = cum[-1]
    cumex = cum - oh
    pc = ((counts + BLK - 1) // BLK) * BLK
    ends = jnp.cumsum(pc)
    gs = ends - pc
    base = cumex + gs[None, :]
    pos0 = jnp.sum(jnp.where(oh1, base, 0), axis=1)
    pos1 = jnp.sum(jnp.where(oh2, base + oh1.astype(jnp.int32), 0), axis=1)
    b_start = jnp.arange(NB, dtype=jnp.int32) * BLK
    be = jnp.sum(b_start[:, None] >= ends[None, :], axis=1).astype(jnp.int32)
    be = jnp.minimum(be, E - 1)
    return pos0, pos1, be



GATHER_PER_W = P_R // SC_NW
GATHER_CH = 16
G_CHUNKS = GATHER_PER_W // GATHER_CH
G_NBUF = 4


@functools.lru_cache(maxsize=None)
def _make_sc_gather():
    mesh = plsc.VectorSubcoreMesh(core_axis_name="c", subcore_axis_name="s")

    @functools.partial(
        pl.kernel,
        mesh=mesh,
        out_type=(
            jax.ShapeDtypeStruct((P_R, D), jnp.float32),
            jax.ShapeDtypeStruct((P_R,), jnp.float32),
        ),
        scratch_types=[
            pltpu.VMEM((N,), jnp.int32),
            pltpu.VMEM((N,), jnp.int32),
            pltpu.VMEM((N,), jnp.float32),
            pltpu.VMEM((N,), jnp.float32),
            pltpu.VMEM((GATHER_PER_W,), jnp.int32),
            pltpu.VMEM((GATHER_PER_W,), jnp.float32),
            pltpu.VMEM((G_NBUF, GATHER_CH, D), jnp.float32),
        ] + [pltpu.SemaphoreType.DMA] * (2 * G_NBUF),
        compiler_params=pltpu.CompilerParams(needs_layout_passes=False),
    )
    def sc_gather(x_hbm, p0_hbm, p1_hbm, w0_hbm, w1_hbm, out_hbm, sw_hbm,
                  p0_v, p1_v, w0_v, w1_v, gidx_v, sw_v, rows_v, *sems):
        gsem = sems[:G_NBUF]
        wsem = sems[G_NBUF:]
        wid = lax.axis_index("s") * SC_NC + lax.axis_index("c")
        base0 = wid * GATHER_PER_W
        pltpu.sync_copy(p0_hbm, p0_v)
        pltpu.sync_copy(p1_hbm, p1_v)
        pltpu.sync_copy(w0_hbm, w0_v)
        pltpu.sync_copy(w1_hbm, w1_v)
        lane = lax.iota(jnp.int32, 16)

        def init_body(i, _):
            sl = pl.ds(i * 16, 16)
            gidx_v[sl] = (base0 + i * 16 + lane) & (N - 1)
            sw_v[sl] = jnp.zeros((16,), jnp.float32)
            return 0

        lax.fori_loop(0, GATHER_PER_W // 16, init_body, 0)

        def scan_body(i, _):
            s = i * 16
            tok = s + lane
            for pv, wv in ((p0_v, w0_v), (p1_v, w1_v)):
                p = pv[pl.ds(s, 16)]
                w = wv[pl.ds(s, 16)]
                li = p - base0
                m = (li >= 0) & (li < GATHER_PER_W)
                li = jnp.clip(li, 0, GATHER_PER_W - 1)
                plsc.store_scatter(gidx_v, [li], tok, mask=m)
                plsc.store_scatter(sw_v, [li], w, mask=m)
            return 0

        lax.fori_loop(0, N // 16, scan_body, 0)
        pltpu.sync_copy(sw_v, sw_hbm.at[pl.ds(base0, GATHER_PER_W)])

        def start_gather(c):
            buf = c % G_NBUF
            return pltpu.async_copy(
                x_hbm.at[gidx_v.at[pl.ds(c * GATHER_CH, GATHER_CH)]],
                rows_v.at[buf], gsem[buf])

        gh = {c: start_gather(c) for c in range(G_NBUF)}
        wh = {}
        for c in range(G_CHUNKS):
            buf = c % G_NBUF
            gh[c].wait()
            wh[c] = pltpu.async_copy(
                rows_v.at[buf],
                out_hbm.at[pl.ds(base0 + c * GATHER_CH, GATHER_CH)],
                wsem[buf])
            if c + G_NBUF < G_CHUNKS:
                wh[c].wait()
                gh[c + G_NBUF] = start_gather(c + G_NBUF)
        for c in range(max(0, G_CHUNKS - G_NBUF), G_CHUNKS):
            wh[c].wait()

    return sc_gather


def _sc_gather(xf, pos0, pos1, w0, w1):
    return _make_sc_gather()(xf, pos0, pos1, w0, w1)



def _ffn_body(be_ref, xg_ref, w1_ref, w2_ref, wp_ref, sw_ref, out_ref):
    xb = xg_ref[...].astype(jnp.bfloat16)
    w1 = w1_ref[0].astype(jnp.bfloat16)
    w2 = w2_ref[0].astype(jnp.bfloat16)
    h1 = jnp.dot(xb, w1, preferred_element_type=jnp.float32)
    h2 = jnp.dot(xb, w2, preferred_element_type=jnp.float32)
    h = ((h1 * jax.nn.sigmoid(h1)) * h2).astype(jnp.bfloat16)
    wp = wp_ref[0].astype(jnp.bfloat16)
    y = jnp.dot(h, wp, preferred_element_type=jnp.float32)
    sw = sw_ref[...][:, 0:1]
    out_ref[...] = y * sw


def _ffn(be, xg, w1, w2, wp, sw_full):
    spec = pltpu.PrefetchScalarGridSpec(
        num_scalar_prefetch=1,
        grid=(NB,),
        in_specs=[
            pl.BlockSpec((BLK, D), lambda b, be: (b, 0)),
            pl.BlockSpec((1, D, F_E), lambda b, be: (be[b], 0, 0)),
            pl.BlockSpec((1, D, F_E), lambda b, be: (be[b], 0, 0)),
            pl.BlockSpec((1, F_E, D), lambda b, be: (be[b], 0, 0)),
            pl.BlockSpec((BLK, 128), lambda b, be: (b, 0)),
        ],
        out_specs=pl.BlockSpec((BLK, D), lambda b, be: (b, 0)),
    )
    return pl.pallas_call(
        _ffn_body,
        grid_spec=spec,
        out_shape=jax.ShapeDtypeStruct((P_R, D), jnp.float32),
    )(be, xg, w1, w2, wp, sw_full)



F_T = 512


def _shared_body(x_ref, ws1_ref, ws2_ref, wsp_ref, z_ref):
    f = pl.program_id(0)
    x = x_ref[...]
    ws1 = ws1_ref[...].astype(jnp.bfloat16)
    ws2 = ws2_ref[...].astype(jnp.bfloat16)
    h1 = jnp.dot(x, ws1, preferred_element_type=jnp.float32)
    h2 = jnp.dot(x, ws2, preferred_element_type=jnp.float32)
    h = ((h1 * jax.nn.sigmoid(h1)) * h2).astype(jnp.bfloat16)
    wsp = wsp_ref[...].astype(jnp.bfloat16)
    part = jnp.dot(h, wsp, preferred_element_type=jnp.float32)

    @pl.when(f == 0)
    def _():
        z_ref[...] = part

    @pl.when(f != 0)
    def _():
        z_ref[...] = z_ref[...] + part


def _shared(xf, ws1, ws2, wsp):
    return pl.pallas_call(
        _shared_body,
        grid=(F_S // F_T,),
        in_specs=[
            pl.BlockSpec((N, D), lambda f: (0, 0)),
            pl.BlockSpec((D, F_T), lambda f: (0, f)),
            pl.BlockSpec((D, F_T), lambda f: (0, f)),
            pl.BlockSpec((F_T, D), lambda f: (f, 0)),
        ],
        out_specs=pl.BlockSpec((N, D), lambda f: (0, 0)),
        out_shape=jax.ShapeDtypeStruct((N, D), jnp.float32),
    )(xf, ws1, ws2, wsp)



COMB_PER_W = N // SC_NW
COMB_CH = 16
C_CHUNKS = COMB_PER_W // COMB_CH


@functools.lru_cache(maxsize=None)
def _make_sc_combine():
    mesh = plsc.VectorSubcoreMesh(core_axis_name="c", subcore_axis_name="s")

    @functools.partial(
        pl.kernel,
        mesh=mesh,
        out_type=jax.ShapeDtypeStruct((N, D), jnp.float32),
        scratch_types=[
            pltpu.VMEM((COMB_PER_W,), jnp.int32),
            pltpu.VMEM((COMB_PER_W,), jnp.int32),
            pltpu.VMEM((2, COMB_CH, D), jnp.float32),
            pltpu.VMEM((2, COMB_CH, D), jnp.float32),
            pltpu.VMEM((2, COMB_CH, D), jnp.float32),
            pltpu.SemaphoreType.DMA,
            pltpu.SemaphoreType.DMA,
            pltpu.SemaphoreType.DMA,
            pltpu.SemaphoreType.DMA,
        ],
    )
    def sc_combine(yg_hbm, z_hbm, s0_hbm, s1_hbm, out_hbm,
                   i0_v, i1_v, a_v, b_v, z_v, ls0, ls1, ws0, ws1):
        wid = lax.axis_index("s") * SC_NC + lax.axis_index("c")
        base0 = wid * COMB_PER_W
        pltpu.sync_copy(s0_hbm.at[pl.ds(base0, COMB_PER_W)], i0_v)
        pltpu.sync_copy(s1_hbm.at[pl.ds(base0, COMB_PER_W)], i1_v)
        lsem = (ls0, ls1)
        wsem = (ws0, ws1)

        def start_loads(c):
            buf = c % 2
            sl = pl.ds(c * COMB_CH, COMB_CH)
            return (
                pltpu.async_copy(yg_hbm.at[i0_v.at[sl]], a_v.at[buf], lsem[buf]),
                pltpu.async_copy(yg_hbm.at[i1_v.at[sl]], b_v.at[buf], lsem[buf]),
                pltpu.async_copy(z_hbm.at[pl.ds(base0 + c * COMB_CH, COMB_CH)],
                                 z_v.at[buf], lsem[buf]),
            )

        lh = {0: start_loads(0), 1: start_loads(1)}
        wh = {}
        for c in range(C_CHUNKS):
            buf = c % 2
            for h in lh[c]:
                h.wait()

            def row(i, _):
                def col(j, _):
                    for u in range(4):
                        sl = pl.ds(j * 64 + u * 16, 16)
                        z_v[buf, i, sl] = (z_v[buf, i, sl] + a_v[buf, i, sl]
                                           + b_v[buf, i, sl])
                    return 0

                lax.fori_loop(0, D // 64, col, 0)
                return 0

            lax.fori_loop(0, COMB_CH, row, 0)
            wh[c] = pltpu.async_copy(
                z_v.at[buf],
                out_hbm.at[pl.ds(base0 + c * COMB_CH, COMB_CH)], wsem[buf])
            if c + 2 < C_CHUNKS:
                wh[c].wait()
                lh[c + 2] = start_loads(c + 2)
        for c in range(max(0, C_CHUNKS - 2), C_CHUNKS):
            wh[c].wait()

    return sc_combine


def _sc_combine(yg, z, s0, s1):
    return _make_sc_combine()(yg, z, s0, s1)



def kernel(x, Wg, W1, W2, Wp, Ws1, Ws2, Wsp):
    Bq, Tq, C = x.shape
    xf = x.reshape(-1, C)
    wg_pad = jnp.pad(Wg, ((0, 0), (0, 128 - E)))
    scores_pad, idx_pad, w_pad, xbf = _gate(xf, wg_pad)
    scores = scores_pad[:, :E]
    e1 = idx_pad[:, 0]
    e2 = idx_pad[:, 1]
    w1 = w_pad[:, 0]
    w2 = w_pad[:, 1]

    pos0, pos1, be = _route(e1, e2)

    xg, sw = _sc_gather(xf, pos0, pos1, w1, w2)
    sw_full = jnp.broadcast_to(sw[:, None], (P_R, 128))
    yg = _ffn(be, xg, W1, W2, Wp, sw_full)
    z = _shared(xbf, Ws1, Ws2, Wsp)
    out = _sc_combine(yg, z, pos0, pos1)
    return (out.reshape(Bq, Tq, C), scores)

# --- scband reference (transcript-rebuilt; emitter-appended) ---
"""Pipeline reference for scband-transformer-lm-72971494359535 (READ-ONLY COPY).

The authoritative reference and input builder live on the scoring server;
editing this copy changes nothing except your own understanding.
"""

import jax, jax.numpy as jnp
import numpy as np

D = 1024      # embedding_dim
F_E = 1024    # expert_inter_dim
F_S = 2048    # shared FFN inter_dim
E = 8         # n_experts
K = 2         # active_experts (top_k)
B = 1
T = 2048


def setup_inputs(seed: int = 0) -> dict:
    key = jax.random.key(seed)
    ks = jax.random.split(key, 8)
    x = jax.random.normal(ks[0], (B, T, D), dtype=jnp.float32)
    Wg = jax.random.normal(ks[1], (D, E), dtype=jnp.float32) * 0.02
    W1 = jax.random.normal(ks[2], (E, D, F_E), dtype=jnp.float32) * 0.02
    W2 = jax.random.normal(ks[3], (E, D, F_E), dtype=jnp.float32) * 0.02
    Wp = jax.random.normal(ks[4], (E, F_E, D), dtype=jnp.float32) * 0.02
    Ws1 = jax.random.normal(ks[5], (D, F_S), dtype=jnp.float32) * 0.02
    Ws2 = jax.random.normal(ks[6], (D, F_S), dtype=jnp.float32) * 0.02
    Wsp = jax.random.normal(ks[7], (F_S, D), dtype=jnp.float32) * 0.02
    return {"x": x, "Wg": Wg, "W1": W1, "W2": W2, "Wp": Wp, "Ws1": Ws1, "Ws2": Ws2, "Wsp": Wsp}


def reference(x, Wg, W1, W2, Wp, Ws1, Ws2, Wsp):
    # MoE.forward in eval mode (no gate noise, no dropout)
    Bq, Tq, C = x.shape
    xf = x.reshape(-1, C)                    # [N, C]
    scores = xf @ Wg                         # gate logits [N, E]
    probs = jax.nn.softmax(scores, axis=-1)
    # torch.topk on softmax probs -> weights are the top-k prob values
    weights, indices = jax.lax.top_k(probs, K)   # [N, K], [N, K]
    y = jnp.zeros_like(xf)
    for i in range(E):
        # tokens routed to expert i: sum routing weight over the top-k slots that hit i
        w_i = jnp.sum(jnp.where(indices == i, weights, 0.0), axis=-1)   # [N]
        h = jax.nn.silu(xf @ W1[i]) * (xf @ W2[i])                      # [N, F_E]
        y = y + (h @ Wp[i]) * w_i[:, None]
    # shared expert (always-on FFN)
    z = (jax.nn.silu(xf @ Ws1) * (xf @ Ws2)) @ Wsp
    out = (y + z).reshape(Bq, Tq, C)
    return (out, scores)

if __name__ == "__main__":
    import jax
    _d = setup_inputs()
    print(jax.jit(kernel)(*tuple(_d.values())))

</pallas_src>

<mosaic_0001>
#map = affine_map<(d0, d1) -> (0, 0)>
#map1 = affine_map<(d0, d1) -> (0)>
module attributes {stable_mosaic.version = 14 : i64} {
  func.func @sc_combine(%arg0: i32, %arg1: i32, %arg2: memref<5120x1024xf32, #tpu.memory_space<hbm>>, %arg3: memref<2048x1024xf32, #tpu.memory_space<hbm>>, %arg4: memref<2048xi32, #tpu.memory_space<hbm>>, %arg5: memref<2048xi32, #tpu.memory_space<hbm>>, %arg6: memref<2048x1024xf32, #tpu.memory_space<hbm>>, %arg7: memref<64xi32, #tpu.memory_space<vmem>>, %arg8: memref<64xi32, #tpu.memory_space<vmem>>, %arg9: memref<2x16x1024xf32, #tpu.memory_space<vmem>>, %arg10: memref<2x16x1024xf32, #tpu.memory_space<vmem>>, %arg11: memref<2x16x1024xf32, #tpu.memory_space<vmem>>, %arg12: memref<!tpu.dma_semaphore, #tpu.memory_space<semaphore_mem>>, %arg13: memref<!tpu.dma_semaphore, #tpu.memory_space<semaphore_mem>>, %arg14: memref<!tpu.dma_semaphore, #tpu.memory_space<semaphore_mem>>, %arg15: memref<!tpu.dma_semaphore, #tpu.memory_space<semaphore_mem>>) attributes {dimension_semantics = [#tpu.dimension_semantics<core_parallel>, #tpu.dimension_semantics<subcore_parallel>], iteration_bounds = array<i64: 2, 16>, scalar_prefetch = 0 : i64, scratch_operands = 9 : i64, tpu.core_type = #tpu.core_type<sc_vector_subcore>, window_params = [{transform_indices = #map}, {transform_indices = #map}, {transform_indices = #map1}, {transform_indices = #map1}, {transform_indices = #map}]} {
    %mul3A = arith.constant 2 : i32
    %mul3A_0 = arith.muli %arg1, %mul3A : i32
    %add3A = arith.addi %mul3A_0, %arg0 : i32
    %mul3A_1 = arith.constant 64 : i32
    %mul3A_2 = arith.muli %add3A, %mul3A_1 : i32
    "tpu.region"() ({
      %run_scoped3A = tpu.sem_alloc : memref<!tpu.dma_semaphore, #tpu.memory_space<semaphore_mem>>
      %dma_start3A_412 = tpu.memref_slice %arg4[%mul3A_2] : memref<2048xi32, #tpu.memory_space<hbm>> -> memref<64xi32, #tpu.memory_space<hbm>>
      %dma_start3A_413 = tpu.memref_slice %arg4[%mul3A_2] : memref<2048xi32, #tpu.memory_space<hbm>> -> memref<64xi32, #tpu.memory_space<hbm>>
      tpu.enqueue_dma source(%dma_start3A_413 : memref<64xi32, #tpu.memory_space<hbm>>) target(%arg7 : memref<64xi32, #tpu.memory_space<vmem>>) target_semaphore(%run_scoped3A : memref<!tpu.dma_semaphore, #tpu.memory_space<semaphore_mem>>)
      %dma_wait3A_414 = tpu.memref_slice %arg4[%mul3A_2] : memref<2048xi32, #tpu.memory_space<hbm>> -> memref<64xi32, #tpu.memory_space<hbm>>
      %dma_wait3A_415 = tpu.memref_slice %arg4[%mul3A_2] : memref<2048xi32, #tpu.memory_space<hbm>> -> memref<64xi32, #tpu.memory_space<hbm>>
      tpu.wait_dma2 semaphore(%run_scoped3A : memref<!tpu.dma_semaphore, #tpu.memory_space<semaphore_mem>>) src(%dma_wait3A_415 : memref<64xi32, #tpu.memory_space<hbm>>) dst(%arg7 : memref<64xi32, #tpu.memory_space<vmem>>)
      tpu.yield
    }) : () -> ()
    "tpu.region"() ({
      %run_scoped3A = tpu.sem_alloc : memref<!tpu.dma_semaphore, #tpu.memory_space<semaphore_mem>>
      %dma_start3A_412 = tpu.memref_slice %arg5[%mul3A_2] : memref<2048xi32, #tpu.memory_space<hbm>> -> memref<64xi32, #tpu.memory_space<hbm>>
      %dma_start3A_413 = tpu.memref_slice %arg5[%mul3A_2] : memref<2048xi32, #tpu.memory_space<hbm>> -> memref<64xi32, #tpu.memory_space<hbm>>
      tpu.enqueue_dma source(%dma_start3A_413 : memref<64xi32, #tpu.memory_space<hbm>>) target(%arg8 : memref<64xi32, #tpu.memory_space<vmem>>) target_semaphore(%run_scoped3A : memref<!tpu.dma_semaphore, #tpu.memory_space<semaphore_mem>>)
      %dma_wait3A_414 = tpu.memref_slice %arg5[%mul3A_2] : memref<2048xi32, #tpu.memory_space<hbm>> -> memref<64xi32, #tpu.memory_space<hbm>>
      %dma_wait3A_415 = tpu.memref_slice %arg5[%mul3A_2] : memref<2048xi32, #tpu.memory_space<hbm>> -> memref<64xi32, #tpu.memory_space<hbm>>
      tpu.wait_dma2 semaphore(%run_scoped3A : memref<!tpu.dma_semaphore, #tpu.memory_space<semaphore_mem>>) src(%dma_wait3A_415 : memref<64xi32, #tpu.memory_space<hbm>>) dst(%arg8 : memref<64xi32, #tpu.memory_space<vmem>>)
      tpu.yield
    }) : () -> ()
    %dma_start3A = arith.constant 0 : i32
    %dma_start3A_3 = arith.constant 0 : i32
    %dma_start3A_4 = arith.constant 0 : i32
    %dma_start3A_5 = tpu.memref_slice %arg9[%dma_start3A, %dma_start3A_3, %dma_start3A_4] : memref<2x16x1024xf32, #tpu.memory_space<vmem>> -> memref<1x16x1024xf32, #tpu.memory_space<vmem>>
    %dma_start3A_6 = tpu.memref_squeeze %dma_start3A_5 : memref<1x16x1024xf32, #tpu.memory_space<vmem>> -> memref<16x1024xf32, #tpu.memory_space<vmem>>
    %dma_start3A_7 = arith.constant 0 : i32
    %dma_start3A_8 = tpu.memref_slice %arg7[%dma_start3A_7] : memref<64xi32, #tpu.memory_space<vmem>> -> memref<16xi32, #tpu.memory_space<vmem>>
    %dma_start3A_9 = arith.constant 0 : i32
    %dma_start3A_10 = arith.constant 0 : i32
    %dma_start3A_11 = tpu.memref_slice %arg2[%dma_start3A_9, %dma_start3A_10] : memref<5120x1024xf32, #tpu.memory_space<hbm>> -> memref<5120x1024xf32, #tpu.memory_space<hbm>>
    tpu.enqueue_indirect_dma source(%dma_start3A_11 : memref<5120x1024xf32, #tpu.memory_space<hbm>>) target(%dma_start3A_6 : memref<16x1024xf32, #tpu.memory_space<vmem>>) offsets(%dma_start3A_8 : memref<16xi32, #tpu.memory_space<vmem>>) semaphore(%arg12 : memref<!tpu.dma_semaphore, #tpu.memory_space<semaphore_mem>>)
    %dma_start3A_12 = arith.constant 0 : i32
    %dma_start3A_13 = arith.constant 0 : i32
    %dma_start3A_14 = arith.constant 0 : i32
    %dma_start3A_15 = tpu.memref_slice %arg10[%dma_start3A_12, %dma_start3A_13, %dma_start3A_14] : memref<2x16x1024xf32, #tpu.memory_space<vmem>> -> memref<1x16x1024xf32, #tpu.memory_space<vmem>>
    %dma_start3A_16 = tpu.memref_squeeze %dma_start3A_15 : memref<1x16x1024xf32, #tpu.memory_space<vmem>> -> memref<16x1024xf32, #tpu.memory_space<vmem>>
    %dma_start3A_17 = arith.constant 0 : i32
    %dma_start3A_18 = tpu.memref_slice %arg8[%dma_start3A_17] : memref<64xi32, #tpu.memory_space<vmem>> -> memref<16xi32, #tpu.memory_space<vmem>>
    %dma_start3A_19 = arith.constant 0 : i32
    %dma_start3A_20 = arith.constant 0 : i32
    %dma_start3A_21 = tpu.memref_slice %arg2[%dma_start3A_19, %dma_start3A_20] : memref<5120x1024xf32, #tpu.memory_space<hbm>> -> memref<5120x1024xf32, #tpu.memory_space<hbm>>
    tpu.enqueue_indirect_dma source(%dma_start3A_21 : memref<5120x1024xf32, #tpu.memory_space<hbm>>) target(%dma_start3A_16 : memref<16x1024xf32, #tpu.memory_space<vmem>>) offsets(%dma_start3A_18 : memref<16xi32, #tpu.memory_space<vmem>>) semaphore(%arg12 : memref<!tpu.dma_semaphore, #tpu.memory_space<semaphore_mem>>)
    %add3A_22 = arith.constant 0 : i32
    %add3A_23 = arith.addi %mul3A_2, %add3A_22 : i32
    %dma_start3A_24 = arith.constant 0 : i32
    %dma_start3A_25 = arith.constant 0 : i32
    %dma_start3A_26 = arith.constant 0 : i32
    %dma_start3A_27 = tpu.memref_slice %arg11[%dma_start3A_24, %dma_start3A_25, %dma_start3A_26] : memref<2x16x1024xf32, #tpu.memory_space<vmem>> -> memref<1x16x1024xf32, #tpu.memory_space<vmem>>
    %dma_start3A_28 = tpu.memref_squeeze %dma_start3A_27 : memref<1x16x1024xf32, #tpu.memory_space<vmem>> -> memref<16x1024xf32, #tpu.memory_space<vmem>>
    %dma_start3A_29 = arith.constant 0 : i32
    %dma_start3A_30 = tpu.memref_slice %arg3[%add3A_23, %dma_start3A_29] : memref<2048x1024xf32, #tpu.memory_space<hbm>> -> memref<16x1024xf32, #tpu.memory_space<hbm>>
    %dma_start3A_31 = arith.constant 0 : i32
    %dma_start3A_32 = arith.constant 0 : i32
    %dma_start3A_33 = tpu.memref_slice %arg11[%dma_start3A_24, %dma_start3A_31, %dma_start3A_32] : memref<2x16x1024xf32, #tpu.memory_space<vmem>> -> memref<1x16x1024xf32, #tpu.memory_space<vmem>>
    %dma_start3A_34 = tpu.memref_squeeze %dma_start3A_33 : memref<1x16x1024xf32, #tpu.memory_space<vmem>> -> memref<16x1024xf32, #tpu.memory_space<vmem>>
    %dma_start3A_35 = arith.constant 0 : i32
    %dma_start3A_36 = tpu.memref_slice %arg3[%add3A_23, %dma_start3A_35] : memref<2048x1024xf32, #tpu.memory_space<hbm>> -> memref<16x1024xf32, #tpu.memory_space<hbm>>
    tpu.enqueue_dma source(%dma_start3A_36 : memref<16x1024xf32, #tpu.memory_space<hbm>>) target(%dma_start3A_34 : memref<16x1024xf32, #tpu.memory_space<vmem>>) target_semaphore(%arg12 : memref<!tpu.dma_semaphore, #tpu.memory_space<semaphore_mem>>)
    %dma_start3A_37 = arith.constant 1 : i32
    %dma_start3A_38 = arith.constant 0 : i32
    %dma_start3A_39 = arith.constant 0 : i32
    %dma_start3A_40 = tpu.memref_slice %arg9[%dma_start3A_37, %dma_start3A_38, %dma_start3A_39] : memref<2x16x1024xf32, #tpu.memory_space<vmem>> -> memref<1x16x1024xf32, #tpu.memory_space<vmem>>
    %dma_start3A_41 = tpu.memref_squeeze %dma_start3A_40 : memref<1x16x1024xf32, #tpu.memory_space<vmem>> -> memref<16x1024xf32, #tpu.memory_space<vmem>>
    %dma_start3A_42 = arith.constant 16 : i32
    %dma_start3A_43 = tpu.memref_slice %arg7[%dma_start3A_42] : memref<64xi32, #tpu.memory_space<vmem>> -> memref<16xi32, #tpu.memory_space<vmem>>
    %dma_start3A_44 = arith.constant 0 : i32
    %dma_start3A_45 = arith.constant 0 : i32
    %dma_start3A_46 = tpu.memref_slice %arg2[%dma_start3A_44, %dma_start3A_45] : memref<5120x1024xf32, #tpu.memory_space<hbm>> -> memref<5120x1024xf32, #tpu.memory_space<hbm>>
    tpu.enqueue_indirect_dma source(%dma_start3A_46 : memref<5120x1024xf32, #tpu.memory_space<hbm>>) target(%dma_start3A_41 : memref<16x1024xf32, #tpu.memory_space<vmem>>) offsets(%dma_start3A_43 : memref<16xi32, #tpu.memory_space<vmem>>) semaphore(%arg13 : memref<!tpu.dma_semaphore, #tpu.memory_space<semaphore_mem>>)
    %dma_start3A_47 = arith.constant 1 : i32
    %dma_start3A_48 = arith.constant 0 : i32
    %dma_start3A_49 = arith.constant 0 : i32
    %dma_start3A_50 = tpu.memref_slice %arg10[%dma_start3A_47, %dma_start3A_48, %dma_start3A_49] : memref<2x16x1024xf32, #tpu.memory_space<vmem>> -> memref<1x16x1024xf32, #tpu.memory_space<vmem>>
    %dma_start3A_51 = tpu.memref_squeeze %dma_start3A_50 : memref<1x16x1024xf32, #tpu.memory_space<vmem>> -> memref<16x1024xf32, #tpu.memory_space<vmem>>
    %dma_start3A_52 = arith.constant 16 : i32
    %dma_start3A_53 = tpu.memref_slice %arg8[%dma_start3A_52] : memref<64xi32, #tpu.memory_space<vmem>> -> memref<16xi32, #tpu.memory_space<vmem>>
    %dma_start3A_54 = arith.constant 0 : i32
    %dma_start3A_55 = arith.constant 0 : i32
    %dma_start3A_56 = tpu.memref_slice %arg2[%dma_start3A_54, %dma_start3A_55] : memref<5120x1024xf32, #tpu.memory_space<hbm>> -> memref<5120x1024xf32, #tpu.memory_space<hbm>>
    tpu.enqueue_indirect_dma source(%dma_start3A_56 : memref<5120x1024xf32, #tpu.memory_space<hbm>>) target(%dma_start3A_51 : memref<16x1024xf32, #tpu.memory_space<vmem>>) offsets(%dma_start3A_53 : memref<16xi32, #tpu.memory_space<vmem>>) semaphore(%arg13 : memref<!tpu.dma_semaphore, #tpu.memory_space<semaphore_mem>>)
    %add3A_57 = arith.constant 16 : i32
    %add3A_58 = arith.addi %mul3A_2, %add3A_57 : i32
    %dma_start3A_59 = arith.constant 1 : i32
    %dma_start3A_60 = arith.constant 0 : i32
    %dma_start3A_61 = arith.constant 0 : i32
    %dma_start3A_62 = tpu.memref_slice %arg11[%dma_start3A_59, %dma_start3A_60, %dma_start3A_61] : memref<2x16x1024xf32, #tpu.memory_space<vmem>> -> memref<1x16x1024xf32, #tpu.memory_space<vmem>>
    %dma_start3A_63 = tpu.memref_squeeze %dma_start3A_62 : memref<1x16x1024xf32, #tpu.memory_space<vmem>> -> memref<16x1024xf32, #tpu.memory_space<vmem>>
    %dma_start3A_64 = arith.constant 0 : i32
    %dma_start3A_65 = tpu.memref_slice %arg3[%add3A_58, %dma_start3A_64] : memref<2048x1024xf32, #tpu.memory_space<hbm>> -> memref<16x1024xf32, #tpu.memory_space<hbm>>
    %dma_start3A_66 = arith.constant 0 : i32
    %dma_start3A_67 = arith.constant 0 : i32
    %dma_start3A_68 = tpu.memref_slice %arg11[%dma_start3A_59, %dma_start3A_66, %dma_start3A_67] : memref<2x16x1024xf32, #tpu.memory_space<vmem>> -> memref<1x16x1024xf32, #tpu.memory_space<vmem>>
    %dma_start3A_69 = tpu.memref_squeeze %dma_start3A_68 : memref<1x16x1024xf32, #tpu.memory_space<vmem>> -> memref<16x1024xf32, #tpu.memory_space<vmem>>
    %dma_start3A_70 = arith.constant 0 : i32
    %dma_start3A_71 = tpu.memref_slice %arg3[%add3A_58, %dma_start3A_70] : memref<2048x1024xf32, #tpu.memory_space<hbm>> -> memref<16x1024xf32, #tpu.memory_space<hbm>>
    tpu.enqueue_dma source(%dma_start3A_71 : memref<16x1024xf32, #tpu.memory_space<hbm>>) target(%dma_start3A_69 : memref<16x1024xf32, #tpu.memory_space<vmem>>) target_semaphore(%arg13 : memref<!tpu.dma_semaphore, #tpu.memory_space<semaphore_mem>>)
    %dma_wait3A = arith.constant 0 : i32
    %dma_wait3A_72 = arith.constant 0 : i32
    %dma_wait3A_73 = arith.constant 0 : i32
    %dma_wait3A_74 = tpu.memref_slice %arg9[%dma_wait3A, %dma_wait3A_72, %dma_wait3A_73] : memref<2x16x1024xf32, #tpu.memory_space<vmem>> -> memref<1x16x1024xf32, #tpu.memory_space<vmem>>
    %dma_wait3A_75 = tpu.memref_squeeze %dma_wait3A_74 : memref<1x16x1024xf32, #tpu.memory_space<vmem>> -> memref<16x1024xf32, #tpu.memory_space<vmem>>
    %dma_wait3A_76 = arith.constant 0 : i32
    %dma_wait3A_77 = tpu.memref_slice %arg7[%dma_wait3A_76] : memref<64xi32, #tpu.memory_space<vmem>> -> memref<16xi32, #tpu.memory_space<vmem>>
    %dma_wait3A_78 = arith.constant 0 : i32
    %dma_wait3A_79 = arith.constant 0 : i32
    %dma_wait3A_80 = tpu.memref_slice %arg2[%dma_wait3A_78, %dma_wait3A_79] : memref<5120x1024xf32, #tpu.memory_space<hbm>> -> memref<5120x1024xf32, #tpu.memory_space<hbm>>
    tpu.wait_indirect_dma semaphore(%arg12 : memref<!tpu.dma_semaphore, #tpu.memory_space<semaphore_mem>>) src(%dma_wait3A_80 : memref<5120x1024xf32, #tpu.memory_space<hbm>>) dst(%dma_wait3A_75 : memref<16x1024xf32, #tpu.memory_space<vmem>>)
    %dma_wait3A_81 = arith.constant 0 : i32
    %dma_wait3A_82 = arith.constant 0 : i32
    %dma_wait3A_83 = arith.constant 0 : i32
    %dma_wait3A_84 = tpu.memref_slice %arg10[%dma_wait3A_81, %dma_wait3A_82, %dma_wait3A_83] : memref<2x16x1024xf32, #tpu.memory_space<vmem>> -> memref<1x16x1024xf32, #tpu.memory_space<vmem>>
    %dma_wait3A_85 = tpu.memref_squeeze %dma_wait3A_84 : memref<1x16x1024xf32, #tpu.memory_space<vmem>> -> memref<16x1024xf32, #tpu.memory_space<vmem>>
    %dma_wait3A_86 = arith.constant 0 : i32
    %dma_wait3A_87 = tpu.memref_slice %arg8[%dma_wait3A_86] : memref<64xi32, #tpu.memory_space<vmem>> -> memref<16xi32, #tpu.memory_space<vmem>>
    %dma_wait3A_88 = arith.constant 0 : i32
    %dma_wait3A_89 = arith.constant 0 : i32
    %dma_wait3A_90 = tpu.memref_slice %arg2[%dma_wait3A_88, %dma_wait3A_89] : memref<5120x1024xf32, #tpu.memory_space<hbm>> -> memref<5120x1024xf32, #tpu.memory_space<hbm>>
    tpu.wait_indirect_dma semaphore(%arg12 : memref<!tpu.dma_semaphore, #tpu.memory_space<semaphore_mem>>) src(%dma_wait3A_90 : memref<5120x1024xf32, #tpu.memory_space<hbm>>) dst(%dma_wait3A_85 : memref<16x1024xf32, #tpu.memory_space<vmem>>)
    %dma_wait3A_91 = arith.constant 0 : i32
    %dma_wait3A_92 = arith.constant 0 : i32
    %dma_wait3A_93 = arith.constant 0 : i32
    %dma_wait3A_94 = tpu.memref_slice %arg11[%dma_wait3A_91, %dma_wait3A_92, %dma_wait3A_93] : memref<2x16x1024xf32, #tpu.memory_space<vmem>> -> memref<1x16x1024xf32, #tpu.memory_space<vmem>>
    %dma_wait3A_95 = tpu.memref_squeeze %dma_wait3A_94 : memref<1x16x1024xf32, #tpu.memory_space<vmem>> -> memref<16x1024xf32, #tpu.memory_space<vmem>>
    %dma_wait3A_96 = arith.constant 0 : i32
    %dma_wait3A_97 = tpu.memref_slice %arg3[%add3A_23, %dma_wait3A_96] : memref<2048x1024xf32, #tpu.memory_space<hbm>> -> memref<16x1024xf32, #tpu.memory_space<hbm>>
    %dma_wait3A_98 = arith.constant 0 : i32
    %dma_wait3A_99 = arith.constant 0 : i32
    %dma_wait3A_100 = tpu.memref_slice %arg11[%dma_wait3A_91, %dma_wait3A_98, %dma_wait3A_99] : memref<2x16x1024xf32, #tpu.memory_space<vmem>> -> memref<1x16x1024xf32, #tpu.memory_space<vmem>>
    %dma_wait3A_101 = tpu.memref_squeeze %dma_wait3A_100 : memref<1x16x1024xf32, #tpu.memory_space<vmem>> -> memref<16x1024xf32, #tpu.memory_space<vmem>>
    %dma_wait3A_102 = arith.constant 0 : i32
    %dma_wait3A_103 = tpu.memref_slice %arg3[%add3A_23, %dma_wait3A_102] : memref<2048x1024xf32, #tpu.memory_space<hbm>> -> memref<16x1024xf32, #tpu.memory_space<hbm>>
    tpu.wait_dma2 semaphore(%arg12 : memref<!tpu.dma_semaphore, #tpu.memory_space<semaphore_mem>>) src(%dma_wait3A_103 : memref<16x1024xf32, #tpu.memory_space<hbm>>) dst(%dma_wait3A_101 : memref<16x1024xf32, #tpu.memory_space<vmem>>)
    %scan3A = arith.constant 0 : i32
    %scan3A_104 = arith.constant 0 : i32
    %scan3A_105 = arith.constant 16 : i32
    %scan3A_106 = arith.addi %scan3A_104, %scan3A_105 : i32
    %scan3A_107 = arith.constant 1 : i32
    %scan3A_108 = scf.for %scan3A_412 = %scan3A_104 to %scan3A_106 step %scan3A_107 iter_args(%scan3A_413 = %scan3A) -> (i32)  : i32 {
      %scan3A_414 = arith.constant 0 : i32
      %scan3A_415 = arith.constant 0 : i32
      %scan3A_416 = arith.constant 16 : i32
      %scan3A_417 = arith.addi %scan3A_415, %scan3A_416 : i32
      %scan3A_418 = arith.constant 1 : i32
      %scan3A_419 = scf.for %scan3A_422 = %scan3A_415 to %scan3A_417 step %scan3A_418 iter_args(%scan3A_423 = %scan3A_414) -> (i32)  : i32 {
        %mul3A_424 = arith.constant 64 : i32
        %mul3A_425 = arith.muli %scan3A_422, %mul3A_424 : i32
        %add3A_426 = arith.constant 0 : i32
        %add3A_427 = arith.addi %mul3A_425, %add3A_426 : i32
        %get3A = arith.constant 0 : i32
        %get3A_428 = arith.index_cast %get3A : i32 to index
        %get3A_429 = arith.index_cast %scan3A_412 : i32 to index
        %get3A_430 = arith.index_cast %add3A_427 : i32 to index
        %get3A_431 = tpu.vector_load %arg11[%get3A_428, %get3A_429, %get3A_430] {strides = array<i32>} : memref<2x16x1024xf32, #tpu.memory_space<vmem>>, vector<1x1x16xf32>,
        %get3A_432 = vector.shape_cast %get3A_431 : vector<1x1x16xf32> to vector<16xf32>
        %get3A_433 = arith.constant 0 : i32
        %get3A_434 = arith.index_cast %get3A_433 : i32 to index
        %get3A_435 = arith.index_cast %scan3A_412 : i32 to index
        %get3A_436 = arith.index_cast %add3A_427 : i32 to index
        %get3A_437 = tpu.vector_load %arg9[%get3A_434, %get3A_435, %get3A_436] {strides = array<i32>} : memref<2x16x1024xf32, #tpu.memory_space<vmem>>, vector<1x1x16xf32>,
        %get3A_438 = vector.shape_cast %get3A_437 : vector<1x1x16xf32> to vector<16xf32>
        %add3A_439 = arith.addf %get3A_432, %get3A_438 : vector<16xf32>
        %get3A_440 = arith.constant 0 : i32
        %get3A_441 = arith.index_cast %get3A_440 : i32 to index
        %get3A_442 = arith.index_cast %scan3A_412 : i32 to index
        %get3A_443 = arith.index_cast %add3A_427 : i32 to index
        %get3A_444 = tpu.vector_load %arg10[%get3A_441, %get3A_442, %get3A_443] {strides = array<i32>} : memref<2x16x1024xf32, #tpu.memory_space<vmem>>, vector<1x1x16xf32>,
        %get3A_445 = vector.shape_cast %get3A_444 : vector<1x1x16xf32> to vector<16xf32>
        %add3A_446 = arith.addf %add3A_439, %get3A_445 : vector<16xf32>
        %swap3A = arith.constant 0 : i32
        %swap3A_447 = arith.index_cast %swap3A : i32 to index
        %swap3A_448 = arith.index_cast %scan3A_412 : i32 to index
        %swap3A_449 = arith.index_cast %add3A_427 : i32 to index
        %swap3A_450 = tpu.vector_load %arg11[%swap3A_447, %swap3A_448, %swap3A_449] {strides = array<i32>} : memref<2x16x1024xf32, #tpu.memory_space<vmem>>, vector<1x1x16xf32>,
        %swap3A_451 = vector.shape_cast %swap3A_450 : vector<1x1x16xf32> to vector<16xf32>
        %swap3A_452 = vector.shape_cast %add3A_446 : vector<16xf32> to vector<1x1x16xf32>
        tpu.vector_store %arg11[%swap3A_447, %swap3A_448, %swap3A_449], %swap3A_452 {strides = array<i32>} : memref<2x16x1024xf32, #tpu.memory_space<vmem>>, vector<1x1x16xf32>,
        %mul3A_453 = arith.constant 64 : i32
        %mul3A_454 = arith.muli %scan3A_422, %mul3A_453 : i32
        %add3A_455 = arith.constant 16 : i32
        %add3A_456 = arith.addi %mul3A_454, %add3A_455 : i32
        %get3A_457 = arith.constant 0 : i32
        %get3A_458 = arith.index_cast %get3A_457 : i32 to index
        %get3A_459 = arith.index_cast %scan3A_412 : i32 to index
        %get3A_460 = arith.index_cast %add3A_456 : i32 to index
        %get3A_461 = tpu.vector_load %arg11[%get3A_458, %get3A_459, %get3A_460] {strides = array<i32>} : memref<2x16x1024xf32, #tpu.memory_space<vmem>>, vector<1x1x16xf32>,
        %get3A_462 = vector.shape_cast %get3A_461 : vector<1x1x16xf32> to vector<16xf32>
        %get3A_463 = arith.constant 0 : i32
        %get3A_464 = arith.index_cast %get3A_463 : i32 to index
        %get3A_465 = arith.index_cast %scan3A_412 : i32 to index
        %get3A_466 = arith.index_cast %add3A_456 : i32 to index
        %get3A_467 = tpu.vector_load %arg9[%get3A_464, %get3A_465, %get3A_466] {strides = array<i32>} : memref<2x16x1024xf32, #tpu.memory_space<vmem>>, vector<1x1x16xf32>,
        %get3A_468 = vector.shape_cast %get3A_467 : vector<1x1x16xf32> to vector<16xf32>
        %add3A_469 = arith.addf %get3A_462, %get3A_468 : vector<16xf32>
        %get3A_470 = arith.constant 0 : i32
        %get3A_471 = arith.index_cast %get3A_470 : i32 to index
        %get3A_472 = arith.index_cast %scan3A_412 : i32 to index
        %get3A_473 = arith.index_cast %add3A_456 : i32 to index
        %get3A_474 = tpu.vector_load %arg10[%get3A_471, %get3A_472, %get3A_473] {strides = array<i32>} : memref<2x16x1024xf32, #tpu.memory_space<vmem>>, vector<1x1x16xf32>,
        %get3A_475 = vector.shape_cast %get3A_474 : vector<1x1x16xf32> to vector<16xf32>
        %add3A_476 = arith.addf %add3A_469, %get3A_475 : vector<16xf32>
        %swap3A_477 = arith.constant 0 : i32
        %swap3A_478 = arith.index_cast %swap3A_477 : i32 to index
        %swap3A_479 = arith.index_cast %scan3A_412 : i32 to index
        %swap3A_480 = arith.index_cast %add3A_456 : i32 to index
        %swap3A_481 = tpu.vector_load %arg11[%swap3A_478, %swap3A_479, %swap3A_480] {strides = array<i32>} : memref<2x16x1024xf32, #tpu.memory_space<vmem>>, vector<1x1x16xf32>,
        %swap3A_482 = vector.shape_cast %swap3A_481 : vector<1x1x16xf32> to vector<16xf32>
        %swap3A_483 = vector.shape_cast %add3A_476 : vector<16xf32> to vector<1x1x16xf32>
        tpu.vector_store %arg11[%swap3A_478, %swap3A_479, %swap3A_480], %swap3A_483 {strides = array<i32>} : memref<2x16x1024xf32, #tpu.memory_space<vmem>>, vector<1x1x16xf32>,
        %mul3A_484 = arith.constant 64 : i32
        %mul3A_485 = arith.muli %scan3A_422, %mul3A_484 : i32
        %add3A_486 = arith.constant 32 : i32
        %add3A_487 = arith.addi %mul3A_485, %add3A_486 : i32
        %get3A_488 = arith.constant 0 : i32
        %get3A_489 = arith.index_cast %get3A_488 : i32 to index
        %get3A_490 = arith.index_cast %scan3A_412 : i32 to index
        %get3A_491 = arith.index_cast %add3A_487 : i32 to index
        %get3A_492 = tpu.vector_load %arg11[%get3A_489, %get3A_490, %get3A_491] {strides = array<i32>} : memref<2x16x1024xf32, #tpu.memory_space<vmem>>, vector<1x1x16xf32>,
        %get3A_493 = vector.shape_cast %get3A_492 : vector<1x1x16xf32> to vector<16xf32>
        %get3A_494 = arith.constant 0 : i32
        %get3A_495 = arith.index_cast %get3A_494 : i32 to index
        %get3A_496 = arith.index_cast %scan3A_412 : i32 to index
        %get3A_497 = arith.index_cast %add3A_487 : i32 to index
        %get3A_498 = tpu.vector_load %arg9[%get3A_495, %get3A_496, %get3A_497] {strides = array<i32>} : memref<2x16x1024xf32, #tpu.memory_space<vmem>>, vector<1x1x16xf32>,
        %get3A_499 = vector.shape_cast %get3A_498 : vector<1x1x16xf32> to vector<16xf32>
        %add3A_500 = arith.addf %get3A_493, %get3A_499 : vector<16xf32>
        %get3A_501 = arith.constant 0 : i32
        %get3A_502 = arith.index_cast %get3A_501 : i32 to index
        %get3A_503 = arith.index_cast %scan3A_412 : i32 to index
        %get3A_504 = arith.index_cast %add3A_487 : i32 to index
        %get3A_505 = tpu.vector_load %arg10[%get3A_502, %get3A_503, %get3A_504] {strides = array<i32>} : memref<2x16x1024xf32, #tpu.memory_space<vmem>>, vector<1x1x16xf32>,
        %get3A_506 = vector.shape_cast %get3A_505 : vector<1x1x16xf32> to vector<16xf32>
        %add3A_507 = arith.addf %add3A_500, %get3A_506 : vector<16xf32>
        %swap3A_508 = arith.constant 0 : i32
        %swap3A_509 = arith.index_cast %swap3A_508 : i32 to index
        %swap3A_510 = arith.index_cast %scan3A_412 : i32 to index
        %swap3A_511 = arith.index_cast %add3A_487 : i32 to index
        %swap3A_512 = tpu.vector_load %arg11[%swap3A_509, %swap3A_510, %swap3A_511] {strides = array<i32>} : memref<2x16x1024xf32, #tpu.memory_space<vmem>>, vector<1x1x16xf32>,
        %swap3A_513 = vector.shape_cast %swap3A_512 : vector<1x1x16xf32> to vector<16xf32>
        %swap3A_514 = vector.shape_cast %add3A_507 : vector<16xf32> to vector<1x1x16xf32>
        tpu.vector_store %arg11[%swap3A_509, %swap3A_510, %swap3A_511], %swap3A_514 {strides = array<i32>} : memref<2x16x1024xf32, #tpu.memory_space<vmem>>, vector<1x1x16xf32>,
        %mul3A_515 = arith.constant 64 : i32
        %mul3A_516 = arith.muli %scan3A_422, %mul3A_515 : i32
        %add3A_517 = arith.constant 48 : i32
        %add3A_518 = arith.addi %mul3A_516, %add3A_517 : i32
        %get3A_519 = arith.constant 0 : i32
        %get3A_520 = arith.index_cast %get3A_519 : i32 to index
        %get3A_521 = arith.index_cast %scan3A_412 : i32 to index
        %get3A_522 = arith.index_cast %add3A_518 : i32 to index
        %get3A_523 = tpu.vector_load %arg11[%get3A_520, %get3A_521, %get3A_522] {strides = array<i32>} : memref<2x16x1024xf32, #tpu.memory_space<vmem>>, vector<1x1x16xf32>,
        %get3A_524 = vector.shape_cast %get3A_523 : vector<1x1x16xf32> to vector<16xf32>
        %get3A_525 = arith.constant 0 : i32
        %get3A_526 = arith.index_cast %get3A_525 : i32 to index
        %get3A_527 = arith.index_cast %scan3A_412 : i32 to index
        %get3A_528 = arith.index_cast %add3A_518 : i32 to index
        %get3A_529 = tpu.vector_load %arg9[%get3A_526, %get3A_527, %get3A_528] {strides = array<i32>} : memref<2x16x1024xf32, #tpu.memory_space<vmem>>, vector<1x1x16xf32>,
        %get3A_530 = vector.shape_cast %get3A_529 : vector<1x1x16xf32> to vector<16xf32>
        %add3A_531 = arith.addf %get3A_524, %get3A_530 : vector<16xf32>
        %get3A_532 = arith.constant 0 : i32
        %get3A_533 = arith.index_cast %get3A_532 : i32 to index
        %get3A_534 = arith.index_cast %scan3A_412 : i32 to index
        %get3A_535 = arith.index_cast %add3A_518 : i32 to index
        %get3A_536 = tpu.vector_load %arg10[%get3A_533, %get3A_534, %get3A_535] {strides = array<i32>} : memref<2x16x1024xf32, #tpu.memory_space<vmem>>, vector<1x1x16xf32>,
        %get3A_537 = vector.shape_cast %get3A_536 : vector<1x1x16xf32> to vector<16xf32>
        %add3A_538 = arith.addf %add3A_531, %get3A_537 : vector<16xf32>
        %swap3A_539 = arith.constant 0 : i32
        %swap3A_540 = arith.index_cast %swap3A_539 : i32 to index
        %swap3A_541 = arith.index_cast %scan3A_412 : i32 to index
        %swap3A_542 = arith.index_cast %add3A_518 : i32 to index
        %swap3A_543 = tpu.vector_load %arg11[%swap3A_540, %swap3A_541, %swap3A_542] {strides = array<i32>} : memref<2x16x1024xf32, #tpu.memory_space<vmem>>, vector<1x1x16xf32>,
        %swap3A_544 = vector.shape_cast %swap3A_543 : vector<1x1x16xf32> to vector<16xf32>
        %swap3A_545 = vector.shape_cast %add3A_538 : vector<16xf32> to vector<1x1x16xf32>
        tpu.vector_store %arg11[%swap3A_540, %swap3A_541, %swap3A_542], %swap3A_545 {strides = array<i32>} : memref<2x16x1024xf32, #tpu.memory_space<vmem>>, vector<1x1x16xf32>,
        %scan3A_546 = arith.constant 0 : i32
        scf.yield %scan3A_546 : i32
      }
      %scan3A_420 = arith.constant 16 : i32
      %scan3A_421 = arith.constant 0 : i32
      scf.yield %scan3A_421 : i32
    }
    %scan3A_109 = arith.constant 16 : i32
    %add3A_110 = arith.constant 0 : i32
    %add3A_111 = arith.addi %mul3A_2, %add3A_110 : i32
    %dma_start3A_112 = arith.constant 0 : i32
    %dma_start3A_113 = arith.constant 0 : i32
    %dma_start3A_114 = arith.constant 0 : i32
    %dma_start3A_115 = tpu.memref_slice %arg11[%dma_start3A_112, %dma_start3A_113, %dma_start3A_114] : memref<2x16x1024xf32, #tpu.memory_space<vmem>> -> memref<1x16x1024xf32, #tpu.memory_space<vmem>>
    %dma_start3A_116 = tpu.memref_squeeze %dma_start3A_115 : memref<1x16x1024xf32, #tpu.memory_space<vmem>> -> memref<16x1024xf32, #tpu.memory_space<vmem>>
    %dma_start3A_117 = arith.constant 0 : i32
    %dma_start3A_118 = tpu.memref_slice %arg6[%add3A_111, %dma_start3A_117] : memref<2048x1024xf32, #tpu.memory_space<hbm>> -> memref<16x1024xf32, #tpu.memory_space<hbm>>
    %dma_start3A_119 = arith.constant 0 : i32
    %dma_start3A_120 = tpu.memref_slice %arg6[%add3A_111, %dma_start3A_119] : memref<2048x1024xf32, #tpu.memory_space<hbm>> -> memref<16x1024xf32, #tpu.memory_space<hbm>>
    %dma_start3A_121 = arith.constant 0 : i32
    %dma_start3A_122 = arith.constant 0 : i32
    %dma_start3A_123 = tpu.memref_slice %arg11[%dma_start3A_112, %dma_start3A_121, %dma_start3A_122] : memref<2x16x1024xf32, #tpu.memory_space<vmem>> -> memref<1x16x1024xf32, #tpu.memory_space<vmem>>
    %dma_start3A_124 = tpu.memref_squeeze %dma_start3A_123 : memref<1x16x1024xf32, #tpu.memory_space<vmem>> -> memref<16x1024xf32, #tpu.memory_space<vmem>>
    tpu.enqueue_dma source(%dma_start3A_124 : memref<16x1024xf32, #tpu.memory_space<vmem>>) target(%dma_start3A_120 : memref<16x1024xf32, #tpu.memory_space<hbm>>) target_semaphore(%arg14 : memref<!tpu.dma_semaphore, #tpu.memory_space<semaphore_mem>>)
    %dma_wait3A_125 = arith.constant 0 : i32
    %dma_wait3A_126 = arith.constant 0 : i32
    %dma_wait3A_127 = arith.constant 0 : i32
    %dma_wait3A_128 = tpu.memref_slice %arg11[%dma_wait3A_125, %dma_wait3A_126, %dma_wait3A_127] : memref<2x16x1024xf32, #tpu.memory_space<vmem>> -> memref<1x16x1024xf32, #tpu.memory_space<vmem>>
    %dma_wait3A_129 = tpu.memref_squeeze %dma_wait3A_128 : memref<1x16x1024xf32, #tpu.memory_space<vmem>> -> memref<16x1024xf32, #tpu.memory_space<vmem>>
    %dma_wait3A_130 = arith.constant 0 : i32
    %dma_wait3A_131 = tpu.memref_slice %arg6[%add3A_111, %dma_wait3A_130] : memref<2048x1024xf32, #tpu.memory_space<hbm>> -> memref<16x1024xf32, #tpu.memory_space<hbm>>
    %dma_wait3A_132 = arith.constant 0 : i32
    %dma_wait3A_133 = tpu.memref_slice %arg6[%add3A_111, %dma_wait3A_132] : memref<2048x1024xf32, #tpu.memory_space<hbm>> -> memref<16x1024xf32, #tpu.memory_space<hbm>>
    %dma_wait3A_134 = arith.constant 0 : i32
    %dma_wait3A_135 = arith.constant 0 : i32
    %dma_wait3A_136 = tpu.memref_slice %arg11[%dma_wait3A_125, %dma_wait3A_134, %dma_wait3A_135] : memref<2x16x1024xf32, #tpu.memory_space<vmem>> -> memref<1x16x1024xf32, #tpu.memory_space<vmem>>
    %dma_wait3A_137 = tpu.memref_squeeze %dma_wait3A_136 : memref<1x16x1024xf32, #tpu.memory_space<vmem>> -> memref<16x1024xf32, #tpu.memory_space<vmem>>
    tpu.wait_dma2 semaphore(%arg14 : memref<!tpu.dma_semaphore, #tpu.memory_space<semaphore_mem>>) src(%dma_wait3A_137 : memref<16x1024xf32, #tpu.memory_space<vmem>>) dst(%dma_wait3A_133 : memref<16x1024xf32, #tpu.memory_space<hbm>>)
    %dma_start3A_138 = arith.constant 0 : i32
    %dma_start3A_139 = arith.constant 0 : i32
    %dma_start3A_140 = arith.constant 0 : i32
    %dma_start3A_141 = tpu.memref_slice %arg9[%dma_start3A_138, %dma_start3A_139, %dma_start3A_140] : memref<2x16x1024xf32, #tpu.memory_space<vmem>> -> memref<1x16x1024xf32, #tpu.memory_space<vmem>>
    %dma_start3A_142 = tpu.memref_squeeze %dma_start3A_141 : memref<1x16x1024xf32, #tpu.memory_space<vmem>> -> memref<16x1024xf32, #tpu.memory_space<vmem>>
    %dma_start3A_143 = arith.constant 32 : i32
    %dma_start3A_144 = tpu.memref_slice %arg7[%dma_start3A_143] : memref<64xi32, #tpu.memory_space<vmem>> -> memref<16xi32, #tpu.memory_space<vmem>>
    %dma_start3A_145 = arith.constant 0 : i32
    %dma_start3A_146 = arith.constant 0 : i32
    %dma_start3A_147 = tpu.memref_slice %arg2[%dma_start3A_145, %dma_start3A_146] : memref<5120x1024xf32, #tpu.memory_space<hbm>> -> memref<5120x1024xf32, #tpu.memory_space<hbm>>
    tpu.enqueue_indirect_dma source(%dma_start3A_147 : memref<5120x1024xf32, #tpu.memory_space<hbm>>) target(%dma_start3A_142 : memref<16x1024xf32, #tpu.memory_space<vmem>>) offsets(%dma_start3A_144 : memref<16xi32, #tpu.memory_space<vmem>>) semaphore(%arg12 : memref<!tpu.dma_semaphore, #tpu.memory_space<semaphore_mem>>)
    %dma_start3A_148 = arith.constant 0 : i32
    %dma_start3A_149 = arith.constant 0 : i32
    %dma_start3A_150 = arith.constant 0 : i32
    %dma_start3A_151 = tpu.memref_slice %arg10[%dma_start3A_148, %dma_start3A_149, %dma_start3A_150] : memref<2x16x1024xf32, #tpu.memory_space<vmem>> -> memref<1x16x1024xf32, #tpu.memory_space<vmem>>
    %dma_start3A_152 = tpu.memref_squeeze %dma_start3A_151 : memref<1x16x1024xf32, #tpu.memory_space<vmem>> -> memref<16x1024xf32, #tpu.memory_space<vmem>>
    %dma_start3A_153 = arith.constant 32 : i32
    %dma_start3A_154 = tpu.memref_slice %arg8[%dma_start3A_153] : memref<64xi32, #tpu.memory_space<vmem>> -> memref<16xi32, #tpu.memory_space<vmem>>
    %dma_start3A_155 = arith.constant 0 : i32
    %dma_start3A_156 = arith.constant 0 : i32
    %dma_start3A_157 = tpu.memref_slice %arg2[%dma_start3A_155, %dma_start3A_156] : memref<5120x1024xf32, #tpu.memory_space<hbm>> -> memref<5120x1024xf32, #tpu.memory_space<hbm>>
    tpu.enqueue_indirect_dma source(%dma_start3A_157 : memref<5120x1024xf32, #tpu.memory_space<hbm>>) target(%dma_start3A_152 : memref<16x1024xf32, #tpu.memory_space<vmem>>) offsets(%dma_start3A_154 : memref<16xi32, #tpu.memory_space<vmem>>) semaphore(%arg12 : memref<!tpu.dma_semaphore, #tpu.memory_space<semaphore_mem>>)
    %add3A_158 = arith.constant 32 : i32
    %add3A_159 = arith.addi %mul3A_2, %add3A_158 : i32
    %dma_start3A_160 = arith.constant 0 : i32
    %dma_start3A_161 = arith.constant 0 : i32
    %dma_start3A_162 = arith.constant 0 : i32
    %dma_start3A_163 = tpu.memref_slice %arg11[%dma_start3A_160, %dma_start3A_161, %dma_start3A_162] : memref<2x16x1024xf32, #tpu.memory_space<vmem>> -> memref<1x16x1024xf32, #tpu.memory_space<vmem>>
    %dma_start3A_164 = tpu.memref_squeeze %dma_start3A_163 : memref<1x16x1024xf32, #tpu.memory_space<vmem>> -> memref<16x1024xf32, #tpu.memory_space<vmem>>
    %dma_start3A_165 = arith.constant 0 : i32
    %dma_start3A_166 = tpu.memref_slice %arg3[%add3A_159, %dma_start3A_165] : memref<2048x1024xf32, #tpu.memory_space<hbm>> -> memref<16x1024xf32, #tpu.memory_space<hbm>>
    %dma_start3A_167 = arith.constant 0 : i32
    %dma_start3A_168 = arith.constant 0 : i32
    %dma_start3A_169 = tpu.memref_slice %arg11[%dma_start3A_160, %dma_start3A_167, %dma_start3A_168] : memref<2x16x1024xf32, #tpu.memory_space<vmem>> -> memref<1x16x1024xf32, #tpu.memory_space<vmem>>
    %dma_start3A_170 = tpu.memref_squeeze %dma_start3A_169 : memref<1x16x1024xf32, #tpu.memory_space<vmem>> -> memref<16x1024xf32, #tpu.memory_space<vmem>>
    %dma_start3A_171 = arith.constant 0 : i32
    %dma_start3A_172 = tpu.memref_slice %arg3[%add3A_159, %dma_start3A_171] : memref<2048x1024xf32, #tpu.memory_space<hbm>> -> memref<16x1024xf32, #tpu.memory_space<hbm>>
    tpu.enqueue_dma source(%dma_start3A_172 : memref<16x1024xf32, #tpu.memory_space<hbm>>) target(%dma_start3A_170 : memref<16x1024xf32, #tpu.memory_space<vmem>>) target_semaphore(%arg12 : memref<!tpu.dma_semaphore, #tpu.memory_space<semaphore_mem>>)
    %dma_wait3A_173 = arith.constant 1 : i32
    %dma_wait3A_174 = arith.constant 0 : i32
    %dma_wait3A_175 = arith.constant 0 : i32
    %dma_wait3A_176 = tpu.memref_slice %arg9[%dma_wait3A_173, %dma_wait3A_174, %dma_wait3A_175] : memref<2x16x1024xf32, #tpu.memory_space<vmem>> -> memref<1x16x1024xf32, #tpu.memory_space<vmem>>
    %dma_wait3A_177 = tpu.memref_squeeze %dma_wait3A_176 : memref<1x16x1024xf32, #tpu.memory_space<vmem>> -> memref<16x1024xf32, #tpu.memory_space<vmem>>
    %dma_wait3A_178 = arith.constant 16 : i32
    %dma_wait3A_179 = tpu.memref_slice %arg7[%dma_wait3A_178] : memref<64xi32, #tpu.memory_space<vmem>> -> memref<16xi32, #tpu.memory_space<vmem>>
    %dma_wait3A_180 = arith.constant 0 : i32
    %dma_wait3A_181 = arith.constant 0 : i32
    %dma_wait3A_182 = tpu.memref_slice %arg2[%dma_wait3A_180, %dma_wait3A_181] : memref<5120x1024xf32, #tpu.memory_space<hbm>> -> memref<5120x1024xf32, #tpu.memory_space<hbm>>
    tpu.wait_indirect_dma semaphore(%arg13 : memref<!tpu.dma_semaphore, #tpu.memory_space<semaphore_mem>>) src(%dma_wait3A_182 : memref<5120x1024xf32, #tpu.memory_space<hbm>>) dst(%dma_wait3A_177 : memref<16x1024xf32, #tpu.memory_space<vmem>>)
    %dma_wait3A_183 = arith.constant 1 : i32
    %dma_wait3A_184 = arith.constant 0 : i32
    %dma_wait3A_185 = arith.constant 0 : i32
    %dma_wait3A_186 = tpu.memref_slice %arg10[%dma_wait3A_183, %dma_wait3A_184, %dma_wait3A_185] : memref<2x16x1024xf32, #tpu.memory_space<vmem>> -> memref<1x16x1024xf32, #tpu.memory_space<vmem>>
    %dma_wait3A_187 = tpu.memref_squeeze %dma_wait3A_186 : memref<1x16x1024xf32, #tpu.memory_space<vmem>> -> memref<16x1024xf32, #tpu.memory_space<vmem>>
    %dma_wait3A_188 = arith.constant 16 : i32
    %dma_wait3A_189 = tpu.memref_slice %arg8[%dma_wait3A_188] : memref<64xi32, #tpu.memory_space<vmem>> -> memref<16xi32, #tpu.memory_space<vmem>>
    %dma_wait3A_190 = arith.constant 0 : i32
    %dma_wait3A_191 = arith.constant 0 : i32
    %dma_wait3A_192 = tpu.memref_slice %arg2[%dma_wait3A_190, %dma_wait3A_191] : memref<5120x1024xf32, #tpu.memory_space<hbm>> -> memref<5120x1024xf32, #tpu.memory_space<hbm>>
    tpu.wait_indirect_dma semaphore(%arg13 : memref<!tpu.dma_semaphore, #tpu.memory_space<semaphore_mem>>) src(%dma_wait3A_192 : memref<5120x1024xf32, #tpu.memory_space<hbm>>) dst(%dma_wait3A_187 : memref<16x1024xf32, #tpu.memory_space<vmem>>)
    %dma_wait3A_193 = arith.constant 1 : i32
    %dma_wait3A_194 = arith.constant 0 : i32
    %dma_wait3A_195 = arith.constant 0 : i32
    %dma_wait3A_196 = tpu.memref_slice %arg11[%dma_wait3A_193, %dma_wait3A_194, %dma_wait3A_195] : memref<2x16x1024xf32, #tpu.memory_space<vmem>> -> memref<1x16x1024xf32, #tpu.memory_space<vmem>>
    %dma_wait3A_197 = tpu.memref_squeeze %dma_wait3A_196 : memref<1x16x1024xf32, #tpu.memory_space<vmem>> -> memref<16x1024xf32, #tpu.memory_space<vmem>>
    %dma_wait3A_198 = arith.constant 0 : i32
    %dma_wait3A_199 = tpu.memref_slice %arg3[%add3A_58, %dma_wait3A_198] : memref<2048x1024xf32, #tpu.memory_space<hbm>> -> memref<16x1024xf32, #tpu.memory_space<hbm>>
    %dma_wait3A_200 = arith.constant 0 : i32
    %dma_wait3A_201 = arith.constant 0 : i32
    %dma_wait3A_202 = tpu.memref_slice %arg11[%dma_wait3A_193, %dma_wait3A_200, %dma_wait3A_201] : memref<2x16x1024xf32, #tpu.memory_space<vmem>> -> memref<1x16x1024xf32, #tpu.memory_space<vmem>>
    %dma_wait3A_203 = tpu.memref_squeeze %dma_wait3A_202 : memref<1x16x1024xf32, #tpu.memory_space<vmem>> -> memref<16x1024xf32, #tpu.memory_space<vmem>>
    %dma_wait3A_204 = arith.constant 0 : i32
    %dma_wait3A_205 = tpu.memref_slice %arg3[%add3A_58, %dma_wait3A_204] : memref<2048x1024xf32, #tpu.memory_space<hbm>> -> memref<16x1024xf32, #tpu.memory_space<hbm>>
    tpu.wait_dma2 semaphore(%arg13 : memref<!tpu.dma_semaphore, #tpu.memory_space<semaphore_mem>>) src(%dma_wait3A_205 : memref<16x1024xf32, #tpu.memory_space<hbm>>) dst(%dma_wait3A_203 : memref<16x1024xf32, #tpu.memory_space<vmem>>)
    %scan3A_206 = arith.constant 0 : i32
    %scan3A_207 = arith.constant 0 : i32
    %scan3A_208 = arith.constant 16 : i32
    %scan3A_209 = arith.addi %scan3A_207, %scan3A_208 : i32
    %scan3A_210 = arith.constant 1 : i32
    %scan3A_211 = scf.for %scan3A_412 = %scan3A_207 to %scan3A_209 step %scan3A_210 iter_args(%scan3A_413 = %scan3A_206) -> (i32)  : i32 {
      %scan3A_414 = arith.constant 0 : i32
      %scan3A_415 = arith.constant 0 : i32
      %scan3A_416 = arith.constant 16 : i32
      %scan3A_417 = arith.addi %scan3A_415, %scan3A_416 : i32
      %scan3A_418 = arith.constant 1 : i32
      %scan3A_419 = scf.for %scan3A_422 = %scan3A_415 to %scan3A_417 step %scan3A_418 iter_args(%scan3A_423 = %scan3A_414) -> (i32)  : i32 {
        %mul3A_424 = arith.constant 64 : i32
        %mul3A_425 = arith.muli %scan3A_422, %mul3A_424 : i32
        %add3A_426 = arith.constant 0 : i32
        %add3A_427 = arith.addi %mul3A_425, %add3A_426 : i32
        %get3A = arith.constant 1 : i32
        %get3A_428 = arith.index_cast %get3A : i32 to index
        %get3A_429 = arith.index_cast %scan3A_412 : i32 to index
        %get3A_430 = arith.index_cast %add3A_427 : i32 to index
        %get3A_431 = tpu.vector_load %arg11[%get3A_428, %get3A_429, %get3A_430] {strides = array<i32>} : memref<2x16x1024xf32, #tpu.memory_space<vmem>>, vector<1x1x16xf32>,
        %get3A_432 = vector.shape_cast %get3A_431 : vector<1x1x16xf32> to vector<16xf32>
        %get3A_433 = arith.constant 1 : i32
        %get3A_434 = arith.index_cast %get3A_433 : i32 to index
        %get3A_435 = arith.index_cast %scan3A_412 : i32 to index
        %get3A_436 = arith.index_cast %add3A_427 : i32 to index
        %get3A_437 = tpu.vector_load %arg9[%get3A_434, %get3A_435, %get3A_436] {strides = array<i32>} : memref<2x16x1024xf32, #tpu.memory_space<vmem>>, vector<1x1x16xf32>,
        %get3A_438 = vector.shape_cast %get3A_437 : vector<1x1x16xf32> to vector<16xf32>
        %add3A_439 = arith.addf %get3A_432, %get3A_438 : vector<16xf32>
        %get3A_440 = arith.constant 1 : i32
        %get3A_441 = arith.index_cast %get3A_440 : i32 to index
        %get3A_442 = arith.index_cast %scan3A_412 : i32 to index
        %get3A_443 = arith.index_cast %add3A_427 : i32 to index
        %get3A_444 = tpu.vector_load %arg10[%get3A_441, %get3A_442, %get3A_443] {strides = array<i32>} : memref<2x16x1024xf32, #tpu.memory_space<vmem>>, vector<1x1x16xf32>,
        %get3A_445 = vector.shape_cast %get3A_444 : vector<1x1x16xf32> to vector<16xf32>
        %add3A_446 = arith.addf %add3A_439, %get3A_445 : vector<16xf32>
        %swap3A = arith.constant 1 : i32
        %swap3A_447 = arith.index_cast %swap3A : i32 to index
        %swap3A_448 = arith.index_cast %scan3A_412 : i32 to index
        %swap3A_449 = arith.index_cast %add3A_427 : i32 to index
        %swap3A_450 = tpu.vector_load %arg11[%swap3A_447, %swap3A_448, %swap3A_449] {strides = array<i32>} : memref<2x16x1024xf32, #tpu.memory_space<vmem>>, vector<1x1x16xf32>,
        %swap3A_451 = vector.shape_cast %swap3A_450 : vector<1x1x16xf32> to vector<16xf32>
        %swap3A_452 = vector.shape_cast %add3A_446 : vector<16xf32> to vector<1x1x16xf32>
        tpu.vector_store %arg11[%swap3A_447, %swap3A_448, %swap3A_449], %swap3A_452 {strides = array<i32>} : memref<2x16x1024xf32, #tpu.memory_space<vmem>>, vector<1x1x16xf32>,
        %mul3A_453 = arith.constant 64 : i32
        %mul3A_454 = arith.muli %scan3A_422, %mul3A_453 : i32
        %add3A_455 = arith.constant 16 : i32
        %add3A_456 = arith.addi %mul3A_454, %add3A_455 : i32
        %get3A_457 = arith.constant 1 : i32
        %get3A_458 = arith.index_cast %get3A_457 : i32 to index
        %get3A_459 = arith.index_cast %scan3A_412 : i32 to index
        %get3A_460 = arith.index_cast %add3A_456 : i32 to index
        %get3A_461 = tpu.vector_load %arg11[%get3A_458, %get3A_459, %get3A_460] {strides = array<i32>} : memref<2x16x1024xf32, #tpu.memory_space<vmem>>, vector<1x1x16xf32>,
        %get3A_462 = vector.shape_cast %get3A_461 : vector<1x1x16xf32> to vector<16xf32>
        %get3A_463 = arith.constant 1 : i32
        %get3A_464 = arith.index_cast %get3A_463 : i32 to index
        %get3A_465 = arith.index_cast %scan3A_412 : i32 to index
        %get3A_466 = arith.index_cast %add3A_456 : i32 to index
        %get3A_467 = tpu.vector_load %arg9[%get3A_464, %get3A_465, %get3A_466] {strides = array<i32>} : memref<2x16x1024xf32, #tpu.memory_space<vmem>>, vector<1x1x16xf32>,
        %get3A_468 = vector.shape_cast %get3A_467 : vector<1x1x16xf32> to vector<16xf32>
        %add3A_469 = arith.addf %get3A_462, %get3A_468 : vector<16xf32>
        %get3A_470 = arith.constant 1 : i32
        %get3A_471 = arith.index_cast %get3A_470 : i32 to index
        %get3A_472 = arith.index_cast %scan3A_412 : i32 to index
        %get3A_473 = arith.index_cast %add3A_456 : i32 to index
        %get3A_474 = tpu.vector_load %arg10[%get3A_471, %get3A_472, %get3A_473] {strides = array<i32>} : memref<2x16x1024xf32, #tpu.memory_space<vmem>>, vector<1x1x16xf32>,
        %get3A_475 = vector.shape_cast %get3A_474 : vector<1x1x16xf32> to vector<16xf32>
        %add3A_476 = arith.addf %add3A_469, %get3A_475 : vector<16xf32>
        %swap3A_477 = arith.constant 1 : i32
        %swap3A_478 = arith.index_cast %swap3A_477 : i32 to index
        %swap3A_479 = arith.index_cast %scan3A_412 : i32 to index
        %swap3A_480 = arith.index_cast %add3A_456 : i32 to index
        %swap3A_481 = tpu.vector_load %arg11[%swap3A_478, %swap3A_479, %swap3A_480] {strides = array<i32>} : memref<2x16x1024xf32, #tpu.memory_space<vmem>>, vector<1x1x16xf32>,
        %swap3A_482 = vector.shape_cast %swap3A_481 : vector<1x1x16xf32> to vector<16xf32>
        %swap3A_483 = vector.shape_cast %add3A_476 : vector<16xf32> to vector<1x1x16xf32>
        tpu.vector_store %arg11[%swap3A_478, %swap3A_479, %swap3A_480], %swap3A_483 {strides = array<i32>} : memref<2x16x1024xf32, #tpu.memory_space<vmem>>, vector<1x1x16xf32>,
        %mul3A_484 = arith.constant 64 : i32
        %mul3A_485 = arith.muli %scan3A_422, %mul3A_484 : i32
        %add3A_486 = arith.constant 32 : i32
        %add3A_487 = arith.addi %mul3A_485, %add3A_486 : i32
        %get3A_488 = arith.constant 1 : i32
        %get3A_489 = arith.index_cast %get3A_488 : i32 to index
        %get3A_490 = arith.index_cast %scan3A_412 : i32 to index
        %get3A_491 = arith.index_cast %add3A_487 : i32 to index
        %get3A_492 = tpu.vector_load %arg11[%get3A_489, %get3A_490, %get3A_491] {strides = array<i32>} : memref<2x16x1024xf32, #tpu.memory_space<vmem>>, vector<1x1x16xf32>,
        %get3A_493 = vector.shape_cast %get3A_492 : vector<1x1x16xf32> to vector<16xf32>
        %get3A_494 = arith.constant 1 : i32
        %get3A_495 = arith.index_cast %get3A_494 : i32 to index
        %get3A_496 = arith.index_cast %scan3A_412 : i32 to index
        %get3A_497 = arith.index_cast %add3A_487 : i32 to index
        %get3A_498 = tpu.vector_load %arg9[%get3A_495, %get3A_496, %get3A_497] {strides = array<i32>} : memref<2x16x1024xf32, #tpu.memory_space<vmem>>, vector<1x1x16xf32>,
        %get3A_499 = vector.shape_cast %get3A_498 : vector<1x1x16xf32> to vector<16xf32>
        %add3A_500 = arith.addf %get3A_493, %get3A_499 : vector<16xf32>
        %get3A_501 = arith.constant 1 : i32
        %get3A_502 = arith.index_cast %get3A_501 : i32 to index
        %get3A_503 = arith.index_cast %scan3A_412 : i32 to index
        %get3A_504 = arith.index_cast %add3A_487 : i32 to index
        %get3A_505 = tpu.vector_load %arg10[%get3A_502, %get3A_503, %get3A_504] {strides = array<i32>} : memref<2x16x1024xf32, #tpu.memory_space<vmem>>, vector<1x1x16xf32>,
        %get3A_506 = vector.shape_cast %get3A_505 : vector<1x1x16xf32> to vector<16xf32>
        %add3A_507 = arith.addf %add3A_500, %get3A_506 : vector<16xf32>
        %swap3A_508 = arith.constant 1 : i32
        %swap3A_509 = arith.index_cast %swap3A_508 : i32 to index
        %swap3A_510 = arith.index_cast %scan3A_412 : i32 to index
        %swap3A_511 = arith.index_cast %add3A_487 : i32 to index
        %swap3A_512 = tpu.vector_load %arg11[%swap3A_509, %swap3A_510, %swap3A_511] {strides = array<i32>} : memref<2x16x1024xf32, #tpu.memory_space<vmem>>, vector<1x1x16xf32>,
        %swap3A_513 = vector.shape_cast %swap3A_512 : vector<1x1x16xf32> to vector<16xf32>
        %swap3A_514 = vector.shape_cast %add3A_507 : vector<16xf32> to vector<1x1x16xf32>
        tpu.vector_store %arg11[%swap3A_509, %swap3A_510, %swap3A_511], %swap3A_514 {strides = array<i32>} : memref<2x16x1024xf32, #tpu.memory_space<vmem>>, vector<1x1x16xf32>,
        %mul3A_515 = arith.constant 64 : i32
        %mul3A_516 = arith.muli %scan3A_422, %mul3A_515 : i32
        %add3A_517 = arith.constant 48 : i32
        %add3A_518 = arith.addi %mul3A_516, %add3A_517 : i32
        %get3A_519 = arith.constant 1 : i32
        %get3A_520 = arith.index_cast %get3A_519 : i32 to index
        %get3A_521 = arith.index_cast %scan3A_412 : i32 to index
        %get3A_522 = arith.index_cast %add3A_518 : i32 to index
        %get3A_523 = tpu.vector_load %arg11[%get3A_520, %get3A_521, %get3A_522] {strides = array<i32>} : memref<2x16x1024xf32, #tpu.memory_space<vmem>>, vector<1x1x16xf32>,
        %get3A_524 = vector.shape_cast %get3A_523 : vector<1x1x16xf32> to vector<16xf32>
        %get3A_525 = arith.constant 1 : i32
        %get3A_526 = arith.index_cast %get3A_525 : i32 to index
        %get3A_527 = arith.index_cast %scan3A_412 : i32 to index
        %get3A_528 = arith.index_cast %add3A_518 : i32 to index
        %get3A_529 = tpu.vector_load %arg9[%get3A_526, %get3A_527, %get3A_528] {strides = array<i32>} : memref<2x16x1024xf32, #tpu.memory_space<vmem>>, vector<1x1x16xf32>,
        %get3A_530 = vector.shape_cast %get3A_529 : vector<1x1x16xf32> to vector<16xf32>
        %add3A_531 = arith.addf %get3A_524, %get3A_530 : vector<16xf32>
        %get3A_532 = arith.constant 1 : i32
        %get3A_533 = arith.index_cast %get3A_532 : i32 to index
        %get3A_534 = arith.index_cast %scan3A_412 : i32 to index
        %get3A_535 = arith.index_cast %add3A_518 : i32 to index
        %get3A_536 = tpu.vector_load %arg10[%get3A_533, %get3A_534, %get3A_535] {strides = array<i32>} : memref<2x16x1024xf32, #tpu.memory_space<vmem>>, vector<1x1x16xf32>,
        %get3A_537 = vector.shape_cast %get3A_536 : vector<1x1x16xf32> to vector<16xf32>
        %add3A_538 = arith.addf %add3A_531, %get3A_537 : vector<16xf32>
        %swap3A_539 = arith.constant 1 : i32
        %swap3A_540 = arith.index_cast %swap3A_539 : i32 to index
        %swap3A_541 = arith.index_cast %scan3A_412 : i32 to index
        %swap3A_542 = arith.index_cast %add3A_518 : i32 to index
        %swap3A_543 = tpu.vector_load %arg11[%swap3A_540, %swap3A_541, %swap3A_542] {strides = array<i32>} : memref<2x16x1024xf32, #tpu.memory_space<vmem>>, vector<1x1x16xf32>,
        %swap3A_544 = vector.shape_cast %swap3A_543 : vector<1x1x16xf32> to vector<16xf32>
        %swap3A_545 = vector.shape_cast %add3A_538 : vector<16xf32> to vector<1x1x16xf32>
        tpu.vector_store %arg11[%swap3A_540, %swap3A_541, %swap3A_542], %swap3A_545 {strides = array<i32>} : memref<2x16x1024xf32, #tpu.memory_space<vmem>>, vector<1x1x16xf32>,
        %scan3A_546 = arith.constant 0 : i32
        scf.yield %scan3A_546 : i32
      }
      %scan3A_420 = arith.constant 16 : i32
      %scan3A_421 = arith.constant 0 : i32
      scf.yield %scan3A_421 : i32
    }
    %scan3A_212 = arith.constant 16 : i32
    %add3A_213 = arith.constant 16 : i32
    %add3A_214 = arith.addi %mul3A_2, %add3A_213 : i32
    %dma_start3A_215 = arith.constant 1 : i32
    %dma_start3A_216 = arith.constant 0 : i32
    %dma_start3A_217 = arith.constant 0 : i32
    %dma_start3A_218 = tpu.memref_slice %arg11[%dma_start3A_215, %dma_start3A_216, %dma_start3A_217] : memref<2x16x1024xf32, #tpu.memory_space<vmem>> -> memref<1x16x1024xf32, #tpu.memory_space<vmem>>
    %dma_start3A_219 = tpu.memref_squeeze %dma_start3A_218 : memref<1x16x1024xf32, #tpu.memory_space<vmem>> -> memref<16x1024xf32, #tpu.memory_space<vmem>>
    %dma_start3A_220 = arith.constant 0 : i32
    %dma_start3A_221 = tpu.memref_slice %arg6[%add3A_214, %dma_start3A_220] : memref<2048x1024xf32, #tpu.memory_space<hbm>> -> memref<16x1024xf32, #tpu.memory_space<hbm>>
    %dma_start3A_222 = arith.constant 0 : i32
    %dma_start3A_223 = tpu.memref_slice %arg6[%add3A_214, %dma_start3A_222] : memref<2048x1024xf32, #tpu.memory_space<hbm>> -> memref<16x1024xf32, #tpu.memory_space<hbm>>
    %dma_start3A_224 = arith.constant 0 : i32
    %dma_start3A_225 = arith.constant 0 : i32
    %dma_start3A_226 = tpu.memref_slice %arg11[%dma_start3A_215, %dma_start3A_224, %dma_start3A_225] : memref<2x16x1024xf32, #tpu.memory_space<vmem>> -> memref<1x16x1024xf32, #tpu.memory_space<vmem>>
    %dma_start3A_227 = tpu.memref_squeeze %dma_start3A_226 : memref<1x16x1024xf32, #tpu.memory_space<vmem>> -> memref<16x1024xf32, #tpu.memory_space<vmem>>
    tpu.enqueue_dma source(%dma_start3A_227 : memref<16x1024xf32, #tpu.memory_space<vmem>>) target(%dma_start3A_223 : memref<16x1024xf32, #tpu.memory_space<hbm>>) target_semaphore(%arg15 : memref<!tpu.dma_semaphore, #tpu.memory_space<semaphore_mem>>)
    %dma_wait3A_228 = arith.constant 1 : i32
    %dma_wait3A_229 = arith.constant 0 : i32
    %dma_wait3A_230 = arith.constant 0 : i32
    %dma_wait3A_231 = tpu.memref_slice %arg11[%dma_wait3A_228, %dma_wait3A_229, %dma_wait3A_230] : memref<2x16x1024xf32, #tpu.memory_space<vmem>> -> memref<1x16x1024xf32, #tpu.memory_space<vmem>>
    %dma_wait3A_232 = tpu.memref_squeeze %dma_wait3A_231 : memref<1x16x1024xf32, #tpu.memory_space<vmem>> -> memref<16x1024xf32, #tpu.memory_space<vmem>>
    %dma_wait3A_233 = arith.constant 0 : i32
    %dma_wait3A_234 = tpu.memref_slice %arg6[%add3A_214, %dma_wait3A_233] : memref<2048x1024xf32, #tpu.memory_space<hbm>> -> memref<16x1024xf32, #tpu.memory_space<hbm>>
    %dma_wait3A_235 = arith.constant 0 : i32
    %dma_wait3A_236 = tpu.memref_slice %arg6[%add3A_214, %dma_wait3A_235] : memref<2048x1024xf32, #tpu.memory_space<hbm>> -> memref<16x1024xf32, #tpu.memory_space<hbm>>
    %dma_wait3A_237 = arith.constant 0 : i32
    %dma_wait3A_238 = arith.constant 0 : i32
    %dma_wait3A_239 = tpu.memref_slice %arg11[%dma_wait3A_228, %dma_wait3A_237, %dma_wait3A_238] : memref<2x16x1024xf32, #tpu.memory_space<vmem>> -> memref<1x16x1024xf32, #tpu.memory_space<vmem>>
    %dma_wait3A_240 = tpu.memref_squeeze %dma_wait3A_239 : memref<1x16x1024xf32, #tpu.memory_space<vmem>> -> memref<16x1024xf32, #tpu.memory_space<vmem>>
    tpu.wait_dma2 semaphore(%arg15 : memref<!tpu.dma_semaphore, #tpu.memory_space<semaphore_mem>>) src(%dma_wait3A_240 : memref<16x1024xf32, #tpu.memory_space<vmem>>) dst(%dma_wait3A_236 : memref<16x1024xf32, #tpu.memory_space<hbm>>)
    %dma_start3A_241 = arith.constant 1 : i32
    %dma_start3A_242 = arith.constant 0 : i32
    %dma_start3A_243 = arith.constant 0 : i32
    %dma_start3A_244 = tpu.memref_slice %arg9[%dma_start3A_241, %dma_start3A_242, %dma_start3A_243] : memref<2x16x1024xf32, #tpu.memory_space<vmem>> -> memref<1x16x1024xf32, #tpu.memory_space<vmem>>
    %dma_start3A_245 = tpu.memref_squeeze %dma_start3A_244 : memref<1x16x1024xf32, #tpu.memory_space<vmem>> -> memref<16x1024xf32, #tpu.memory_space<vmem>>
    %dma_start3A_246 = arith.constant 48 : i32
    %dma_start3A_247 = tpu.memref_slice %arg7[%dma_start3A_246] : memref<64xi32, #tpu.memory_space<vmem>> -> memref<16xi32, #tpu.memory_space<vmem>>
    %dma_start3A_248 = arith.constant 0 : i32
    %dma_start3A_249 = arith.constant 0 : i32
    %dma_start3A_250 = tpu.memref_slice %arg2[%dma_start3A_248, %dma_start3A_249] : memref<5120x1024xf32, #tpu.memory_space<hbm>> -> memref<5120x1024xf32, #tpu.memory_space<hbm>>
    tpu.enqueue_indirect_dma source(%dma_start3A_250 : memref<5120x1024xf32, #tpu.memory_space<hbm>>) target(%dma_start3A_245 : memref<16x1024xf32, #tpu.memory_space<vmem>>) offsets(%dma_start3A_247 : memref<16xi32, #tpu.memory_space<vmem>>) semaphore(%arg13 : memref<!tpu.dma_semaphore, #tpu.memory_space<semaphore_mem>>)
    %dma_start3A_251 = arith.constant 1 : i32
    %dma_start3A_252 = arith.constant 0 : i32
    %dma_start3A_253 = arith.constant 0 : i32
    %dma_start3A_254 = tpu.memref_slice %arg10[%dma_start3A_251, %dma_start3A_252, %dma_start3A_253] : memref<2x16x1024xf32, #tpu.memory_space<vmem>> -> memref<1x16x1024xf32, #tpu.memory_space<vmem>>
    %dma_start3A_255 = tpu.memref_squeeze %dma_start3A_254 : memref<1x16x1024xf32, #tpu.memory_space<vmem>> -> memref<16x1024xf32, #tpu.memory_space<vmem>>
    %dma_start3A_256 = arith.constant 48 : i32
    %dma_start3A_257 = tpu.memref_slice %arg8[%dma_start3A_256] : memref<64xi32, #tpu.memory_space<vmem>> -> memref<16xi32, #tpu.memory_space<vmem>>
    %dma_start3A_258 = arith.constant 0 : i32
    %dma_start3A_259 = arith.constant 0 : i32
    %dma_start3A_260 = tpu.memref_slice %arg2[%dma_start3A_258, %dma_start3A_259] : memref<5120x1024xf32, #tpu.memory_space<hbm>> -> memref<5120x1024xf32, #tpu.memory_space<hbm>>
    tpu.enqueue_indirect_dma source(%dma_start3A_260 : memref<5120x1024xf32, #tpu.memory_space<hbm>>) target(%dma_start3A_255 : memref<16x1024xf32, #tpu.memory_space<vmem>>) offsets(%dma_start3A_257 : memref<16xi32, #tpu.memory_space<vmem>>) semaphore(%arg13 : memref<!tpu.dma_semaphore, #tpu.memory_space<semaphore_mem>>)
    %add3A_261 = arith.constant 48 : i32
    %add3A_262 = arith.addi %mul3A_2, %add3A_261 : i32
    %dma_start3A_263 = arith.constant 1 : i32
    %dma_start3A_264 = arith.constant 0 : i32
    %dma_start3A_265 = arith.constant 0 : i32
    %dma_start3A_266 = tpu.memref_slice %arg11[%dma_start3A_263, %dma_start3A_264, %dma_start3A_265] : memref<2x16x1024xf32, #tpu.memory_space<vmem>> -> memref<1x16x1024xf32, #tpu.memory_space<vmem>>
    %dma_start3A_267 = tpu.memref_squeeze %dma_start3A_266 : memref<1x16x1024xf32, #tpu.memory_space<vmem>> -> memref<16x1024xf32, #tpu.memory_space<vmem>>
    %dma_start3A_268 = arith.constant 0 : i32
    %dma_start3A_269 = tpu.memref_slice %arg3[%add3A_262, %dma_start3A_268] : memref<2048x1024xf32, #tpu.memory_space<hbm>> -> memref<16x1024xf32, #tpu.memory_space<hbm>>
    %dma_start3A_270 = arith.constant 0 : i32
    %dma_start3A_271 = arith.constant 0 : i32
    %dma_start3A_272 = tpu.memref_slice %arg11[%dma_start3A_263, %dma_start3A_270, %dma_start3A_271] : memref<2x16x1024xf32, #tpu.memory_space<vmem>> -> memref<1x16x1024xf32, #tpu.memory_space<vmem>>
    %dma_start3A_273 = tpu.memref_squeeze %dma_start3A_272 : memref<1x16x1024xf32, #tpu.memory_space<vmem>> -> memref<16x1024xf32, #tpu.memory_space<vmem>>
    %dma_start3A_274 = arith.constant 0 : i32
    %dma_start3A_275 = tpu.memref_slice %arg3[%add3A_262, %dma_start3A_274] : memref<2048x1024xf32, #tpu.memory_space<hbm>> -> memref<16x1024xf32, #tpu.memory_space<hbm>>
    tpu.enqueue_dma source(%dma_start3A_275 : memref<16x1024xf32, #tpu.memory_space<hbm>>) target(%dma_start3A_273 : memref<16x1024xf32, #tpu.memory_space<vmem>>) target_semaphore(%arg13 : memref<!tpu.dma_semaphore, #tpu.memory_space<semaphore_mem>>)
    %dma_wait3A_276 = arith.constant 0 : i32
    %dma_wait3A_277 = arith.constant 0 : i32
    %dma_wait3A_278 = arith.constant 0 : i32
    %dma_wait3A_279 = tpu.memref_slice %arg9[%dma_wait3A_276, %dma_wait3A_277, %dma_wait3A_278] : memref<2x16x1024xf32, #tpu.memory_space<vmem>> -> memref<1x16x1024xf32, #tpu.memory_space<vmem>>
    %dma_wait3A_280 = tpu.memref_squeeze %dma_wait3A_279 : memref<1x16x1024xf32, #tpu.memory_space<vmem>> -> memref<16x1024xf32, #tpu.memory_space<vmem>>
    %dma_wait3A_281 = arith.constant 32 : i32
    %dma_wait3A_282 = tpu.memref_slice %arg7[%dma_wait3A_281] : memref<64xi32, #tpu.memory_space<vmem>> -> memref<16xi32, #tpu.memory_space<vmem>>
    %dma_wait3A_283 = arith.constant 0 : i32
    %dma_wait3A_284 = arith.constant 0 : i32
    %dma_wait3A_285 = tpu.memref_slice %arg2[%dma_wait3A_283, %dma_wait3A_284] : memref<5120x1024xf32, #tpu.memory_space<hbm>> -> memref<5120x1024xf32, #tpu.memory_space<hbm>>
    tpu.wait_indirect_dma semaphore(%arg12 : memref<!tpu.dma_semaphore, #tpu.memory_space<semaphore_mem>>) src(%dma_wait3A_285 : memref<5120x1024xf32, #tpu.memory_space<hbm>>) dst(%dma_wait3A_280 : memref<16x1024xf32, #tpu.memory_space<vmem>>)
    %dma_wait3A_286 = arith.constant 0 : i32
    %dma_wait3A_287 = arith.constant 0 : i32
    %dma_wait3A_288 = arith.constant 0 : i32
    %dma_wait3A_289 = tpu.memref_slice %arg10[%dma_wait3A_286, %dma_wait3A_287, %dma_wait3A_288] : memref<2x16x1024xf32, #tpu.memory_space<vmem>> -> memref<1x16x1024xf32, #tpu.memory_space<vmem>>
    %dma_wait3A_290 = tpu.memref_squeeze %dma_wait3A_289 : memref<1x16x1024xf32, #tpu.memory_space<vmem>> -> memref<16x1024xf32, #tpu.memory_space<vmem>>
    %dma_wait3A_291 = arith.constant 32 : i32
    %dma_wait3A_292 = tpu.memref_slice %arg8[%dma_wait3A_291] : memref<64xi32, #tpu.memory_space<vmem>> -> memref<16xi32, #tpu.memory_space<vmem>>
    %dma_wait3A_293 = arith.constant 0 : i32
    %dma_wait3A_294 = arith.constant 0 : i32
    %dma_wait3A_295 = tpu.memref_slice %arg2[%dma_wait3A_293, %dma_wait3A_294] : memref<5120x1024xf32, #tpu.memory_space<hbm>> -> memref<5120x1024xf32, #tpu.memory_space<hbm>>
    tpu.wait_indirect_dma semaphore(%arg12 : memref<!tpu.dma_semaphore, #tpu.memory_space<semaphore_mem>>) src(%dma_wait3A_295 : memref<5120x1024xf32, #tpu.memory_space<hbm>>) dst(%dma_wait3A_290 : memref<16x1024xf32, #tpu.memory_space<vmem>>)
    %dma_wait3A_296 = arith.constant 0 : i32
    %dma_wait3A_297 = arith.constant 0 : i32
    %dma_wait3A_298 = arith.constant 0 : i32
    %dma_wait3A_299 = tpu.memref_slice %arg11[%dma_wait3A_296, %dma_wait3A_297, %dma_wait3A_298] : memref<2x16x1024xf32, #tpu.memory_space<vmem>> -> memref<1x16x1024xf32, #tpu.memory_space<vmem>>
    %dma_wait3A_300 = tpu.memref_squeeze %dma_wait3A_299 : memref<1x16x1024xf32, #tpu.memory_space<vmem>> -> memref<16x1024xf32, #tpu.memory_space<vmem>>
    %dma_wait3A_301 = arith.constant 0 : i32
    %dma_wait3A_302 = tpu.memref_slice %arg3[%add3A_159, %dma_wait3A_301] : memref<2048x1024xf32, #tpu.memory_space<hbm>> -> memref<16x1024xf32, #tpu.memory_space<hbm>>
    %dma_wait3A_303 = arith.constant 0 : i32
    %dma_wait3A_304 = arith.constant 0 : i32
    %dma_wait3A_305 = tpu.memref_slice %arg11[%dma_wait3A_296, %dma_wait3A_303, %dma_wait3A_304] : memref<2x16x1024xf32, #tpu.memory_space<vmem>> -> memref<1x16x1024xf32, #tpu.memory_space<vmem>>
    %dma_wait3A_306 = tpu.memref_squeeze %dma_wait3A_305 : memref<1x16x1024xf32, #tpu.memory_space<vmem>> -> memref<16x1024xf32, #tpu.memory_space<vmem>>
    %dma_wait3A_307 = arith.constant 0 : i32
    %dma_wait3A_308 = tpu.memref_slice %arg3[%add3A_159, %dma_wait3A_307] : memref<2048x1024xf32, #tpu.memory_space<hbm>> -> memref<16x1024xf32, #tpu.memory_space<hbm>>
    tpu.wait_dma2 semaphore(%arg12 : memref<!tpu.dma_semaphore, #tpu.memory_space<semaphore_mem>>) src(%dma_wait3A_308 : memref<16x1024xf32, #tpu.memory_space<hbm>>) dst(%dma_wait3A_306 : memref<16x1024xf32, #tpu.memory_space<vmem>>)
    %scan3A_309 = arith.constant 0 : i32
    %scan3A_310 = arith.constant 0 : i32
    %scan3A_311 = arith.constant 16 : i32
    %scan3A_312 = arith.addi %scan3A_310, %scan3A_311 : i32
    %scan3A_313 = arith.constant 1 : i32
    %scan3A_314 = scf.for %scan3A_412 = %scan3A_310 to %scan3A_312 step %scan3A_313 iter_args(%scan3A_413 = %scan3A_309) -> (i32)  : i32 {
      %scan3A_414 = arith.constant 0 : i32
      %scan3A_415 = arith.constant 0 : i32
      %scan3A_416 = arith.constant 16 : i32
      %scan3A_417 = arith.addi %scan3A_415, %scan3A_416 : i32
      %scan3A_418 = arith.constant 1 : i32
      %scan3A_419 = scf.for %scan3A_422 = %scan3A_415 to %scan3A_417 step %scan3A_418 iter_args(%scan3A_423 = %scan3A_414) -> (i32)  : i32 {
        %mul3A_424 = arith.constant 64 : i32
        %mul3A_425 = arith.muli %scan3A_422, %mul3A_424 : i32
        %add3A_426 = arith.constant 0 : i32
        %add3A_427 = arith.addi %mul3A_425, %add3A_426 : i32
        %get3A = arith.constant 0 : i32
        %get3A_428 = arith.index_cast %get3A : i32 to index
        %get3A_429 = arith.index_cast %scan3A_412 : i32 to index
        %get3A_430 = arith.index_cast %add3A_427 : i32 to index
        %get3A_431 = tpu.vector_load %arg11[%get3A_428, %get3A_429, %get3A_430] {strides = array<i32>} : memref<2x16x1024xf32, #tpu.memory_space<vmem>>, vector<1x1x16xf32>,
        %get3A_432 = vector.shape_cast %get3A_431 : vector<1x1x16xf32> to vector<16xf32>
        %get3A_433 = arith.constant 0 : i32
        %get3A_434 = arith.index_cast %get3A_433 : i32 to index
        %get3A_435 = arith.index_cast %scan3A_412 : i32 to index
        %get3A_436 = arith.index_cast %add3A_427 : i32 to index
        %get3A_437 = tpu.vector_load %arg9[%get3A_434, %get3A_435, %get3A_436] {strides = array<i32>} : memref<2x16x1024xf32, #tpu.memory_space<vmem>>, vector<1x1x16xf32>,
        %get3A_438 = vector.shape_cast %get3A_437 : vector<1x1x16xf32> to vector<16xf32>
        %add3A_439 = arith.addf %get3A_432, %get3A_438 : vector<16xf32>
        %get3A_440 = arith.constant 0 : i32
        %get3A_441 = arith.index_cast %get3A_440 : i32 to index
        %get3A_442 = arith.index_cast %scan3A_412 : i32 to index
        %get3A_443 = arith.index_cast %add3A_427 : i32 to index
        %get3A_444 = tpu.vector_load %arg10[%get3A_441, %get3A_442, %get3A_443] {strides = array<i32>} : memref<2x16x1024xf32, #tpu.memory_space<vmem>>, vector<1x1x16xf32>,
        %get3A_445 = vector.shape_cast %get3A_444 : vector<1x1x16xf32> to vector<16xf32>
        %add3A_446 = arith.addf %add3A_439, %get3A_445 : vector<16xf32>
        %swap3A = arith.constant 0 : i32
        %swap3A_447 = arith.index_cast %swap3A : i32 to index
        %swap3A_448 = arith.index_cast %scan3A_412 : i32 to index
        %swap3A_449 = arith.index_cast %add3A_427 : i32 to index
        %swap3A_450 = tpu.vector_load %arg11[%swap3A_447, %swap3A_448, %swap3A_449] {strides = array<i32>} : memref<2x16x1024xf32, #tpu.memory_space<vmem>>, vector<1x1x16xf32>,
        %swap3A_451 = vector.shape_cast %swap3A_450 : vector<1x1x16xf32> to vector<16xf32>
        %swap3A_452 = vector.shape_cast %add3A_446 : vector<16xf32> to vector<1x1x16xf32>
        tpu.vector_store %arg11[%swap3A_447, %swap3A_448, %swap3A_449], %swap3A_452 {strides = array<i32>} : memref<2x16x1024xf32, #tpu.memory_space<vmem>>, vector<1x1x16xf32>,
        %mul3A_453 = arith.constant 64 : i32
        %mul3A_454 = arith.muli %scan3A_422, %mul3A_453 : i32
        %add3A_455 = arith.constant 16 : i32
        %add3A_456 = arith.addi %mul3A_454, %add3A_455 : i32
        %get3A_457 = arith.constant 0 : i32
        %get3A_458 = arith.index_cast %get3A_457 : i32 to index
        %get3A_459 = arith.index_cast %scan3A_412 : i32 to index
        %get3A_460 = arith.index_cast %add3A_456 : i32 to index
        %get3A_461 = tpu.vector_load %arg11[%get3A_458, %get3A_459, %get3A_460] {strides = array<i32>} : memref<2x16x1024xf32, #tpu.memory_space<vmem>>, vector<1x1x16xf32>,
        %get3A_462 = vector.shape_cast %get3A_461 : vector<1x1x16xf32> to vector<16xf32>
        %get3A_463 = arith.constant 0 : i32
        %get3A_464 = arith.index_cast %get3A_463 : i32 to index
        %get3A_465 = arith.index_cast %scan3A_412 : i32 to index
        %get3A_466 = arith.index_cast %add3A_456 : i32 to index
        %get3A_467 = tpu.vector_load %arg9[%get3A_464, %get3A_465, %get3A_466] {strides = array<i32>} : memref<2x16x1024xf32, #tpu.memory_space<vmem>>, vector<1x1x16xf32>,
        %get3A_468 = vector.shape_cast %get3A_467 : vector<1x1x16xf32> to vector<16xf32>
        %add3A_469 = arith.addf %get3A_462, %get3A_468 : vector<16xf32>
        %get3A_470 = arith.constant 0 : i32
        %get3A_471 = arith.index_cast %get3A_470 : i32 to index
        %get3A_472 = arith.index_cast %scan3A_412 : i32 to index
        %get3A_473 = arith.index_cast %add3A_456 : i32 to index
        %get3A_474 = tpu.vector_load %arg10[%get3A_471, %get3A_472, %get3A_473] {strides = array<i32>} : memref<2x16x1024xf32, #tpu.memory_space<vmem>>, vector<1x1x16xf32>,
        %get3A_475 = vector.shape_cast %get3A_474 : vector<1x1x16xf32> to vector<16xf32>
        %add3A_476 = arith.addf %add3A_469, %get3A_475 : vector<16xf32>
        %swap3A_477 = arith.constant 0 : i32
        %swap3A_478 = arith.index_cast %swap3A_477 : i32 to index
        %swap3A_479 = arith.index_cast %scan3A_412 : i32 to index
        %swap3A_480 = arith.index_cast %add3A_456 : i32 to index
        %swap3A_481 = tpu.vector_load %arg11[%swap3A_478, %swap3A_479, %swap3A_480] {strides = array<i32>} : memref<2x16x1024xf32, #tpu.memory_space<vmem>>, vector<1x1x16xf32>,
        %swap3A_482 = vector.shape_cast %swap3A_481 : vector<1x1x16xf32> to vector<16xf32>
        %swap3A_483 = vector.shape_cast %add3A_476 : vector<16xf32> to vector<1x1x16xf32>
        tpu.vector_store %arg11[%swap3A_478, %swap3A_479, %swap3A_480], %swap3A_483 {strides = array<i32>} : memref<2x16x1024xf32, #tpu.memory_space<vmem>>, vector<1x1x16xf32>,
        %mul3A_484 = arith.constant 64 : i32
        %mul3A_485 = arith.muli %scan3A_422, %mul3A_484 : i32
        %add3A_486 = arith.constant 32 : i32
        %add3A_487 = arith.addi %mul3A_485, %add3A_486 : i32
        %get3A_488 = arith.constant 0 : i32
        %get3A_489 = arith.index_cast %get3A_488 : i32 to index
        %get3A_490 = arith.index_cast %scan3A_412 : i32 to index
        %get3A_491 = arith.index_cast %add3A_487 : i32 to index
        %get3A_492 = tpu.vector_load %arg11[%get3A_489, %get3A_490, %get3A_491] {strides = array<i32>} : memref<2x16x1024xf32, #tpu.memory_space<vmem>>, vector<1x1x16xf32>,
        %get3A_493 = vector.shape_cast %get3A_492 : vector<1x1x16xf32> to vector<16xf32>
        %get3A_494 = arith.constant 0 : i32
        %get3A_495 = arith.index_cast %get3A_494 : i32 to index
        %get3A_496 = arith.index_cast %scan3A_412 : i32 to index
        %get3A_497 = arith.index_cast %add3A_487 : i32 to index
        %get3A_498 = tpu.vector_load %arg9[%get3A_495, %get3A_496, %get3A_497] {strides = array<i32>} : memref<2x16x1024xf32, #tpu.memory_space<vmem>>, vector<1x1x16xf32>,
        %get3A_499 = vector.shape_cast %get3A_498 : vector<1x1x16xf32> to vector<16xf32>
        %add3A_500 = arith.addf %get3A_493, %get3A_499 : vector<16xf32>
        %get3A_501 = arith.constant 0 : i32
        %get3A_502 = arith.index_cast %get3A_501 : i32 to index
        %get3A_503 = arith.index_cast %scan3A_412 : i32 to index
        %get3A_504 = arith.index_cast %add3A_487 : i32 to index
        %get3A_505 = tpu.vector_load %arg10[%get3A_502, %get3A_503, %get3A_504] {strides = array<i32>} : memref<2x16x1024xf32, #tpu.memory_space<vmem>>, vector<1x1x16xf32>,
        %get3A_506 = vector.shape_cast %get3A_505 : vector<1x1x16xf32> to vector<16xf32>
        %add3A_507 = arith.addf %add3A_500, %get3A_506 : vector<16xf32>
        %swap3A_508 = arith.constant 0 : i32
        %swap3A_509 = arith.index_cast %swap3A_508 : i32 to index
        %swap3A_510 = arith.index_cast %scan3A_412 : i32 to index
        %swap3A_511 = arith.index_cast %add3A_487 : i32 to index
        %swap3A_512 = tpu.vector_load %arg11[%swap3A_509, %swap3A_510, %swap3A_511] {strides = array<i32>} : memref<2x16x1024xf32, #tpu.memory_space<vmem>>, vector<1x1x16xf32>,
        %swap3A_513 = vector.shape_cast %swap3A_512 : vector<1x1x16xf32> to vector<16xf32>
        %swap3A_514 = vector.shape_cast %add3A_507 : vector<16xf32> to vector<1x1x16xf32>
        tpu.vector_store %arg11[%swap3A_509, %swap3A_510, %swap3A_511], %swap3A_514 {strides = array<i32>} : memref<2x16x1024xf32, #tpu.memory_space<vmem>>, vector<1x1x16xf32>,
        %mul3A_515 = arith.constant 64 : i32
        %mul3A_516 = arith.muli %scan3A_422, %mul3A_515 : i32
        %add3A_517 = arith.constant 48 : i32
        %add3A_518 = arith.addi %mul3A_516, %add3A_517 : i32
        %get3A_519 = arith.constant 0 : i32
        %get3A_520 = arith.index_cast %get3A_519 : i32 to index
        %get3A_521 = arith.index_cast %scan3A_412 : i32 to index
        %get3A_522 = arith.index_cast %add3A_518 : i32 to index
        %get3A_523 = tpu.vector_load %arg11[%get3A_520, %get3A_521, %get3A_522] {strides = array<i32>} : memref<2x16x1024xf32, #tpu.memory_space<vmem>>, vector<1x1x16xf32>,
        %get3A_524 = vector.shape_cast %get3A_523 : vector<1x1x16xf32> to vector<16xf32>
        %get3A_525 = arith.constant 0 : i32
        %get3A_526 = arith.index_cast %get3A_525 : i32 to index
        %get3A_527 = arith.index_cast %scan3A_412 : i32 to index
        %get3A_528 = arith.index_cast %add3A_518 : i32 to index
        %get3A_529 = tpu.vector_load %arg9[%get3A_526, %get3A_527, %get3A_528] {strides = array<i32>} : memref<2x16x1024xf32, #tpu.memory_space<vmem>>, vector<1x1x16xf32>,
        %get3A_530 = vector.shape_cast %get3A_529 : vector<1x1x16xf32> to vector<16xf32>
        %add3A_531 = arith.addf %get3A_524, %get3A_530 : vector<16xf32>
        %get3A_532 = arith.constant 0 : i32
        %get3A_533 = arith.index_cast %get3A_532 : i32 to index
        %get3A_534 = arith.index_cast %scan3A_412 : i32 to index
        %get3A_535 = arith.index_cast %add3A_518 : i32 to index
        %get3A_536 = tpu.vector_load %arg10[%get3A_533, %get3A_534, %get3A_535] {strides = array<i32>} : memref<2x16x1024xf32, #tpu.memory_space<vmem>>, vector<1x1x16xf32>,
        %get3A_537 = vector.shape_cast %get3A_536 : vector<1x1x16xf32> to vector<16xf32>
        %add3A_538 = arith.addf %add3A_531, %get3A_537 : vector<16xf32>
        %swap3A_539 = arith.constant 0 : i32
        %swap3A_540 = arith.index_cast %swap3A_539 : i32 to index
        %swap3A_541 = arith.index_cast %scan3A_412 : i32 to index
        %swap3A_542 = arith.index_cast %add3A_518 : i32 to index
        %swap3A_543 = tpu.vector_load %arg11[%swap3A_540, %swap3A_541, %swap3A_542] {strides = array<i32>} : memref<2x16x1024xf32, #tpu.memory_space<vmem>>, vector<1x1x16xf32>,
        %swap3A_544 = vector.shape_cast %swap3A_543 : vector<1x1x16xf32> to vector<16xf32>
        %swap3A_545 = vector.shape_cast %add3A_538 : vector<16xf32> to vector<1x1x16xf32>
        tpu.vector_store %arg11[%swap3A_540, %swap3A_541, %swap3A_542], %swap3A_545 {strides = array<i32>} : memref<2x16x1024xf32, #tpu.memory_space<vmem>>, vector<1x1x16xf32>,
        %scan3A_546 = arith.constant 0 : i32
        scf.yield %scan3A_546 : i32
      }
      %scan3A_420 = arith.constant 16 : i32
      %scan3A_421 = arith.constant 0 : i32
      scf.yield %scan3A_421 : i32
    }
    %scan3A_315 = arith.constant 16 : i32
    %add3A_316 = arith.constant 32 : i32
    %add3A_317 = arith.addi %mul3A_2, %add3A_316 : i32
    %dma_start3A_318 = arith.constant 0 : i32
    %dma_start3A_319 = arith.constant 0 : i32
    %dma_start3A_320 = arith.constant 0 : i32
    %dma_start3A_321 = tpu.memref_slice %arg11[%dma_start3A_318, %dma_start3A_319, %dma_start3A_320] : memref<2x16x1024xf32, #tpu.memory_space<vmem>> -> memref<1x16x1024xf32, #tpu.memory_space<vmem>>
    %dma_start3A_322 = tpu.memref_squeeze %dma_start3A_321 : memref<1x16x1024xf32, #tpu.memory_space<vmem>> -> memref<16x1024xf32, #tpu.memory_space<vmem>>
    %dma_start3A_323 = arith.constant 0 : i32
    %dma_start3A_324 = tpu.memref_slice %arg6[%add3A_317, %dma_start3A_323] : memref<2048x1024xf32, #tpu.memory_space<hbm>> -> memref<16x1024xf32, #tpu.memory_space<hbm>>
    %dma_start3A_325 = arith.constant 0 : i32
    %dma_start3A_326 = tpu.memref_slice %arg6[%add3A_317, %dma_start3A_325] : memref<2048x1024xf32, #tpu.memory_space<hbm>> -> memref<16x1024xf32, #tpu.memory_space<hbm>>
    %dma_start3A_327 = arith.constant 0 : i32
    %dma_start3A_328 = arith.constant 0 : i32
    %dma_start3A_329 = tpu.memref_slice %arg11[%dma_start3A_318, %dma_start3A_327, %dma_start3A_328] : memref<2x16x1024xf32, #tpu.memory_space<vmem>> -> memref<1x16x1024xf32, #tpu.memory_space<vmem>>
    %dma_start3A_330 = tpu.memref_squeeze %dma_start3A_329 : memref<1x16x1024xf32, #tpu.memory_space<vmem>> -> memref<16x1024xf32, #tpu.memory_space<vmem>>
    tpu.enqueue_dma source(%dma_start3A_330 : memref<16x1024xf32, #tpu.memory_space<vmem>>) target(%dma_start3A_326 : memref<16x1024xf32, #tpu.memory_space<hbm>>) target_semaphore(%arg14 : memref<!tpu.dma_semaphore, #tpu.memory_space<semaphore_mem>>)
    %dma_wait3A_331 = arith.constant 1 : i32
    %dma_wait3A_332 = arith.constant 0 : i32
    %dma_wait3A_333 = arith.constant 0 : i32
    %dma_wait3A_334 = tpu.memref_slice %arg9[%dma_wait3A_331, %dma_wait3A_332, %dma_wait3A_333] : memref<2x16x1024xf32, #tpu.memory_space<vmem>> -> memref<1x16x1024xf32, #tpu.memory_space<vmem>>
    %dma_wait3A_335 = tpu.memref_squeeze %dma_wait3A_334 : memref<1x16x1024xf32, #tpu.memory_space<vmem>> -> memref<16x1024xf32, #tpu.memory_space<vmem>>
    %dma_wait3A_336 = arith.constant 48 : i32
    %dma_wait3A_337 = tpu.memref_slice %arg7[%dma_wait3A_336] : memref<64xi32, #tpu.memory_space<vmem>> -> memref<16xi32, #tpu.memory_space<vmem>>
    %dma_wait3A_338 = arith.constant 0 : i32
    %dma_wait3A_339 = arith.constant 0 : i32
    %dma_wait3A_340 = tpu.memref_slice %arg2[%dma_wait3A_338, %dma_wait3A_339] : memref<5120x1024xf32, #tpu.memory_space<hbm>> -> memref<5120x1024xf32, #tpu.memory_space<hbm>>
    tpu.wait_indirect_dma semaphore(%arg13 : memref<!tpu.dma_semaphore, #tpu.memory_space<semaphore_mem>>) src(%dma_wait3A_340 : memref<5120x1024xf32, #tpu.memory_space<hbm>>) dst(%dma_wait3A_335 : memref<16x1024xf32, #tpu.memory_space<vmem>>)
    %dma_wait3A_341 = arith.constant 1 : i32
    %dma_wait3A_342 = arith.constant 0 : i32
    %dma_wait3A_343 = arith.constant 0 : i32
    %dma_wait3A_344 = tpu.memref_slice %arg10[%dma_wait3A_341, %dma_wait3A_342, %dma_wait3A_343] : memref<2x16x1024xf32, #tpu.memory_space<vmem>> -> memref<1x16x1024xf32, #tpu.memory_space<vmem>>
    %dma_wait3A_345 = tpu.memref_squeeze %dma_wait3A_344 : memref<1x16x1024xf32, #tpu.memory_space<vmem>> -> memref<16x1024xf32, #tpu.memory_space<vmem>>
    %dma_wait3A_346 = arith.constant 48 : i32
    %dma_wait3A_347 = tpu.memref_slice %arg8[%dma_wait3A_346] : memref<64xi32, #tpu.memory_space<vmem>> -> memref<16xi32, #tpu.memory_space<vmem>>
    %dma_wait3A_348 = arith.constant 0 : i32
    %dma_wait3A_349 = arith.constant 0 : i32
    %dma_wait3A_350 = tpu.memref_slice %arg2[%dma_wait3A_348, %dma_wait3A_349] : memref<5120x1024xf32, #tpu.memory_space<hbm>> -> memref<5120x1024xf32, #tpu.memory_space<hbm>>
    tpu.wait_indirect_dma semaphore(%arg13 : memref<!tpu.dma_semaphore, #tpu.memory_space<semaphore_mem>>) src(%dma_wait3A_350 : memref<5120x1024xf32, #tpu.memory_space<hbm>>) dst(%dma_wait3A_345 : memref<16x1024xf32, #tpu.memory_space<vmem>>)
    %dma_wait3A_351 = arith.constant 1 : i32
    %dma_wait3A_352 = arith.constant 0 : i32
    %dma_wait3A_353 = arith.constant 0 : i32
    %dma_wait3A_354 = tpu.memref_slice %arg11[%dma_wait3A_351, %dma_wait3A_352, %dma_wait3A_353] : memref<2x16x1024xf32, #tpu.memory_space<vmem>> -> memref<1x16x1024xf32, #tpu.memory_space<vmem>>
    %dma_wait3A_355 = tpu.memref_squeeze %dma_wait3A_354 : memref<1x16x1024xf32, #tpu.memory_space<vmem>> -> memref<16x1024xf32, #tpu.memory_space<vmem>>
    %dma_wait3A_356 = arith.constant 0 : i32
    %dma_wait3A_357 = tpu.memref_slice %arg3[%add3A_262, %dma_wait3A_356] : memref<2048x1024xf32, #tpu.memory_space<hbm>> -> memref<16x1024xf32, #tpu.memory_space<hbm>>
    %dma_wait3A_358 = arith.constant 0 : i32
    %dma_wait3A_359 = arith.constant 0 : i32
    %dma_wait3A_360 = tpu.memref_slice %arg11[%dma_wait3A_351, %dma_wait3A_358, %dma_wait3A_359] : memref<2x16x1024xf32, #tpu.memory_space<vmem>> -> memref<1x16x1024xf32, #tpu.memory_space<vmem>>
    %dma_wait3A_361 = tpu.memref_squeeze %dma_wait3A_360 : memref<1x16x1024xf32, #tpu.memory_space<vmem>> -> memref<16x1024xf32, #tpu.memory_space<vmem>>
    %dma_wait3A_362 = arith.constant 0 : i32
    %dma_wait3A_363 = tpu.memref_slice %arg3[%add3A_262, %dma_wait3A_362] : memref<2048x1024xf32, #tpu.memory_space<hbm>> -> memref<16x1024xf32, #tpu.memory_space<hbm>>
    tpu.wait_dma2 semaphore(%arg13 : memref<!tpu.dma_semaphore, #tpu.memory_space<semaphore_mem>>) src(%dma_wait3A_363 : memref<16x1024xf32, #tpu.memory_space<hbm>>) dst(%dma_wait3A_361 : memref<16x1024xf32, #tpu.memory_space<vmem>>)
    %scan3A_364 = arith.constant 0 : i32
    %scan3A_365 = arith.constant 0 : i32
    %scan3A_366 = arith.constant 16 : i32
    %scan3A_367 = arith.addi %scan3A_365, %scan3A_366 : i32
    %scan3A_368 = arith.constant 1 : i32
    %scan3A_369 = scf.for %scan3A_412 = %scan3A_365 to %scan3A_367 step %scan3A_368 iter_args(%scan3A_413 = %scan3A_364) -> (i32)  : i32 {
      %scan3A_414 = arith.constant 0 : i32
      %scan3A_415 = arith.constant 0 : i32
      %scan3A_416 = arith.constant 16 : i32
      %scan3A_417 = arith.addi %scan3A_415, %scan3A_416 : i32
      %scan3A_418 = arith.constant 1 : i32
      %scan3A_419 = scf.for %scan3A_422 = %scan3A_415 to %scan3A_417 step %scan3A_418 iter_args(%scan3A_423 = %scan3A_414) -> (i32)  : i32 {
        %mul3A_424 = arith.constant 64 : i32
        %mul3A_425 = arith.muli %scan3A_422, %mul3A_424 : i32
        %add3A_426 = arith.constant 0 : i32
        %add3A_427 = arith.addi %mul3A_425, %add3A_426 : i32
        %get3A = arith.constant 1 : i32
        %get3A_428 = arith.index_cast %get3A : i32 to index
        %get3A_429 = arith.index_cast %scan3A_412 : i32 to index
        %get3A_430 = arith.index_cast %add3A_427 : i32 to index
        %get3A_431 = tpu.vector_load %arg11[%get3A_428, %get3A_429, %get3A_430] {strides = array<i32>} : memref<2x16x1024xf32, #tpu.memory_space<vmem>>, vector<1x1x16xf32>,
        %get3A_432 = vector.shape_cast %get3A_431 : vector<1x1x16xf32> to vector<16xf32>
        %get3A_433 = arith.constant 1 : i32
        %get3A_434 = arith.index_cast %get3A_433 : i32 to index
        %get3A_435 = arith.index_cast %scan3A_412 : i32 to index
        %get3A_436 = arith.index_cast %add3A_427 : i32 to index
        %get3A_437 = tpu.vector_load %arg9[%get3A_434, %get3A_435, %get3A_436] {strides = array<i32>} : memref<2x16x1024xf32, #tpu.memory_space<vmem>>, vector<1x1x16xf32>,
        %get3A_438 = vector.shape_cast %get3A_437 : vector<1x1x16xf32> to vector<16xf32>
        %add3A_439 = arith.addf %get3A_432, %get3A_438 : vector<16xf32>
        %get3A_440 = arith.constant 1 : i32
        %get3A_441 = arith.index_cast %get3A_440 : i32 to index
        %get3A_442 = arith.index_cast %scan3A_412 : i32 to index
        %get3A_443 = arith.index_cast %add3A_427 : i32 to index
        %get3A_444 = tpu.vector_load %arg10[%get3A_441, %get3A_442, %get3A_443] {strides = array<i32>} : memref<2x16x1024xf32, #tpu.memory_space<vmem>>, vector<1x1x16xf32>,
        %get3A_445 = vector.shape_cast %get3A_444 : vector<1x1x16xf32> to vector<16xf32>
        %add3A_446 = arith.addf %add3A_439, %get3A_445 : vector<16xf32>
        %swap3A = arith.constant 1 : i32
        %swap3A_447 = arith.index_cast %swap3A : i32 to index
        %swap3A_448 = arith.index_cast %scan3A_412 : i32 to index
        %swap3A_449 = arith.index_cast %add3A_427 : i32 to index
        %swap3A_450 = tpu.vector_load %arg11[%swap3A_447, %swap3A_448, %swap3A_449] {strides = array<i32>} : memref<2x16x1024xf32, #tpu.memory_space<vmem>>, vector<1x1x16xf32>,
        %swap3A_451 = vector.shape_cast %swap3A_450 : vector<1x1x16xf32> to vector<16xf32>
        %swap3A_452 = vector.shape_cast %add3A_446 : vector<16xf32> to vector<1x1x16xf32>
        tpu.vector_store %arg11[%swap3A_447, %swap3A_448, %swap3A_449], %swap3A_452 {strides = array<i32>} : memref<2x16x1024xf32, #tpu.memory_space<vmem>>, vector<1x1x16xf32>,
        %mul3A_453 = arith.constant 64 : i32
        %mul3A_454 = arith.muli %scan3A_422, %mul3A_453 : i32
        %add3A_455 = arith.constant 16 : i32
        %add3A_456 = arith.addi %mul3A_454, %add3A_455 : i32
        %get3A_457 = arith.constant 1 : i32
        %get3A_458 = arith.index_cast %get3A_457 : i32 to index
        %get3A_459 = arith.index_cast %scan3A_412 : i32 to index
        %get3A_460 = arith.index_cast %add3A_456 : i32 to index
        %get3A_461 = tpu.vector_load %arg11[%get3A_458, %get3A_459, %get3A_460] {strides = array<i32>} : memref<2x16x1024xf32, #tpu.memory_space<vmem>>, vector<1x1x16xf32>,
        %get3A_462 = vector.shape_cast %get3A_461 : vector<1x1x16xf32> to vector<16xf32>
        %get3A_463 = arith.constant 1 : i32
        %get3A_464 = arith.index_cast %get3A_463 : i32 to index
        %get3A_465 = arith.index_cast %scan3A_412 : i32 to index
        %get3A_466 = arith.index_cast %add3A_456 : i32 to index
        %get3A_467 = tpu.vector_load %arg9[%get3A_464, %get3A_465, %get3A_466] {strides = array<i32>} : memref<2x16x1024xf32, #tpu.memory_space<vmem>>, vector<1x1x16xf32>,
        %get3A_468 = vector.shape_cast %get3A_467 : vector<1x1x16xf32> to vector<16xf32>
        %add3A_469 = arith.addf %get3A_462, %get3A_468 : vector<16xf32>
        %get3A_470 = arith.constant 1 : i32
        %get3A_471 = arith.index_cast %get3A_470 : i32 to index
        %get3A_472 = arith.index_cast %scan3A_412 : i32 to index
        %get3A_473 = arith.index_cast %add3A_456 : i32 to index
        %get3A_474 = tpu.vector_load %arg10[%get3A_471, %get3A_472, %get3A_473] {strides = array<i32>} : memref<2x16x1024xf32, #tpu.memory_space<vmem>>, vector<1x1x16xf32>,
        %get3A_475 = vector.shape_cast %get3A_474 : vector<1x1x16xf32> to vector<16xf32>
        %add3A_476 = arith.addf %add3A_469, %get3A_475 : vector<16xf32>
        %swap3A_477 = arith.constant 1 : i32
        %swap3A_478 = arith.index_cast %swap3A_477 : i32 to index
        %swap3A_479 = arith.index_cast %scan3A_412 : i32 to index
        %swap3A_480 = arith.index_cast %add3A_456 : i32 to index
        %swap3A_481 = tpu.vector_load %arg11[%swap3A_478, %swap3A_479, %swap3A_480] {strides = array<i32>} : memref<2x16x1024xf32, #tpu.memory_space<vmem>>, vector<1x1x16xf32>,
        %swap3A_482 = vector.shape_cast %swap3A_481 : vector<1x1x16xf32> to vector<16xf32>
        %swap3A_483 = vector.shape_cast %add3A_476 : vector<16xf32> to vector<1x1x16xf32>
        tpu.vector_store %arg11[%swap3A_478, %swap3A_479, %swap3A_480], %swap3A_483 {strides = array<i32>} : memref<2x16x1024xf32, #tpu.memory_space<vmem>>, vector<1x1x16xf32>,
        %mul3A_484 = arith.constant 64 : i32
        %mul3A_485 = arith.muli %scan3A_422, %mul3A_484 : i32
        %add3A_486 = arith.constant 32 : i32
        %add3A_487 = arith.addi %mul3A_485, %add3A_486 : i32
        %get3A_488 = arith.constant 1 : i32
        %get3A_489 = arith.index_cast %get3A_488 : i32 to index
        %get3A_490 = arith.index_cast %scan3A_412 : i32 to index
        %get3A_491 = arith.index_cast %add3A_487 : i32 to index
        %get3A_492 = tpu.vector_load %arg11[%get3A_489, %get3A_490, %get3A_491] {strides = array<i32>} : memref<2x16x1024xf32, #tpu.memory_space<vmem>>, vector<1x1x16xf32>,
        %get3A_493 = vector.shape_cast %get3A_492 : vector<1x1x16xf32> to vector<16xf32>
        %get3A_494 = arith.constant 1 : i32
        %get3A_495 = arith.index_cast %get3A_494 : i32 to index
        %get3A_496 = arith.index_cast %scan3A_412 : i32 to index
        %get3A_497 = arith.index_cast %add3A_487 : i32 to index
        %get3A_498 = tpu.vector_load %arg9[%get3A_495, %get3A_496, %get3A_497] {strides = array<i32>} : memref<2x16x1024xf32, #tpu.memory_space<vmem>>, vector<1x1x16xf32>,
        %get3A_499 = vector.shape_cast %get3A_498 : vector<1x1x16xf32> to vector<16xf32>
        %add3A_500 = arith.addf %get3A_493, %get3A_499 : vector<16xf32>
        %get3A_501 = arith.constant 1 : i32
        %get3A_502 = arith.index_cast %get3A_501 : i32 to index
        %get3A_503 = arith.index_cast %scan3A_412 : i32 to index
        %get3A_504 = arith.index_cast %add3A_487 : i32 to index
        %get3A_505 = tpu.vector_load %arg10[%get3A_502, %get3A_503, %get3A_504] {strides = array<i32>} : memref<2x16x1024xf32, #tpu.memory_space<vmem>>, vector<1x1x16xf32>,
        %get3A_506 = vector.shape_cast %get3A_505 : vector<1x1x16xf32> to vector<16xf32>
        %add3A_507 = arith.addf %add3A_500, %get3A_506 : vector<16xf32>
        %swap3A_508 = arith.constant 1 : i32
        %swap3A_509 = arith.index_cast %swap3A_508 : i32 to index
        %swap3A_510 = arith.index_cast %scan3A_412 : i32 to index
        %swap3A_511 = arith.index_cast %add3A_487 : i32 to index
        %swap3A_512 = tpu.vector_load %arg11[%swap3A_509, %swap3A_510, %swap3A_511] {strides = array<i32>} : memref<2x16x1024xf32, #tpu.memory_space<vmem>>, vector<1x1x16xf32>,
        %swap3A_513 = vector.shape_cast %swap3A_512 : vector<1x1x16xf32> to vector<16xf32>
        %swap3A_514 = vector.shape_cast %add3A_507 : vector<16xf32> to vector<1x1x16xf32>
        tpu.vector_store %arg11[%swap3A_509, %swap3A_510, %swap3A_511], %swap3A_514 {strides = array<i32>} : memref<2x16x1024xf32, #tpu.memory_space<vmem>>, vector<1x1x16xf32>,
        %mul3A_515 = arith.constant 64 : i32
        %mul3A_516 = arith.muli %scan3A_422, %mul3A_515 : i32
        %add3A_517 = arith.constant 48 : i32
        %add3A_518 = arith.addi %mul3A_516, %add3A_517 : i32
        %get3A_519 = arith.constant 1 : i32
        %get3A_520 = arith.index_cast %get3A_519 : i32 to index
        %get3A_521 = arith.index_cast %scan3A_412 : i32 to index
        %get3A_522 = arith.index_cast %add3A_518 : i32 to index
        %get3A_523 = tpu.vector_load %arg11[%get3A_520, %get3A_521, %get3A_522] {strides = array<i32>} : memref<2x16x1024xf32, #tpu.memory_space<vmem>>, vector<1x1x16xf32>,
        %get3A_524 = vector.shape_cast %get3A_523 : vector<1x1x16xf32> to vector<16xf32>
        %get3A_525 = arith.constant 1 : i32
        %get3A_526 = arith.index_cast %get3A_525 : i32 to index
        %get3A_527 = arith.index_cast %scan3A_412 : i32 to index
        %get3A_528 = arith.index_cast %add3A_518 : i32 to index
        %get3A_529 = tpu.vector_load %arg9[%get3A_526, %get3A_527, %get3A_528] {strides = array<i32>} : memref<2x16x1024xf32, #tpu.memory_space<vmem>>, vector<1x1x16xf32>,
        %get3A_530 = vector.shape_cast %get3A_529 : vector<1x1x16xf32> to vector<16xf32>
        %add3A_531 = arith.addf %get3A_524, %get3A_530 : vector<16xf32>
        %get3A_532 = arith.constant 1 : i32
        %get3A_533 = arith.index_cast %get3A_532 : i32 to index
        %get3A_534 = arith.index_cast %scan3A_412 : i32 to index
        %get3A_535 = arith.index_cast %add3A_518 : i32 to index
        %get3A_536 = tpu.vector_load %arg10[%get3A_533, %get3A_534, %get3A_535] {strides = array<i32>} : memref<2x16x1024xf32, #tpu.memory_space<vmem>>, vector<1x1x16xf32>,
        %get3A_537 = vector.shape_cast %get3A_536 : vector<1x1x16xf32> to vector<16xf32>
        %add3A_538 = arith.addf %add3A_531, %get3A_537 : vector<16xf32>
        %swap3A_539 = arith.constant 1 : i32
        %swap3A_540 = arith.index_cast %swap3A_539 : i32 to index
        %swap3A_541 = arith.index_cast %scan3A_412 : i32 to index
        %swap3A_542 = arith.index_cast %add3A_518 : i32 to index
        %swap3A_543 = tpu.vector_load %arg11[%swap3A_540, %swap3A_541, %swap3A_542] {strides = array<i32>} : memref<2x16x1024xf32, #tpu.memory_space<vmem>>, vector<1x1x16xf32>,
        %swap3A_544 = vector.shape_cast %swap3A_543 : vector<1x1x16xf32> to vector<16xf32>
        %swap3A_545 = vector.shape_cast %add3A_538 : vector<16xf32> to vector<1x1x16xf32>
        tpu.vector_store %arg11[%swap3A_540, %swap3A_541, %swap3A_542], %swap3A_545 {strides = array<i32>} : memref<2x16x1024xf32, #tpu.memory_space<vmem>>, vector<1x1x16xf32>,
        %scan3A_546 = arith.constant 0 : i32
        scf.yield %scan3A_546 : i32
      }
      %scan3A_420 = arith.constant 16 : i32
      %scan3A_421 = arith.constant 0 : i32
      scf.yield %scan3A_421 : i32
    }
    %scan3A_370 = arith.constant 16 : i32
    %add3A_371 = arith.constant 48 : i32
    %add3A_372 = arith.addi %mul3A_2, %add3A_371 : i32
    %dma_start3A_373 = arith.constant 1 : i32
    %dma_start3A_374 = arith.constant 0 : i32
    %dma_start3A_375 = arith.constant 0 : i32
    %dma_start3A_376 = tpu.memref_slice %arg11[%dma_start3A_373, %dma_start3A_374, %dma_start3A_375] : memref<2x16x1024xf32, #tpu.memory_space<vmem>> -> memref<1x16x1024xf32, #tpu.memory_space<vmem>>
    %dma_start3A_377 = tpu.memref_squeeze %dma_start3A_376 : memref<1x16x1024xf32, #tpu.memory_space<vmem>> -> memref<16x1024xf32, #tpu.memory_space<vmem>>
    %dma_start3A_378 = arith.constant 0 : i32
    %dma_start3A_379 = tpu.memref_slice %arg6[%add3A_372, %dma_start3A_378] : memref<2048x1024xf32, #tpu.memory_space<hbm>> -> memref<16x1024xf32, #tpu.memory_space<hbm>>
    %dma_start3A_380 = arith.constant 0 : i32
    %dma_start3A_381 = tpu.memref_slice %arg6[%add3A_372, %dma_start3A_380] : memref<2048x1024xf32, #tpu.memory_space<hbm>> -> memref<16x1024xf32, #tpu.memory_space<hbm>>
    %dma_start3A_382 = arith.constant 0 : i32
    %dma_start3A_383 = arith.constant 0 : i32
    %dma_start3A_384 = tpu.memref_slice %arg11[%dma_start3A_373, %dma_start3A_382, %dma_start3A_383] : memref<2x16x1024xf32, #tpu.memory_space<vmem>> -> memref<1x16x1024xf32, #tpu.memory_space<vmem>>
    %dma_start3A_385 = tpu.memref_squeeze %dma_start3A_384 : memref<1x16x1024xf32, #tpu.memory_space<vmem>> -> memref<16x1024xf32, #tpu.memory_space<vmem>>
    tpu.enqueue_dma source(%dma_start3A_385 : memref<16x1024xf32, #tpu.memory_space<vmem>>) target(%dma_start3A_381 : memref<16x1024xf32, #tpu.memory_space<hbm>>) target_semaphore(%arg15 : memref<!tpu.dma_semaphore, #tpu.memory_space<semaphore_mem>>)
    %dma_wait3A_386 = arith.constant 0 : i32
    %dma_wait3A_387 = arith.constant 0 : i32
    %dma_wait3A_388 = arith.constant 0 : i32
    %dma_wait3A_389 = tpu.memref_slice %arg11[%dma_wait3A_386, %dma_wait3A_387, %dma_wait3A_388] : memref<2x16x1024xf32, #tpu.memory_space<vmem>> -> memref<1x16x1024xf32, #tpu.memory_space<vmem>>
    %dma_wait3A_390 = tpu.memref_squeeze %dma_wait3A_389 : memref<1x16x1024xf32, #tpu.memory_space<vmem>> -> memref<16x1024xf32, #tpu.memory_space<vmem>>
    %dma_wait3A_391 = arith.constant 0 : i32
    %dma_wait3A_392 = tpu.memref_slice %arg6[%add3A_317, %dma_wait3A_391] : memref<2048x1024xf32, #tpu.memory_space<hbm>> -> memref<16x1024xf32, #tpu.memory_space<hbm>>
    %dma_wait3A_393 = arith.constant 0 : i32
    %dma_wait3A_394 = tpu.memref_slice %arg6[%add3A_317, %dma_wait3A_393] : memref<2048x1024xf32, #tpu.memory_space<hbm>> -> memref<16x1024xf32, #tpu.memory_space<hbm>>
    %dma_wait3A_395 = arith.constant 0 : i32
    %dma_wait3A_396 = arith.constant 0 : i32
    %dma_wait3A_397 = tpu.memref_slice %arg11[%dma_wait3A_386, %dma_wait3A_395, %dma_wait3A_396] : memref<2x16x1024xf32, #tpu.memory_space<vmem>> -> memref<1x16x1024xf32, #tpu.memory_space<vmem>>
    %dma_wait3A_398 = tpu.memref_squeeze %dma_wait3A_397 : memref<1x16x1024xf32, #tpu.memory_space<vmem>> -> memref<16x1024xf32, #tpu.memory_space<vmem>>
    tpu.wait_dma2 semaphore(%arg14 : memref<!tpu.dma_semaphore, #tpu.memory_space<semaphore_mem>>) src(%dma_wait3A_398 : memref<16x1024xf32, #tpu.memory_space<vmem>>) dst(%dma_wait3A_394 : memref<16x1024xf32, #tpu.memory_space<hbm>>)
    %dma_wait3A_399 = arith.constant 1 : i32
    %dma_wait3A_400 = arith.constant 0 : i32
    %dma_wait3A_401 = arith.constant 0 : i32
    %dma_wait3A_402 = tpu.memref_slice %arg11[%dma_wait3A_399, %dma_wait3A_400, %dma_wait3A_401] : memref<2x16x1024xf32, #tpu.memory_space<vmem>> -> memref<1x16x1024xf32, #tpu.memory_space<vmem>>
    %dma_wait3A_403 = tpu.memref_squeeze %dma_wait3A_402 : memref<1x16x1024xf32, #tpu.memory_space<vmem>> -> memref<16x1024xf32, #tpu.memory_space<vmem>>
    %dma_wait3A_404 = arith.constant 0 : i32
    %dma_wait3A_405 = tpu.memref_slice %arg6[%add3A_372, %dma_wait3A_404] : memref<2048x1024xf32, #tpu.memory_space<hbm>> -> memref<16x1024xf32, #tpu.memory_space<hbm>>
    %dma_wait3A_406 = arith.constant 0 : i32
    %dma_wait3A_407 = tpu.memref_slice %arg6[%add3A_372, %dma_wait3A_406] : memref<2048x1024xf32, #tpu.memory_space<hbm>> -> memref<16x1024xf32, #tpu.memory_space<hbm>>
    %dma_wait3A_408 = arith.constant 0 : i32
    %dma_wait3A_409 = arith.constant 0 : i32
    %dma_wait3A_410 = tpu.memref_slice %arg11[%dma_wait3A_399, %dma_wait3A_408, %dma_wait3A_409] : memref<2x16x1024xf32, #tpu.memory_space<vmem>> -> memref<1x16x1024xf32, #tpu.memory_space<vmem>>
    %dma_wait3A_411 = tpu.memref_squeeze %dma_wait3A_410 : memref<1x16x1024xf32, #tpu.memory_space<vmem>> -> memref<16x1024xf32, #tpu.memory_space<vmem>>
    tpu.wait_dma2 semaphore(%arg15 : memref<!tpu.dma_semaphore, #tpu.memory_space<semaphore_mem>>) src(%dma_wait3A_411 : memref<16x1024xf32, #tpu.memory_space<vmem>>) dst(%dma_wait3A_407 : memref<16x1024xf32, #tpu.memory_space<hbm>>)
    return
  }
}

#map = affine_map<(d0, d1) -> (0, 0)>
#map1 = affine_map<(d0, d1) -> (0)>
module attributes {stable_mosaic.version = 14 : i64} {
  func.func @sc_gather(%arg0: i32, %arg1: i32, %arg2: memref<2048x1024xf32, #tpu.memory_space<hbm>>, %arg3: memref<2048xi32, #tpu.memory_space<hbm>>, %arg4: memref<2048xi32, #tpu.memory_space<hbm>>, %arg5: memref<2048xf32, #tpu.memory_space<hbm>>, %arg6: memref<2048xf32, #tpu.memory_space<hbm>>, %arg7: memref<5120x1024xf32, #tpu.memory_space<hbm>>, %arg8: memref<5120xf32, #tpu.memory_space<hbm>>, %arg9: memref<2048xi32, #tpu.memory_space<vmem>>, %arg10: memref<2048xi32, #tpu.memory_space<vmem>>, %arg11: memref<2048xf32, #tpu.memory_space<vmem>>, %arg12: memref<2048xf32, #tpu.memory_space<vmem>>, %arg13: memref<160xi32, #tpu.memory_space<vmem>>, %arg14: memref<160xf32, #tpu.memory_space<vmem>>, %arg15: memref<4x16x1024xf32, #tpu.memory_space<vmem>>, %arg16: memref<!tpu.dma_semaphore, #tpu.memory_space<semaphore_mem>>, %arg17: memref<!tpu.dma_semaphore, #tpu.memory_space<semaphore_mem>>, %arg18: memref<!tpu.dma_semaphore, #tpu.memory_space<semaphore_mem>>, %arg19: memref<!tpu.dma_semaphore, #tpu.memory_space<semaphore_mem>>, %arg20: memref<!tpu.dma_semaphore, #tpu.memory_space<semaphore_mem>>, %arg21: memref<!tpu.dma_semaphore, #tpu.memory_space<semaphore_mem>>, %arg22: memref<!tpu.dma_semaphore, #tpu.memory_space<semaphore_mem>>, %arg23: memref<!tpu.dma_semaphore, #tpu.memory_space<semaphore_mem>>) attributes {dimension_semantics = [#tpu.dimension_semantics<core_parallel>, #tpu.dimension_semantics<subcore_parallel>], iteration_bounds = array<i64: 2, 16>, scalar_prefetch = 0 : i64, scratch_operands = 15 : i64, tpu.core_type = #tpu.core_type<sc_vector_subcore>, window_params = [{transform_indices = #map}, {transform_indices = #map1}, {transform_indices = #map1}, {transform_indices = #map1}, {transform_indices = #map1}, {transform_indices = #map}, {transform_indices = #map1}]} {
    %mul3A = arith.constant 2 : i32
    %mul3A_0 = arith.muli %arg1, %mul3A : i32
    %add3A = arith.addi %mul3A_0, %arg0 : i32
    %mul3A_1 = arith.constant 160 : i32
    %mul3A_2 = arith.muli %add3A, %mul3A_1 : i32
    "tpu.region"() ({
      %run_scoped3A = tpu.sem_alloc : memref<!tpu.dma_semaphore, #tpu.memory_space<semaphore_mem>>
      tpu.enqueue_dma source(%arg3 : memref<2048xi32, #tpu.memory_space<hbm>>) target(%arg9 : memref<2048xi32, #tpu.memory_space<vmem>>) target_semaphore(%run_scoped3A : memref<!tpu.dma_semaphore, #tpu.memory_space<semaphore_mem>>)
      tpu.wait_dma2 semaphore(%run_scoped3A : memref<!tpu.dma_semaphore, #tpu.memory_space<semaphore_mem>>) src(%arg3 : memref<2048xi32, #tpu.memory_space<hbm>>) dst(%arg9 : memref<2048xi32, #tpu.memory_space<vmem>>)
      tpu.yield
    }) : () -> ()
    "tpu.region"() ({
      %run_scoped3A = tpu.sem_alloc : memref<!tpu.dma_semaphore, #tpu.memory_space<semaphore_mem>>
      tpu.enqueue_dma source(%arg4 : memref<2048xi32, #tpu.memory_space<hbm>>) target(%arg10 : memref<2048xi32, #tpu.memory_space<vmem>>) target_semaphore(%run_scoped3A : memref<!tpu.dma_semaphore, #tpu.memory_space<semaphore_mem>>)
      tpu.wait_dma2 semaphore(%run_scoped3A : memref<!tpu.dma_semaphore, #tpu.memory_space<semaphore_mem>>) src(%arg4 : memref<2048xi32, #tpu.memory_space<hbm>>) dst(%arg10 : memref<2048xi32, #tpu.memory_space<vmem>>)
      tpu.yield
    }) : () -> ()
    "tpu.region"() ({
      %run_scoped3A = tpu.sem_alloc : memref<!tpu.dma_semaphore, #tpu.memory_space<semaphore_mem>>
      tpu.enqueue_dma source(%arg5 : memref<2048xf32, #tpu.memory_space<hbm>>) target(%arg11 : memref<2048xf32, #tpu.memory_space<vmem>>) target_semaphore(%run_scoped3A : memref<!tpu.dma_semaphore, #tpu.memory_space<semaphore_mem>>)
      tpu.wait_dma2 semaphore(%run_scoped3A : memref<!tpu.dma_semaphore, #tpu.memory_space<semaphore_mem>>) src(%arg5 : memref<2048xf32, #tpu.memory_space<hbm>>) dst(%arg11 : memref<2048xf32, #tpu.memory_space<vmem>>)
      tpu.yield
    }) : () -> ()
    "tpu.region"() ({
      %run_scoped3A = tpu.sem_alloc : memref<!tpu.dma_semaphore, #tpu.memory_space<semaphore_mem>>
      tpu.enqueue_dma source(%arg6 : memref<2048xf32, #tpu.memory_space<hbm>>) target(%arg12 : memref<2048xf32, #tpu.memory_space<vmem>>) target_semaphore(%run_scoped3A : memref<!tpu.dma_semaphore, #tpu.memory_space<semaphore_mem>>)
      tpu.wait_dma2 semaphore(%run_scoped3A : memref<!tpu.dma_semaphore, #tpu.memory_space<semaphore_mem>>) src(%arg6 : memref<2048xf32, #tpu.memory_space<hbm>>) dst(%arg12 : memref<2048xf32, #tpu.memory_space<vmem>>)
      tpu.yield
    }) : () -> ()
    %iota3A = tpu.iota {dimensions = array<i32: 0>} : vector<16xi32>
    %scan3A = arith.constant 0 : i32
    %scan3A_3 = arith.constant 0 : i32
    %scan3A_4 = arith.constant 10 : i32
    %scan3A_5 = arith.addi %scan3A_3, %scan3A_4 : i32
    %scan3A_6 = arith.constant 1 : i32
    %scan3A_7 = scf.for %scan3A_494 = %scan3A_3 to %scan3A_5 step %scan3A_6 iter_args(%scan3A_495 = %scan3A) -> (i32)  : i32 {
      %mul3A_496 = arith.constant 16 : i32
      %mul3A_497 = arith.muli %scan3A_494, %mul3A_496 : i32
      %mul3A_498 = arith.constant 16 : i32
      %mul3A_499 = arith.muli %scan3A_494, %mul3A_498 : i32
      %add3A_500 = arith.addi %mul3A_2, %mul3A_499 : i32
      %add3A_501 = vector.broadcast %add3A_500 : i32 to vector<16xi32>
      %add3A_502 = arith.addi %add3A_501, %iota3A : vector<16xi32>
      %and3A = arith.constant 2047 : i32
      %and3A_503 = vector.broadcast %and3A : i32 to vector<16xi32>
      %and3A_504 = arith.andi %add3A_502, %and3A_503 : vector<16xi32>
      %swap3A = arith.index_cast %mul3A_497 : i32 to index
      %swap3A_505 = tpu.vector_load %arg13[%swap3A] {strides = array<i32>} : memref<160xi32, #tpu.memory_space<vmem>>, vector<16xi32>,
      tpu.vector_store %arg13[%swap3A], %and3A_504 {strides = array<i32>} : memref<160xi32, #tpu.memory_space<vmem>>, vector<16xi32>,
      %broadcast_in_dim3A = arith.constant 0.000000e+00 : f32
      %broadcast_in_dim3A_506 = vector.broadcast %broadcast_in_dim3A : f32 to vector<16xf32>
      %swap3A_507 = arith.index_cast %mul3A_497 : i32 to index
      %swap3A_508 = tpu.vector_load %arg14[%swap3A_507] {strides = array<i32>} : memref<160xf32, #tpu.memory_space<vmem>>, vector<16xf32>,
      tpu.vector_store %arg14[%swap3A_507], %broadcast_in_dim3A_506 {strides = array<i32>} : memref<160xf32, #tpu.memory_space<vmem>>, vector<16xf32>,
      %scan3A_509 = arith.constant 0 : i32
      scf.yield %scan3A_509 : i32
    }
    %scan3A_8 = arith.constant 10 : i32
    %scan3A_9 = arith.constant 0 : i32
    %scan3A_10 = arith.constant 0 : i32
    %scan3A_11 = arith.constant 128 : i32
    %scan3A_12 = arith.addi %scan3A_10, %scan3A_11 : i32
    %scan3A_13 = arith.constant 1 : i32
    %scan3A_14 = scf.for %scan3A_494 = %scan3A_10 to %scan3A_12 step %scan3A_13 iter_args(%scan3A_495 = %scan3A_9) -> (i32)  : i32 {
      %mul3A_496 = arith.constant 16 : i32
      %mul3A_497 = arith.muli %scan3A_494, %mul3A_496 : i32
      %add3A_498 = vector.broadcast %mul3A_497 : i32 to vector<16xi32>
      %add3A_499 = arith.addi %add3A_498, %iota3A : vector<16xi32>
      %get3A = arith.index_cast %mul3A_497 : i32 to index
      %get3A_500 = tpu.vector_load %arg9[%get3A] {strides = array<i32>} : memref<2048xi32, #tpu.memory_space<vmem>>, vector<16xi32>,
      %get3A_501 = arith.index_cast %mul3A_497 : i32 to index
      %get3A_502 = tpu.vector_load %arg11[%get3A_501] {strides = array<i32>} : memref<2048xf32, #tpu.memory_space<vmem>>, vector<16xf32>,
      %sub3A = vector.broadcast %mul3A_2 : i32 to vector<16xi32>
      %sub3A_503 = arith.subi %get3A_500, %sub3A : vector<16xi32>
      %ge3A = arith.constant 0 : i32
      %ge3A_504 = vector.broadcast %ge3A : i32 to vector<16xi32>
      %ge3A_505 = arith.cmpi sge, %sub3A_503, %ge3A_504 : vector<16xi32>
      %lt3A = arith.constant 160 : i32
      %lt3A_506 = vector.broadcast %lt3A : i32 to vector<16xi32>
      %lt3A_507 = arith.cmpi slt, %sub3A_503, %lt3A_506 : vector<16xi32>
      %and3A = arith.andi %ge3A_505, %lt3A_507 : vector<16xi1>
      %jit3A = arith.constant 0 : i32
      %jit3A_508 = arith.constant 159 : i32
      %max3A = vector.broadcast %jit3A : i32 to vector<16xi32>
      %max3A_509 = arith.maxsi %max3A, %sub3A_503 : vector<16xi32>
      %min3A = vector.broadcast %jit3A_508 : i32 to vector<16xi32>
      %min3A_510 = arith.minsi %min3A, %max3A_509 : vector<16xi32>
      tpu.vector_store_idx %arg13[%min3A_510], %add3A_499 masked %and3A : memref<160xi32, #tpu.memory_space<vmem>>[vector<16xi32>], vector<16xi32>, vector<16xi1>
      tpu.vector_store_idx %arg14[%min3A_510], %get3A_502 masked %and3A : memref<160xf32, #tpu.memory_space<vmem>>[vector<16xi32>], vector<16xf32>, vector<16xi1>
      %get3A_511 = arith.index_cast %mul3A_497 : i32 to index
      %get3A_512 = tpu.vector_load %arg10[%get3A_511] {strides = array<i32>} : memref<2048xi32, #tpu.memory_space<vmem>>, vector<16xi32>,
      %get3A_513 = arith.index_cast %mul3A_497 : i32 to index
      %get3A_514 = tpu.vector_load %arg12[%get3A_513] {strides = array<i32>} : memref<2048xf32, #tpu.memory_space<vmem>>, vector<16xf32>,
      %sub3A_515 = vector.broadcast %mul3A_2 : i32 to vector<16xi32>
      %sub3A_516 = arith.subi %get3A_512, %sub3A_515 : vector<16xi32>
      %ge3A_517 = arith.constant 0 : i32
      %ge3A_518 = vector.broadcast %ge3A_517 : i32 to vector<16xi32>
      %ge3A_519 = arith.cmpi sge, %sub3A_516, %ge3A_518 : vector<16xi32>
      %lt3A_520 = arith.constant 160 : i32
      %lt3A_521 = vector.broadcast %lt3A_520 : i32 to vector<16xi32>
      %lt3A_522 = arith.cmpi slt, %sub3A_516, %lt3A_521 : vector<16xi32>
      %and3A_523 = arith.andi %ge3A_519, %lt3A_522 : vector<16xi1>
      %jit3A_524 = arith.constant 0 : i32
      %jit3A_525 = arith.constant 159 : i32
      %max3A_526 = vector.broadcast %jit3A_524 : i32 to vector<16xi32>
      %max3A_527 = arith.maxsi %max3A_526, %sub3A_516 : vector<16xi32>
      %min3A_528 = vector.broadcast %jit3A_525 : i32 to vector<16xi32>
      %min3A_529 = arith.minsi %min3A_528, %max3A_527 : vector<16xi32>
      tpu.vector_store_idx %arg13[%min3A_529], %add3A_499 masked %and3A_523 : memref<160xi32, #tpu.memory_space<vmem>>[vector<16xi32>], vector<16xi32>, vector<16xi1>
      tpu.vector_store_idx %arg14[%min3A_529], %get3A_514 masked %and3A_523 : memref<160xf32, #tpu.memory_space<vmem>>[vector<16xi32>], vector<16xf32>, vector<16xi1>
      %scan3A_530 = arith.constant 0 : i32
      scf.yield %scan3A_530 : i32
    }
    %scan3A_15 = arith.constant 128 : i32
    "tpu.region"() ({
      %run_scoped3A = tpu.sem_alloc : memref<!tpu.dma_semaphore, #tpu.memory_space<semaphore_mem>>
      %dma_start3A_494 = tpu.memref_slice %arg8[%mul3A_2] : memref<5120xf32, #tpu.memory_space<hbm>> -> memref<160xf32, #tpu.memory_space<hbm>>
      %dma_start3A_495 = tpu.memref_slice %arg8[%mul3A_2] : memref<5120xf32, #tpu.memory_space<hbm>> -> memref<160xf32, #tpu.memory_space<hbm>>
      tpu.enqueue_dma source(%arg14 : memref<160xf32, #tpu.memory_space<vmem>>) target(%dma_start3A_495 : memref<160xf32, #tpu.memory_space<hbm>>) target_semaphore(%run_scoped3A : memref<!tpu.dma_semaphore, #tpu.memory_space<semaphore_mem>>)
      %dma_wait3A_496 = tpu.memref_slice %arg8[%mul3A_2] : memref<5120xf32, #tpu.memory_space<hbm>> -> memref<160xf32, #tpu.memory_space<hbm>>
      %dma_wait3A_497 = tpu.memref_slice %arg8[%mul3A_2] : memref<5120xf32, #tpu.memory_space<hbm>> -> memref<160xf32, #tpu.memory_space<hbm>>
      tpu.wait_dma2 semaphore(%run_scoped3A : memref<!tpu.dma_semaphore, #tpu.memory_space<semaphore_mem>>) src(%arg14 : memref<160xf32, #tpu.memory_space<vmem>>) dst(%dma_wait3A_497 : memref<160xf32, #tpu.memory_space<hbm>>)
      tpu.yield
    }) : () -> ()
    %dma_start3A = arith.constant 0 : i32
    %dma_start3A_16 = arith.constant 0 : i32
    %dma_start3A_17 = arith.constant 0 : i32
    %dma_start3A_18 = tpu.memref_slice %arg15[%dma_start3A, %dma_start3A_16, %dma_start3A_17] : memref<4x16x1024xf32, #tpu.memory_space<vmem>> -> memref<1x16x1024xf32, #tpu.memory_space<vmem>>
    %dma_start3A_19 = tpu.memref_squeeze %dma_start3A_18 : memref<1x16x1024xf32, #tpu.memory_space<vmem>> -> memref<16x1024xf32, #tpu.memory_space<vmem>>
    %dma_start3A_20 = arith.constant 0 : i32
    %dma_start3A_21 = tpu.memref_slice %arg13[%dma_start3A_20] : memref<160xi32, #tpu.memory_space<vmem>> -> memref<16xi32, #tpu.memory_space<vmem>>
    %dma_start3A_22 = arith.constant 0 : i32
    %dma_start3A_23 = arith.constant 0 : i32
    %dma_start3A_24 = tpu.memref_slice %arg2[%dma_start3A_22, %dma_start3A_23] : memref<2048x1024xf32, #tpu.memory_space<hbm>> -> memref<2048x1024xf32, #tpu.memory_space<hbm>>
    tpu.enqueue_indirect_dma source(%dma_start3A_24 : memref<2048x1024xf32, #tpu.memory_space<hbm>>) target(%dma_start3A_19 : memref<16x1024xf32, #tpu.memory_space<vmem>>) offsets(%dma_start3A_21 : memref<16xi32, #tpu.memory_space<vmem>>) semaphore(%arg16 : memref<!tpu.dma_semaphore, #tpu.memory_space<semaphore_mem>>)
    %dma_start3A_25 = arith.constant 1 : i32
    %dma_start3A_26 = arith.constant 0 : i32
    %dma_start3A_27 = arith.constant 0 : i32
    %dma_start3A_28 = tpu.memref_slice %arg15[%dma_start3A_25, %dma_start3A_26, %dma_start3A_27] : memref<4x16x1024xf32, #tpu.memory_space<vmem>> -> memref<1x16x1024xf32, #tpu.memory_space<vmem>>
    %dma_start3A_29 = tpu.memref_squeeze %dma_start3A_28 : memref<1x16x1024xf32, #tpu.memory_space<vmem>> -> memref<16x1024xf32, #tpu.memory_space<vmem>>
    %dma_start3A_30 = arith.constant 16 : i32
    %dma_start3A_31 = tpu.memref_slice %arg13[%dma_start3A_30] : memref<160xi32, #tpu.memory_space<vmem>> -> memref<16xi32, #tpu.memory_space<vmem>>
    %dma_start3A_32 = arith.constant 0 : i32
    %dma_start3A_33 = arith.constant 0 : i32
    %dma_start3A_34 = tpu.memref_slice %arg2[%dma_start3A_32, %dma_start3A_33] : memref<2048x1024xf32, #tpu.memory_space<hbm>> -> memref<2048x1024xf32, #tpu.memory_space<hbm>>
    tpu.enqueue_indirect_dma source(%dma_start3A_34 : memref<2048x1024xf32, #tpu.memory_space<hbm>>) target(%dma_start3A_29 : memref<16x1024xf32, #tpu.memory_space<vmem>>) offsets(%dma_start3A_31 : memref<16xi32, #tpu.memory_space<vmem>>) semaphore(%arg17 : memref<!tpu.dma_semaphore, #tpu.memory_space<semaphore_mem>>)
    %dma_start3A_35 = arith.constant 2 : i32
    %dma_start3A_36 = arith.constant 0 : i32
    %dma_start3A_37 = arith.constant 0 : i32
    %dma_start3A_38 = tpu.memref_slice %arg15[%dma_start3A_35, %dma_start3A_36, %dma_start3A_37] : memref<4x16x1024xf32, #tpu.memory_space<vmem>> -> memref<1x16x1024xf32, #tpu.memory_space<vmem>>
    %dma_start3A_39 = tpu.memref_squeeze %dma_start3A_38 : memref<1x16x1024xf32, #tpu.memory_space<vmem>> -> memref<16x1024xf32, #tpu.memory_space<vmem>>
    %dma_start3A_40 = arith.constant 32 : i32
    %dma_start3A_41 = tpu.memref_slice %arg13[%dma_start3A_40] : memref<160xi32, #tpu.memory_space<vmem>> -> memref<16xi32, #tpu.memory_space<vmem>>
    %dma_start3A_42 = arith.constant 0 : i32
    %dma_start3A_43 = arith.constant 0 : i32
    %dma_start3A_44 = tpu.memref_slice %arg2[%dma_start3A_42, %dma_start3A_43] : memref<2048x1024xf32, #tpu.memory_space<hbm>> -> memref<2048x1024xf32, #tpu.memory_space<hbm>>
    tpu.enqueue_indirect_dma source(%dma_start3A_44 : memref<2048x1024xf32, #tpu.memory_space<hbm>>) target(%dma_start3A_39 : memref<16x1024xf32, #tpu.memory_space<vmem>>) offsets(%dma_start3A_41 : memref<16xi32, #tpu.memory_space<vmem>>) semaphore(%arg18 : memref<!tpu.dma_semaphore, #tpu.memory_space<semaphore_mem>>)
    %dma_start3A_45 = arith.constant 3 : i32
    %dma_start3A_46 = arith.constant 0 : i32
    %dma_start3A_47 = arith.constant 0 : i32
    %dma_start3A_48 = tpu.memref_slice %arg15[%dma_start3A_45, %dma_start3A_46, %dma_start3A_47] : memref<4x16x1024xf32, #tpu.memory_space<vmem>> -> memref<1x16x1024xf32, #tpu.memory_space<vmem>>
    %dma_start3A_49 = tpu.memref_squeeze %dma_start3A_48 : memref<1x16x1024xf32, #tpu.memory_space<vmem>> -> memref<16x1024xf32, #tpu.memory_space<vmem>>
    %dma_start3A_50 = arith.constant 48 : i32
    %dma_start3A_51 = tpu.memref_slice %arg13[%dma_start3A_50] : memref<160xi32, #tpu.memory_space<vmem>> -> memref<16xi32, #tpu.memory_space<vmem>>
    %dma_start3A_52 = arith.constant 0 : i32
    %dma_start3A_53 = arith.constant 0 : i32
    %dma_start3A_54 = tpu.memref_slice %arg2[%dma_start3A_52, %dma_start3A_53] : memref<2048x1024xf32, #tpu.memory_space<hbm>> -> memref<2048x1024xf32, #tpu.memory_space<hbm>>
    tpu.enqueue_indirect_dma source(%dma_start3A_54 : memref<2048x1024xf32, #tpu.memory_space<hbm>>) target(%dma_start3A_49 : memref<16x1024xf32, #tpu.memory_space<vmem>>) offsets(%dma_start3A_51 : memref<16xi32, #tpu.memory_space<vmem>>) semaphore(%arg19 : memref<!tpu.dma_semaphore, #tpu.memory_space<semaphore_mem>>)
    %dma_wait3A = arith.constant 0 : i32
    %dma_wait3A_55 = arith.constant 0 : i32
    %dma_wait3A_56 = arith.constant 0 : i32
    %dma_wait3A_57 = tpu.memref_slice %arg15[%dma_wait3A, %dma_wait3A_55, %dma_wait3A_56] : memref<4x16x1024xf32, #tpu.memory_space<vmem>> -> memref<1x16x1024xf32, #tpu.memory_space<vmem>>
    %dma_wait3A_58 = tpu.memref_squeeze %dma_wait3A_57 : memref<1x16x1024xf32, #tpu.memory_space<vmem>> -> memref<16x1024xf32, #tpu.memory_space<vmem>>
    %dma_wait3A_59 = arith.constant 0 : i32
    %dma_wait3A_60 = tpu.memref_slice %arg13[%dma_wait3A_59] : memref<160xi32, #tpu.memory_space<vmem>> -> memref<16xi32, #tpu.memory_space<vmem>>
    %dma_wait3A_61 = arith.constant 0 : i32
    %dma_wait3A_62 = arith.constant 0 : i32
    %dma_wait3A_63 = tpu.memref_slice %arg2[%dma_wait3A_61, %dma_wait3A_62] : memref<2048x1024xf32, #tpu.memory_space<hbm>> -> memref<2048x1024xf32, #tpu.memory_space<hbm>>
    tpu.wait_indirect_dma semaphore(%arg16 : memref<!tpu.dma_semaphore, #tpu.memory_space<semaphore_mem>>) src(%dma_wait3A_63 : memref<2048x1024xf32, #tpu.memory_space<hbm>>) dst(%dma_wait3A_58 : memref<16x1024xf32, #tpu.memory_space<vmem>>)
    %add3A_64 = arith.constant 0 : i32
    %add3A_65 = arith.addi %mul3A_2, %add3A_64 : i32
    %dma_start3A_66 = arith.constant 0 : i32
    %dma_start3A_67 = arith.constant 0 : i32
    %dma_start3A_68 = arith.constant 0 : i32
    %dma_start3A_69 = tpu.memref_slice %arg15[%dma_start3A_66, %dma_start3A_67, %dma_start3A_68] : memref<4x16x1024xf32, #tpu.memory_space<vmem>> -> memref<1x16x1024xf32, #tpu.memory_space<vmem>>
    %dma_start3A_70 = tpu.memref_squeeze %dma_start3A_69 : memref<1x16x1024xf32, #tpu.memory_space<vmem>> -> memref<16x1024xf32, #tpu.memory_space<vmem>>
    %dma_start3A_71 = arith.constant 0 : i32
    %dma_start3A_72 = tpu.memref_slice %arg7[%add3A_65, %dma_start3A_71] : memref<5120x1024xf32, #tpu.memory_space<hbm>> -> memref<16x1024xf32, #tpu.memory_space<hbm>>
    %dma_start3A_73 = arith.constant 0 : i32
    %dma_start3A_74 = tpu.memref_slice %arg7[%add3A_65, %dma_start3A_73] : memref<5120x1024xf32, #tpu.memory_space<hbm>> -> memref<16x1024xf32, #tpu.memory_space<hbm>>
    %dma_start3A_75 = arith.constant 0 : i32
    %dma_start3A_76 = arith.constant 0 : i32
    %dma_start3A_77 = tpu.memref_slice %arg15[%dma_start3A_66, %dma_start3A_75, %dma_start3A_76] : memref<4x16x1024xf32, #tpu.memory_space<vmem>> -> memref<1x16x1024xf32, #tpu.memory_space<vmem>>
    %dma_start3A_78 = tpu.memref_squeeze %dma_start3A_77 : memref<1x16x1024xf32, #tpu.memory_space<vmem>> -> memref<16x1024xf32, #tpu.memory_space<vmem>>
    tpu.enqueue_dma source(%dma_start3A_78 : memref<16x1024xf32, #tpu.memory_space<vmem>>) target(%dma_start3A_74 : memref<16x1024xf32, #tpu.memory_space<hbm>>) target_semaphore(%arg20 : memref<!tpu.dma_semaphore, #tpu.memory_space<semaphore_mem>>)
    %dma_wait3A_79 = arith.constant 0 : i32
    %dma_wait3A_80 = arith.constant 0 : i32
    %dma_wait3A_81 = arith.constant 0 : i32
    %dma_wait3A_82 = tpu.memref_slice %arg15[%dma_wait3A_79, %dma_wait3A_80, %dma_wait3A_81] : memref<4x16x1024xf32, #tpu.memory_space<vmem>> -> memref<1x16x1024xf32, #tpu.memory_space<vmem>>
    %dma_wait3A_83 = tpu.memref_squeeze %dma_wait3A_82 : memref<1x16x1024xf32, #tpu.memory_space<vmem>> -> memref<16x1024xf32, #tpu.memory_space<vmem>>
    %dma_wait3A_84 = arith.constant 0 : i32
    %dma_wait3A_85 = tpu.memref_slice %arg7[%add3A_65, %dma_wait3A_84] : memref<5120x1024xf32, #tpu.memory_space<hbm>> -> memref<16x1024xf32, #tpu.memory_space<hbm>>
    %dma_wait3A_86 = arith.constant 0 : i32
    %dma_wait3A_87 = tpu.memref_slice %arg7[%add3A_65, %dma_wait3A_86] : memref<5120x1024xf32, #tpu.memory_space<hbm>> -> memref<16x1024xf32, #tpu.memory_space<hbm>>
    %dma_wait3A_88 = arith.constant 0 : i32
    %dma_wait3A_89 = arith.constant 0 : i32
    %dma_wait3A_90 = tpu.memref_slice %arg15[%dma_wait3A_79, %dma_wait3A_88, %dma_wait3A_89] : memref<4x16x1024xf32, #tpu.memory_space<vmem>> -> memref<1x16x1024xf32, #tpu.memory_space<vmem>>
    %dma_wait3A_91 = tpu.memref_squeeze %dma_wait3A_90 : memref<1x16x1024xf32, #tpu.memory_space<vmem>> -> memref<16x1024xf32, #tpu.memory_space<vmem>>
    tpu.wait_dma2 semaphore(%arg20 : memref<!tpu.dma_semaphore, #tpu.memory_space<semaphore_mem>>) src(%dma_wait3A_91 : memref<16x1024xf32, #tpu.memory_space<vmem>>) dst(%dma_wait3A_87 : memref<16x1024xf32, #tpu.memory_space<hbm>>)
    %dma_start3A_92 = arith.constant 0 : i32
    %dma_start3A_93 = arith.constant 0 : i32
    %dma_start3A_94 = arith.constant 0 : i32
    %dma_start3A_95 = tpu.memref_slice %arg15[%dma_start3A_92, %dma_start3A_93, %dma_start3A_94] : memref<4x16x1024xf32, #tpu.memory_space<vmem>> -> memref<1x16x1024xf32, #tpu.memory_space<vmem>>
    %dma_start3A_96 = tpu.memref_squeeze %dma_start3A_95 : memref<1x16x1024xf32, #tpu.memory_space<vmem>> -> memref<16x1024xf32, #tpu.memory_space<vmem>>
    %dma_start3A_97 = arith.constant 64 : i32
    %dma_start3A_98 = tpu.memref_slice %arg13[%dma_start3A_97] : memref<160xi32, #tpu.memory_space<vmem>> -> memref<16xi32, #tpu.memory_space<vmem>>
    %dma_start3A_99 = arith.constant 0 : i32
    %dma_start3A_100 = arith.constant 0 : i32
    %dma_start3A_101 = tpu.memref_slice %arg2[%dma_start3A_99, %dma_start3A_100] : memref<2048x1024xf32, #tpu.memory_space<hbm>> -> memref<2048x1024xf32, #tpu.memory_space<hbm>>
    tpu.enqueue_indirect_dma source(%dma_start3A_101 : memref<2048x1024xf32, #tpu.memory_space<hbm>>) target(%dma_start3A_96 : memref<16x1024xf32, #tpu.memory_space<vmem>>) offsets(%dma_start3A_98 : memref<16xi32, #tpu.memory_space<vmem>>) semaphore(%arg16 : memref<!tpu.dma_semaphore, #tpu.memory_space<semaphore_mem>>)
    %dma_wait3A_102 = arith.constant 1 : i32
    %dma_wait3A_103 = arith.constant 0 : i32
    %dma_wait3A_104 = arith.constant 0 : i32
    %dma_wait3A_105 = tpu.memref_slice %arg15[%dma_wait3A_102, %dma_wait3A_103, %dma_wait3A_104] : memref<4x16x1024xf32, #tpu.memory_space<vmem>> -> memref<1x16x1024xf32, #tpu.memory_space<vmem>>
    %dma_wait3A_106 = tpu.memref_squeeze %dma_wait3A_105 : memref<1x16x1024xf32, #tpu.memory_space<vmem>> -> memref<16x1024xf32, #tpu.memory_space<vmem>>
    %dma_wait3A_107 = arith.constant 16 : i32
    %dma_wait3A_108 = tpu.memref_slice %arg13[%dma_wait3A_107] : memref<160xi32, #tpu.memory_space<vmem>> -> memref<16xi32, #tpu.memory_space<vmem>>
    %dma_wait3A_109 = arith.constant 0 : i32
    %dma_wait3A_110 = arith.constant 0 : i32
    %dma_wait3A_111 = tpu.memref_slice %arg2[%dma_wait3A_109, %dma_wait3A_110] : memref<2048x1024xf32, #tpu.memory_space<hbm>> -> memref<2048x1024xf32, #tpu.memory_space<hbm>>
    tpu.wait_indirect_dma semaphore(%arg17 : memref<!tpu.dma_semaphore, #tpu.memory_space<semaphore_mem>>) src(%dma_wait3A_111 : memref<2048x1024xf32, #tpu.memory_space<hbm>>) dst(%dma_wait3A_106 : memref<16x1024xf32, #tpu.memory_space<vmem>>)
    %add3A_112 = arith.constant 16 : i32
    %add3A_113 = arith.addi %mul3A_2, %add3A_112 : i32
    %dma_start3A_114 = arith.constant 1 : i32
    %dma_start3A_115 = arith.constant 0 : i32
    %dma_start3A_116 = arith.constant 0 : i32
    %dma_start3A_117 = tpu.memref_slice %arg15[%dma_start3A_114, %dma_start3A_115, %dma_start3A_116] : memref<4x16x1024xf32, #tpu.memory_space<vmem>> -> memref<1x16x1024xf32, #tpu.memory_space<vmem>>
    %dma_start3A_118 = tpu.memref_squeeze %dma_start3A_117 : memref<1x16x1024xf32, #tpu.memory_space<vmem>> -> memref<16x1024xf32, #tpu.memory_space<vmem>>
    %dma_start3A_119 = arith.constant 0 : i32
    %dma_start3A_120 = tpu.memref_slice %arg7[%add3A_113, %dma_start3A_119] : memref<5120x1024xf32, #tpu.memory_space<hbm>> -> memref<16x1024xf32, #tpu.memory_space<hbm>>
    %dma_start3A_121 = arith.constant 0 : i32
    %dma_start3A_122 = tpu.memref_slice %arg7[%add3A_113, %dma_start3A_121] : memref<5120x1024xf32, #tpu.memory_space<hbm>> -> memref<16x1024xf32, #tpu.memory_space<hbm>>
    %dma_start3A_123 = arith.constant 0 : i32
    %dma_start3A_124 = arith.constant 0 : i32
    %dma_start3A_125 = tpu.memref_slice %arg15[%dma_start3A_114, %dma_start3A_123, %dma_start3A_124] : memref<4x16x1024xf32, #tpu.memory_space<vmem>> -> memref<1x16x1024xf32, #tpu.memory_space<vmem>>
    %dma_start3A_126 = tpu.memref_squeeze %dma_start3A_125 : memref<1x16x1024xf32, #tpu.memory_space<vmem>> -> memref<16x1024xf32, #tpu.memory_space<vmem>>
    tpu.enqueue_dma source(%dma_start3A_126 : memref<16x1024xf32, #tpu.memory_space<vmem>>) target(%dma_start3A_122 : memref<16x1024xf32, #tpu.memory_space<hbm>>) target_semaphore(%arg21 : memref<!tpu.dma_semaphore, #tpu.memory_space<semaphore_mem>>)
    %dma_wait3A_127 = arith.constant 1 : i32
    %dma_wait3A_128 = arith.constant 0 : i32
    %dma_wait3A_129 = arith.constant 0 : i32
    %dma_wait3A_130 = tpu.memref_slice %arg15[%dma_wait3A_127, %dma_wait3A_128, %dma_wait3A_129] : memref<4x16x1024xf32, #tpu.memory_space<vmem>> -> memref<1x16x1024xf32, #tpu.memory_space<vmem>>
    %dma_wait3A_131 = tpu.memref_squeeze %dma_wait3A_130 : memref<1x16x1024xf32, #tpu.memory_space<vmem>> -> memref<16x1024xf32, #tpu.memory_space<vmem>>
    %dma_wait3A_132 = arith.constant 0 : i32
    %dma_wait3A_133 = tpu.memref_slice %arg7[%add3A_113, %dma_wait3A_132] : memref<5120x1024xf32, #tpu.memory_space<hbm>> -> memref<16x1024xf32, #tpu.memory_space<hbm>>
    %dma_wait3A_134 = arith.constant 0 : i32
    %dma_wait3A_135 = tpu.memref_slice %arg7[%add3A_113, %dma_wait3A_134] : memref<5120x1024xf32, #tpu.memory_space<hbm>> -> memref<16x1024xf32, #tpu.memory_space<hbm>>
    %dma_wait3A_136 = arith.constant 0 : i32
    %dma_wait3A_137 = arith.constant 0 : i32
    %dma_wait3A_138 = tpu.memref_slice %arg15[%dma_wait3A_127, %dma_wait3A_136, %dma_wait3A_137] : memref<4x16x1024xf32, #tpu.memory_space<vmem>> -> memref<1x16x1024xf32, #tpu.memory_space<vmem>>
    %dma_wait3A_139 = tpu.memref_squeeze %dma_wait3A_138 : memref<1x16x1024xf32, #tpu.memory_space<vmem>> -> memref<16x1024xf32, #tpu.memory_space<vmem>>
    tpu.wait_dma2 semaphore(%arg21 : memref<!tpu.dma_semaphore, #tpu.memory_space<semaphore_mem>>) src(%dma_wait3A_139 : memref<16x1024xf32, #tpu.memory_space<vmem>>) dst(%dma_wait3A_135 : memref<16x1024xf32, #tpu.memory_space<hbm>>)
    %dma_start3A_140 = arith.constant 1 : i32
    %dma_start3A_141 = arith.constant 0 : i32
    %dma_start3A_142 = arith.constant 0 : i32
    %dma_start3A_143 = tpu.memref_slice %arg15[%dma_start3A_140, %dma_start3A_141, %dma_start3A_142] : memref<4x16x1024xf32, #tpu.memory_space<vmem>> -> memref<1x16x1024xf32, #tpu.memory_space<vmem>>
    %dma_start3A_144 = tpu.memref_squeeze %dma_start3A_143 : memref<1x16x1024xf32, #tpu.memory_space<vmem>> -> memref<16x1024xf32, #tpu.memory_space<vmem>>
    %dma_start3A_145 = arith.constant 80 : i32
    %dma_start3A_146 = tpu.memref_slice %arg13[%dma_start3A_145] : memref<160xi32, #tpu.memory_space<vmem>> -> memref<16xi32, #tpu.memory_space<vmem>>
    %dma_start3A_147 = arith.constant 0 : i32
    %dma_start3A_148 = arith.constant 0 : i32
    %dma_start3A_149 = tpu.memref_slice %arg2[%dma_start3A_147, %dma_start3A_148] : memref<2048x1024xf32, #tpu.memory_space<hbm>> -> memref<2048x1024xf32, #tpu.memory_space<hbm>>
    tpu.enqueue_indirect_dma source(%dma_start3A_149 : memref<2048x1024xf32, #tpu.memory_space<hbm>>) target(%dma_start3A_144 : memref<16x1024xf32, #tpu.memory_space<vmem>>) offsets(%dma_start3A_146 : memref<16xi32, #tpu.memory_space<vmem>>) semaphore(%arg17 : memref<!tpu.dma_semaphore, #tpu.memory_space<semaphore_mem>>)
    %dma_wait3A_150 = arith.constant 2 : i32
    %dma_wait3A_151 = arith.constant 0 : i32
    %dma_wait3A_152 = arith.constant 0 : i32
    %dma_wait3A_153 = tpu.memref_slice %arg15[%dma_wait3A_150, %dma_wait3A_151, %dma_wait3A_152] : memref<4x16x1024xf32, #tpu.memory_space<vmem>> -> memref<1x16x1024xf32, #tpu.memory_space<vmem>>
    %dma_wait3A_154 = tpu.memref_squeeze %dma_wait3A_153 : memref<1x16x1024xf32, #tpu.memory_space<vmem>> -> memref<16x1024xf32, #tpu.memory_space<vmem>>
    %dma_wait3A_155 = arith.constant 32 : i32
    %dma_wait3A_156 = tpu.memref_slice %arg13[%dma_wait3A_155] : memref<160xi32, #tpu.memory_space<vmem>> -> memref<16xi32, #tpu.memory_space<vmem>>
    %dma_wait3A_157 = arith.constant 0 : i32
    %dma_wait3A_158 = arith.constant 0 : i32
    %dma_wait3A_159 = tpu.memref_slice %arg2[%dma_wait3A_157, %dma_wait3A_158] : memref<2048x1024xf32, #tpu.memory_space<hbm>> -> memref<2048x1024xf32, #tpu.memory_space<hbm>>
    tpu.wait_indirect_dma semaphore(%arg18 : memref<!tpu.dma_semaphore, #tpu.memory_space<semaphore_mem>>) src(%dma_wait3A_159 : memref<2048x1024xf32, #tpu.memory_space<hbm>>) dst(%dma_wait3A_154 : memref<16x1024xf32, #tpu.memory_space<vmem>>)
    %add3A_160 = arith.constant 32 : i32
    %add3A_161 = arith.addi %mul3A_2, %add3A_160 : i32
    %dma_start3A_162 = arith.constant 2 : i32
    %dma_start3A_163 = arith.constant 0 : i32
    %dma_start3A_164 = arith.constant 0 : i32
    %dma_start3A_165 = tpu.memref_slice %arg15[%dma_start3A_162, %dma_start3A_163, %dma_start3A_164] : memref<4x16x1024xf32, #tpu.memory_space<vmem>> -> memref<1x16x1024xf32, #tpu.memory_space<vmem>>
    %dma_start3A_166 = tpu.memref_squeeze %dma_start3A_165 : memref<1x16x1024xf32, #tpu.memory_space<vmem>> -> memref<16x1024xf32, #tpu.memory_space<vmem>>
    %dma_start3A_167 = arith.constant 0 : i32
    %dma_start3A_168 = tpu.memref_slice %arg7[%add3A_161, %dma_start3A_167] : memref<5120x1024xf32, #tpu.memory_space<hbm>> -> memref<16x1024xf32, #tpu.memory_space<hbm>>
    %dma_start3A_169 = arith.constant 0 : i32
    %dma_start3A_170 = tpu.memref_slice %arg7[%add3A_161, %dma_start3A_169] : memref<5120x1024xf32, #tpu.memory_space<hbm>> -> memref<16x1024xf32, #tpu.memory_space<hbm>>
    %dma_start3A_171 = arith.constant 0 : i32
    %dma_start3A_172 = arith.constant 0 : i32
    %dma_start3A_173 = tpu.memref_slice %arg15[%dma_start3A_162, %dma_start3A_171, %dma_start3A_172] : memref<4x16x1024xf32, #tpu.memory_space<vmem>> -> memref<1x16x1024xf32, #tpu.memory_space<vmem>>
    %dma_start3A_174 = tpu.memref_squeeze %dma_start3A_173 : memref<1x16x1024xf32, #tpu.memory_space<vmem>> -> memref<16x1024xf32, #tpu.memory_space<vmem>>
    tpu.enqueue_dma source(%dma_start3A_174 : memref<16x1024xf32, #tpu.memory_space<vmem>>) target(%dma_start3A_170 : memref<16x1024xf32, #tpu.memory_space<hbm>>) target_semaphore(%arg22 : memref<!tpu.dma_semaphore, #tpu.memory_space<semaphore_mem>>)
    %dma_wait3A_175 = arith.constant 2 : i32
    %dma_wait3A_176 = arith.constant 0 : i32
    %dma_wait3A_177 = arith.constant 0 : i32
    %dma_wait3A_178 = tpu.memref_slice %arg15[%dma_wait3A_175, %dma_wait3A_176, %dma_wait3A_177] : memref<4x16x1024xf32, #tpu.memory_space<vmem>> -> memref<1x16x1024xf32, #tpu.memory_space<vmem>>
    %dma_wait3A_179 = tpu.memref_squeeze %dma_wait3A_178 : memref<1x16x1024xf32, #tpu.memory_space<vmem>> -> memref<16x1024xf32, #tpu.memory_space<vmem>>
    %dma_wait3A_180 = arith.constant 0 : i32
    %dma_wait3A_181 = tpu.memref_slice %arg7[%add3A_161, %dma_wait3A_180] : memref<5120x1024xf32, #tpu.memory_space<hbm>> -> memref<16x1024xf32, #tpu.memory_space<hbm>>
    %dma_wait3A_182 = arith.constant 0 : i32
    %dma_wait3A_183 = tpu.memref_slice %arg7[%add3A_161, %dma_wait3A_182] : memref<5120x1024xf32, #tpu.memory_space<hbm>> -> memref<16x1024xf32, #tpu.memory_space<hbm>>
    %dma_wait3A_184 = arith.constant 0 : i32
    %dma_wait3A_185 = arith.constant 0 : i32
    %dma_wait3A_186 = tpu.memref_slice %arg15[%dma_wait3A_175, %dma_wait3A_184, %dma_wait3A_185] : memref<4x16x1024xf32, #tpu.memory_space<vmem>> -> memref<1x16x1024xf32, #tpu.memory_space<vmem>>
    %dma_wait3A_187 = tpu.memref_squeeze %dma_wait3A_186 : memref<1x16x1024xf32, #tpu.memory_space<vmem>> -> memref<16x1024xf32, #tpu.memory_space<vmem>>
    tpu.wait_dma2 semaphore(%arg22 : memref<!tpu.dma_semaphore, #tpu.memory_space<semaphore_mem>>) src(%dma_wait3A_187 : memref<16x1024xf32, #tpu.memory_space<vmem>>) dst(%dma_wait3A_183 : memref<16x1024xf32, #tpu.memory_space<hbm>>)
    %dma_start3A_188 = arith.constant 2 : i32
    %dma_start3A_189 = arith.constant 0 : i32
    %dma_start3A_190 = arith.constant 0 : i32
    %dma_start3A_191 = tpu.memref_slice %arg15[%dma_start3A_188, %dma_start3A_189, %dma_start3A_190] : memref<4x16x1024xf32, #tpu.memory_space<vmem>> -> memref<1x16x1024xf32, #tpu.memory_space<vmem>>
    %dma_start3A_192 = tpu.memref_squeeze %dma_start3A_191 : memref<1x16x1024xf32, #tpu.memory_space<vmem>> -> memref<16x1024xf32, #tpu.memory_space<vmem>>
    %dma_start3A_193 = arith.constant 96 : i32
    %dma_start3A_194 = tpu.memref_slice %arg13[%dma_start3A_193] : memref<160xi32, #tpu.memory_space<vmem>> -> memref<16xi32, #tpu.memory_space<vmem>>
    %dma_start3A_195 = arith.constant 0 : i32
    %dma_start3A_196 = arith.constant 0 : i32
    %dma_start3A_197 = tpu.memref_slice %arg2[%dma_start3A_195, %dma_start3A_196] : memref<2048x1024xf32, #tpu.memory_space<hbm>> -> memref<2048x1024xf32, #tpu.memory_space<hbm>>
    tpu.enqueue_indirect_dma source(%dma_start3A_197 : memref<2048x1024xf32, #tpu.memory_space<hbm>>) target(%dma_start3A_192 : memref<16x1024xf32, #tpu.memory_space<vmem>>) offsets(%dma_start3A_194 : memref<16xi32, #tpu.memory_space<vmem>>) semaphore(%arg18 : memref<!tpu.dma_semaphore, #tpu.memory_space<semaphore_mem>>)
    %dma_wait3A_198 = arith.constant 3 : i32
    %dma_wait3A_199 = arith.constant 0 : i32
    %dma_wait3A_200 = arith.constant 0 : i32
    %dma_wait3A_201 = tpu.memref_slice %arg15[%dma_wait3A_198, %dma_wait3A_199, %dma_wait3A_200] : memref<4x16x1024xf32, #tpu.memory_space<vmem>> -> memref<1x16x1024xf32, #tpu.memory_space<vmem>>
    %dma_wait3A_202 = tpu.memref_squeeze %dma_wait3A_201 : memref<1x16x1024xf32, #tpu.memory_space<vmem>> -> memref<16x1024xf32, #tpu.memory_space<vmem>>
    %dma_wait3A_203 = arith.constant 48 : i32
    %dma_wait3A_204 = tpu.memref_slice %arg13[%dma_wait3A_203] : memref<160xi32, #tpu.memory_space<vmem>> -> memref<16xi32, #tpu.memory_space<vmem>>
    %dma_wait3A_205 = arith.constant 0 : i32
    %dma_wait3A_206 = arith.constant 0 : i32
    %dma_wait3A_207 = tpu.memref_slice %arg2[%dma_wait3A_205, %dma_wait3A_206] : memref<2048x1024xf32, #tpu.memory_space<hbm>> -> memref<2048x1024xf32, #tpu.memory_space<hbm>>
    tpu.wait_indirect_dma semaphore(%arg19 : memref<!tpu.dma_semaphore, #tpu.memory_space<semaphore_mem>>) src(%dma_wait3A_207 : memref<2048x1024xf32, #tpu.memory_space<hbm>>) dst(%dma_wait3A_202 : memref<16x1024xf32, #tpu.memory_space<vmem>>)
    %add3A_208 = arith.constant 48 : i32
    %add3A_209 = arith.addi %mul3A_2, %add3A_208 : i32
    %dma_start3A_210 = arith.constant 3 : i32
    %dma_start3A_211 = arith.constant 0 : i32
    %dma_start3A_212 = arith.constant 0 : i32
    %dma_start3A_213 = tpu.memref_slice %arg15[%dma_start3A_210, %dma_start3A_211, %dma_start3A_212] : memref<4x16x1024xf32, #tpu.memory_space<vmem>> -> memref<1x16x1024xf32, #tpu.memory_space<vmem>>
    %dma_start3A_214 = tpu.memref_squeeze %dma_start3A_213 : memref<1x16x1024xf32, #tpu.memory_space<vmem>> -> memref<16x1024xf32, #tpu.memory_space<vmem>>
    %dma_start3A_215 = arith.constant 0 : i32
    %dma_start3A_216 = tpu.memref_slice %arg7[%add3A_209, %dma_start3A_215] : memref<5120x1024xf32, #tpu.memory_space<hbm>> -> memref<16x1024xf32, #tpu.memory_space<hbm>>
    %dma_start3A_217 = arith.constant 0 : i32
    %dma_start3A_218 = tpu.memref_slice %arg7[%add3A_209, %dma_start3A_217] : memref<5120x1024xf32, #tpu.memory_space<hbm>> -> memref<16x1024xf32, #tpu.memory_space<hbm>>
    %dma_start3A_219 = arith.constant 0 : i32
    %dma_start3A_220 = arith.constant 0 : i32
    %dma_start3A_221 = tpu.memref_slice %arg15[%dma_start3A_210, %dma_start3A_219, %dma_start3A_220] : memref<4x16x1024xf32, #tpu.memory_space<vmem>> -> memref<1x16x1024xf32, #tpu.memory_space<vmem>>
    %dma_start3A_222 = tpu.memref_squeeze %dma_start3A_221 : memref<1x16x1024xf32, #tpu.memory_space<vmem>> -> memref<16x1024xf32, #tpu.memory_space<vmem>>
    tpu.enqueue_dma source(%dma_start3A_222 : memref<16x1024xf32, #tpu.memory_space<vmem>>) target(%dma_start3A_218 : memref<16x1024xf32, #tpu.memory_space<hbm>>) target_semaphore(%arg23 : memref<!tpu.dma_semaphore, #tpu.memory_space<semaphore_mem>>)
    %dma_wait3A_223 = arith.constant 3 : i32
    %dma_wait3A_224 = arith.constant 0 : i32
    %dma_wait3A_225 = arith.constant 0 : i32
    %dma_wait3A_226 = tpu.memref_slice %arg15[%dma_wait3A_223, %dma_wait3A_224, %dma_wait3A_225] : memref<4x16x1024xf32, #tpu.memory_space<vmem>> -> memref<1x16x1024xf32, #tpu.memory_space<vmem>>
    %dma_wait3A_227 = tpu.memref_squeeze %dma_wait3A_226 : memref<1x16x1024xf32, #tpu.memory_space<vmem>> -> memref<16x1024xf32, #tpu.memory_space<vmem>>
    %dma_wait3A_228 = arith.constant 0 : i32
    %dma_wait3A_229 = tpu.memref_slice %arg7[%add3A_209, %dma_wait3A_228] : memref<5120x1024xf32, #tpu.memory_space<hbm>> -> memref<16x1024xf32, #tpu.memory_space<hbm>>
    %dma_wait3A_230 = arith.constant 0 : i32
    %dma_wait3A_231 = tpu.memref_slice %arg7[%add3A_209, %dma_wait3A_230] : memref<5120x1024xf32, #tpu.memory_space<hbm>> -> memref<16x1024xf32, #tpu.memory_space<hbm>>
    %dma_wait3A_232 = arith.constant 0 : i32
    %dma_wait3A_233 = arith.constant 0 : i32
    %dma_wait3A_234 = tpu.memref_slice %arg15[%dma_wait3A_223, %dma_wait3A_232, %dma_wait3A_233] : memref<4x16x1024xf32, #tpu.memory_space<vmem>> -> memref<1x16x1024xf32, #tpu.memory_space<vmem>>
    %dma_wait3A_235 = tpu.memref_squeeze %dma_wait3A_234 : memref<1x16x1024xf32, #tpu.memory_space<vmem>> -> memref<16x1024xf32, #tpu.memory_space<vmem>>
    tpu.wait_dma2 semaphore(%arg23 : memref<!tpu.dma_semaphore, #tpu.memory_space<semaphore_mem>>) src(%dma_wait3A_235 : memref<16x1024xf32, #tpu.memory_space<vmem>>) dst(%dma_wait3A_231 : memref<16x1024xf32, #tpu.memory_space<hbm>>)
    %dma_start3A_236 = arith.constant 3 : i32
    %dma_start3A_237 = arith.constant 0 : i32
    %dma_start3A_238 = arith.constant 0 : i32
    %dma_start3A_239 = tpu.memref_slice %arg15[%dma_start3A_236, %dma_start3A_237, %dma_start3A_238] : memref<4x16x1024xf32, #tpu.memory_space<vmem>> -> memref<1x16x1024xf32, #tpu.memory_space<vmem>>
    %dma_start3A_240 = tpu.memref_squeeze %dma_start3A_239 : memref<1x16x1024xf32, #tpu.memory_space<vmem>> -> memref<16x1024xf32, #tpu.memory_space<vmem>>
    %dma_start3A_241 = arith.constant 112 : i32
    %dma_start3A_242 = tpu.memref_slice %arg13[%dma_start3A_241] : memref<160xi32, #tpu.memory_space<vmem>> -> memref<16xi32, #tpu.memory_space<vmem>>
    %dma_start3A_243 = arith.constant 0 : i32
    %dma_start3A_244 = arith.constant 0 : i32
    %dma_start3A_245 = tpu.memref_slice %arg2[%dma_start3A_243, %dma_start3A_244] : memref<2048x1024xf32, #tpu.memory_space<hbm>> -> memref<2048x1024xf32, #tpu.memory_space<hbm>>
    tpu.enqueue_indirect_dma source(%dma_start3A_245 : memref<2048x1024xf32, #tpu.memory_space<hbm>>) target(%dma_start3A_240 : memref<16x1024xf32, #tpu.memory_space<vmem>>) offsets(%dma_start3A_242 : memref<16xi32, #tpu.memory_space<vmem>>) semaphore(%arg19 : memref<!tpu.dma_semaphore, #tpu.memory_space<semaphore_mem>>)
    %dma_wait3A_246 = arith.constant 0 : i32
    %dma_wait3A_247 = arith.constant 0 : i32
    %dma_wait3A_248 = arith.constant 0 : i32
    %dma_wait3A_249 = tpu.memref_slice %arg15[%dma_wait3A_246, %dma_wait3A_247, %dma_wait3A_248] : memref<4x16x1024xf32, #tpu.memory_space<vmem>> -> memref<1x16x1024xf32, #tpu.memory_space<vmem>>
    %dma_wait3A_250 = tpu.memref_squeeze %dma_wait3A_249 : memref<1x16x1024xf32, #tpu.memory_space<vmem>> -> memref<16x1024xf32, #tpu.memory_space<vmem>>
    %dma_wait3A_251 = arith.constant 64 : i32
    %dma_wait3A_252 = tpu.memref_slice %arg13[%dma_wait3A_251] : memref<160xi32, #tpu.memory_space<vmem>> -> memref<16xi32, #tpu.memory_space<vmem>>
    %dma_wait3A_253 = arith.constant 0 : i32
    %dma_wait3A_254 = arith.constant 0 : i32
    %dma_wait3A_255 = tpu.memref_slice %arg2[%dma_wait3A_253, %dma_wait3A_254] : memref<2048x1024xf32, #tpu.memory_space<hbm>> -> memref<2048x1024xf32, #tpu.memory_space<hbm>>
    tpu.wait_indirect_dma semaphore(%arg16 : memref<!tpu.dma_semaphore, #tpu.memory_space<semaphore_mem>>) src(%dma_wait3A_255 : memref<2048x1024xf32, #tpu.memory_space<hbm>>) dst(%dma_wait3A_250 : memref<16x1024xf32, #tpu.memory_space<vmem>>)
    %add3A_256 = arith.constant 64 : i32
    %add3A_257 = arith.addi %mul3A_2, %add3A_256 : i32
    %dma_start3A_258 = arith.constant 0 : i32
    %dma_start3A_259 = arith.constant 0 : i32
    %dma_start3A_260 = arith.constant 0 : i32
    %dma_start3A_261 = tpu.memref_slice %arg15[%dma_start3A_258, %dma_start3A_259, %dma_start3A_260] : memref<4x16x1024xf32, #tpu.memory_space<vmem>> -> memref<1x16x1024xf32, #tpu.memory_space<vmem>>
    %dma_start3A_262 = tpu.memref_squeeze %dma_start3A_261 : memref<1x16x1024xf32, #tpu.memory_space<vmem>> -> memref<16x1024xf32, #tpu.memory_space<vmem>>
    %dma_start3A_263 = arith.constant 0 : i32
    %dma_start3A_264 = tpu.memref_slice %arg7[%add3A_257, %dma_start3A_263] : memref<5120x1024xf32, #tpu.memory_space<hbm>> -> memref<16x1024xf32, #tpu.memory_space<hbm>>
    %dma_start3A_265 = arith.constant 0 : i32
    %dma_start3A_266 = tpu.memref_slice %arg7[%add3A_257, %dma_start3A_265] : memref<5120x1024xf32, #tpu.memory_space<hbm>> -> memref<16x1024xf32, #tpu.memory_space<hbm>>
    %dma_start3A_267 = arith.constant 0 : i32
    %dma_start3A_268 = arith.constant 0 : i32
    %dma_start3A_269 = tpu.memref_slice %arg15[%dma_start3A_258, %dma_start3A_267, %dma_start3A_268] : memref<4x16x1024xf32, #tpu.memory_space<vmem>> -> memref<1x16x1024xf32, #tpu.memory_space<vmem>>
    %dma_start3A_270 = tpu.memref_squeeze %dma_start3A_269 : memref<1x16x1024xf32, #tpu.memory_space<vmem>> -> memref<16x1024xf32, #tpu.memory_space<vmem>>
    tpu.enqueue_dma source(%dma_start3A_270 : memref<16x1024xf32, #tpu.memory_space<vmem>>) target(%dma_start3A_266 : memref<16x1024xf32, #tpu.memory_space<hbm>>) target_semaphore(%arg20 : memref<!tpu.dma_semaphore, #tpu.memory_space<semaphore_mem>>)
    %dma_wait3A_271 = arith.constant 0 : i32
    %dma_wait3A_272 = arith.constant 0 : i32
    %dma_wait3A_273 = arith.constant 0 : i32
    %dma_wait3A_274 = tpu.memref_slice %arg15[%dma_wait3A_271, %dma_wait3A_272, %dma_wait3A_273] : memref<4x16x1024xf32, #tpu.memory_space<vmem>> -> memref<1x16x1024xf32, #tpu.memory_space<vmem>>
    %dma_wait3A_275 = tpu.memref_squeeze %dma_wait3A_274 : memref<1x16x1024xf32, #tpu.memory_space<vmem>> -> memref<16x1024xf32, #tpu.memory_space<vmem>>
    %dma_wait3A_276 = arith.constant 0 : i32
    %dma_wait3A_277 = tpu.memref_slice %arg7[%add3A_257, %dma_wait3A_276] : memref<5120x1024xf32, #tpu.memory_space<hbm>> -> memref<16x1024xf32, #tpu.memory_space<hbm>>
    %dma_wait3A_278 = arith.constant 0 : i32
    %dma_wait3A_279 = tpu.memref_slice %arg7[%add3A_257, %dma_wait3A_278] : memref<5120x1024xf32, #tpu.memory_space<hbm>> -> memref<16x1024xf32, #tpu.memory_space<hbm>>
    %dma_wait3A_280 = arith.constant 0 : i32
    %dma_wait3A_281 = arith.constant 0 : i32
    %dma_wait3A_282 = tpu.memref_slice %arg15[%dma_wait3A_271, %dma_wait3A_280, %dma_wait3A_281] : memref<4x16x1024xf32, #tpu.memory_space<vmem>> -> memref<1x16x1024xf32, #tpu.memory_space<vmem>>
    %dma_wait3A_283 = tpu.memref_squeeze %dma_wait3A_282 : memref<1x16x1024xf32, #tpu.memory_space<vmem>> -> memref<16x1024xf32, #tpu.memory_space<vmem>>
    tpu.wait_dma2 semaphore(%arg20 : memref<!tpu.dma_semaphore, #tpu.memory_space<semaphore_mem>>) src(%dma_wait3A_283 : memref<16x1024xf32, #tpu.memory_space<vmem>>) dst(%dma_wait3A_279 : memref<16x1024xf32, #tpu.memory_space<hbm>>)
    %dma_start3A_284 = arith.constant 0 : i32
    %dma_start3A_285 = arith.constant 0 : i32
    %dma_start3A_286 = arith.constant 0 : i32
    %dma_start3A_287 = tpu.memref_slice %arg15[%dma_start3A_284, %dma_start3A_285, %dma_start3A_286] : memref<4x16x1024xf32, #tpu.memory_space<vmem>> -> memref<1x16x1024xf32, #tpu.memory_space<vmem>>
    %dma_start3A_288 = tpu.memref_squeeze %dma_start3A_287 : memref<1x16x1024xf32, #tpu.memory_space<vmem>> -> memref<16x1024xf32, #tpu.memory_space<vmem>>
    %dma_start3A_289 = arith.constant 128 : i32
    %dma_start3A_290 = tpu.memref_slice %arg13[%dma_start3A_289] : memref<160xi32, #tpu.memory_space<vmem>> -> memref<16xi32, #tpu.memory_space<vmem>>
    %dma_start3A_291 = arith.constant 0 : i32
    %dma_start3A_292 = arith.constant 0 : i32
    %dma_start3A_293 = tpu.memref_slice %arg2[%dma_start3A_291, %dma_start3A_292] : memref<2048x1024xf32, #tpu.memory_space<hbm>> -> memref<2048x1024xf32, #tpu.memory_space<hbm>>
    tpu.enqueue_indirect_dma source(%dma_start3A_293 : memref<2048x1024xf32, #tpu.memory_space<hbm>>) target(%dma_start3A_288 : memref<16x1024xf32, #tpu.memory_space<vmem>>) offsets(%dma_start3A_290 : memref<16xi32, #tpu.memory_space<vmem>>) semaphore(%arg16 : memref<!tpu.dma_semaphore, #tpu.memory_space<semaphore_mem>>)
    %dma_wait3A_294 = arith.constant 1 : i32
    %dma_wait3A_295 = arith.constant 0 : i32
    %dma_wait3A_296 = arith.constant 0 : i32
    %dma_wait3A_297 = tpu.memref_slice %arg15[%dma_wait3A_294, %dma_wait3A_295, %dma_wait3A_296] : memref<4x16x1024xf32, #tpu.memory_space<vmem>> -> memref<1x16x1024xf32, #tpu.memory_space<vmem>>
    %dma_wait3A_298 = tpu.memref_squeeze %dma_wait3A_297 : memref<1x16x1024xf32, #tpu.memory_space<vmem>> -> memref<16x1024xf32, #tpu.memory_space<vmem>>
    %dma_wait3A_299 = arith.constant 80 : i32
    %dma_wait3A_300 = tpu.memref_slice %arg13[%dma_wait3A_299] : memref<160xi32, #tpu.memory_space<vmem>> -> memref<16xi32, #tpu.memory_space<vmem>>
    %dma_wait3A_301 = arith.constant 0 : i32
    %dma_wait3A_302 = arith.constant 0 : i32
    %dma_wait3A_303 = tpu.memref_slice %arg2[%dma_wait3A_301, %dma_wait3A_302] : memref<2048x1024xf32, #tpu.memory_space<hbm>> -> memref<2048x1024xf32, #tpu.memory_space<hbm>>
    tpu.wait_indirect_dma semaphore(%arg17 : memref<!tpu.dma_semaphore, #tpu.memory_space<semaphore_mem>>) src(%dma_wait3A_303 : memref<2048x1024xf32, #tpu.memory_space<hbm>>) dst(%dma_wait3A_298 : memref<16x1024xf32, #tpu.memory_space<vmem>>)
    %add3A_304 = arith.constant 80 : i32
    %add3A_305 = arith.addi %mul3A_2, %add3A_304 : i32
    %dma_start3A_306 = arith.constant 1 : i32
    %dma_start3A_307 = arith.constant 0 : i32
    %dma_start3A_308 = arith.constant 0 : i32
    %dma_start3A_309 = tpu.memref_slice %arg15[%dma_start3A_306, %dma_start3A_307, %dma_start3A_308] : memref<4x16x1024xf32, #tpu.memory_space<vmem>> -> memref<1x16x1024xf32, #tpu.memory_space<vmem>>
    %dma_start3A_310 = tpu.memref_squeeze %dma_start3A_309 : memref<1x16x1024xf32, #tpu.memory_space<vmem>> -> memref<16x1024xf32, #tpu.memory_space<vmem>>
    %dma_start3A_311 = arith.constant 0 : i32
    %dma_start3A_312 = tpu.memref_slice %arg7[%add3A_305, %dma_start3A_311] : memref<5120x1024xf32, #tpu.memory_space<hbm>> -> memref<16x1024xf32, #tpu.memory_space<hbm>>
    %dma_start3A_313 = arith.constant 0 : i32
    %dma_start3A_314 = tpu.memref_slice %arg7[%add3A_305, %dma_start3A_313] : memref<5120x1024xf32, #tpu.memory_space<hbm>> -> memref<16x1024xf32, #tpu.memory_space<hbm>>
    %dma_start3A_315 = arith.constant 0 : i32
    %dma_start3A_316 = arith.constant 0 : i32
    %dma_start3A_317 = tpu.memref_slice %arg15[%dma_start3A_306, %dma_start3A_315, %dma_start3A_316] : memref<4x16x1024xf32, #tpu.memory_space<vmem>> -> memref<1x16x1024xf32, #tpu.memory_space<vmem>>
    %dma_start3A_318 = tpu.memref_squeeze %dma_start3A_317 : memref<1x16x1024xf32, #tpu.memory_space<vmem>> -> memref<16x1024xf32, #tpu.memory_space<vmem>>
    tpu.enqueue_dma source(%dma_start3A_318 : memref<16x1024xf32, #tpu.memory_space<vmem>>) target(%dma_start3A_314 : memref<16x1024xf32, #tpu.memory_space<hbm>>) target_semaphore(%arg21 : memref<!tpu.dma_semaphore, #tpu.memory_space<semaphore_mem>>)
    %dma_wait3A_319 = arith.constant 1 : i32
    %dma_wait3A_320 = arith.constant 0 : i32
    %dma_wait3A_321 = arith.constant 0 : i32
    %dma_wait3A_322 = tpu.memref_slice %arg15[%dma_wait3A_319, %dma_wait3A_320, %dma_wait3A_321] : memref<4x16x1024xf32, #tpu.memory_space<vmem>> -> memref<1x16x1024xf32, #tpu.memory_space<vmem>>
    %dma_wait3A_323 = tpu.memref_squeeze %dma_wait3A_322 : memref<1x16x1024xf32, #tpu.memory_space<vmem>> -> memref<16x1024xf32, #tpu.memory_space<vmem>>
    %dma_wait3A_324 = arith.constant 0 : i32
    %dma_wait3A_325 = tpu.memref_slice %arg7[%add3A_305, %dma_wait3A_324] : memref<5120x1024xf32, #tpu.memory_space<hbm>> -> memref<16x1024xf32, #tpu.memory_space<hbm>>
    %dma_wait3A_326 = arith.constant 0 : i32
    %dma_wait3A_327 = tpu.memref_slice %arg7[%add3A_305, %dma_wait3A_326] : memref<5120x1024xf32, #tpu.memory_space<hbm>> -> memref<16x1024xf32, #tpu.memory_space<hbm>>
    %dma_wait3A_328 = arith.constant 0 : i32
    %dma_wait3A_329 = arith.constant 0 : i32
    %dma_wait3A_330 = tpu.memref_slice %arg15[%dma_wait3A_319, %dma_wait3A_328, %dma_wait3A_329] : memref<4x16x1024xf32, #tpu.memory_space<vmem>> -> memref<1x16x1024xf32, #tpu.memory_space<vmem>>
    %dma_wait3A_331 = tpu.memref_squeeze %dma_wait3A_330 : memref<1x16x1024xf32, #tpu.memory_space<vmem>> -> memref<16x1024xf32, #tpu.memory_space<vmem>>
    tpu.wait_dma2 semaphore(%arg21 : memref<!tpu.dma_semaphore, #tpu.memory_space<semaphore_mem>>) src(%dma_wait3A_331 : memref<16x1024xf32, #tpu.memory_space<vmem>>) dst(%dma_wait3A_327 : memref<16x1024xf32, #tpu.memory_space<hbm>>)
    %dma_start3A_332 = arith.constant 1 : i32
    %dma_start3A_333 = arith.constant 0 : i32
    %dma_start3A_334 = arith.constant 0 : i32
    %dma_start3A_335 = tpu.memref_slice %arg15[%dma_start3A_332, %dma_start3A_333, %dma_start3A_334] : memref<4x16x1024xf32, #tpu.memory_space<vmem>> -> memref<1x16x1024xf32, #tpu.memory_space<vmem>>
    %dma_start3A_336 = tpu.memref_squeeze %dma_start3A_335 : memref<1x16x1024xf32, #tpu.memory_space<vmem>> -> memref<16x1024xf32, #tpu.memory_space<vmem>>
    %dma_start3A_337 = arith.constant 144 : i32
    %dma_start3A_338 = tpu.memref_slice %arg13[%dma_start3A_337] : memref<160xi32, #tpu.memory_space<vmem>> -> memref<16xi32, #tpu.memory_space<vmem>>
    %dma_start3A_339 = arith.constant 0 : i32
    %dma_start3A_340 = arith.constant 0 : i32
    %dma_start3A_341 = tpu.memref_slice %arg2[%dma_start3A_339, %dma_start3A_340] : memref<2048x1024xf32, #tpu.memory_space<hbm>> -> memref<2048x1024xf32, #tpu.memory_space<hbm>>
    tpu.enqueue_indirect_dma source(%dma_start3A_341 : memref<2048x1024xf32, #tpu.memory_space<hbm>>) target(%dma_start3A_336 : memref<16x1024xf32, #tpu.memory_space<vmem>>) offsets(%dma_start3A_338 : memref<16xi32, #tpu.memory_space<vmem>>) semaphore(%arg17 : memref<!tpu.dma_semaphore, #tpu.memory_space<semaphore_mem>>)
    %dma_wait3A_342 = arith.constant 2 : i32
    %dma_wait3A_343 = arith.constant 0 : i32
    %dma_wait3A_344 = arith.constant 0 : i32
    %dma_wait3A_345 = tpu.memref_slice %arg15[%dma_wait3A_342, %dma_wait3A_343, %dma_wait3A_344] : memref<4x16x1024xf32, #tpu.memory_space<vmem>> -> memref<1x16x1024xf32, #tpu.memory_space<vmem>>
    %dma_wait3A_346 = tpu.memref_squeeze %dma_wait3A_345 : memref<1x16x1024xf32, #tpu.memory_space<vmem>> -> memref<16x1024xf32, #tpu.memory_space<vmem>>
    %dma_wait3A_347 = arith.constant 96 : i32
    %dma_wait3A_348 = tpu.memref_slice %arg13[%dma_wait3A_347] : memref<160xi32, #tpu.memory_space<vmem>> -> memref<16xi32, #tpu.memory_space<vmem>>
    %dma_wait3A_349 = arith.constant 0 : i32
    %dma_wait3A_350 = arith.constant 0 : i32
    %dma_wait3A_351 = tpu.memref_slice %arg2[%dma_wait3A_349, %dma_wait3A_350] : memref<2048x1024xf32, #tpu.memory_space<hbm>> -> memref<2048x1024xf32, #tpu.memory_space<hbm>>
    tpu.wait_indirect_dma semaphore(%arg18 : memref<!tpu.dma_semaphore, #tpu.memory_space<semaphore_mem>>) src(%dma_wait3A_351 : memref<2048x1024xf32, #tpu.memory_space<hbm>>) dst(%dma_wait3A_346 : memref<16x1024xf32, #tpu.memory_space<vmem>>)
    %add3A_352 = arith.constant 96 : i32
    %add3A_353 = arith.addi %mul3A_2, %add3A_352 : i32
    %dma_start3A_354 = arith.constant 2 : i32
    %dma_start3A_355 = arith.constant 0 : i32
    %dma_start3A_356 = arith.constant 0 : i32
    %dma_start3A_357 = tpu.memref_slice %arg15[%dma_start3A_354, %dma_start3A_355, %dma_start3A_356] : memref<4x16x1024xf32, #tpu.memory_space<vmem>> -> memref<1x16x1024xf32, #tpu.memory_space<vmem>>
    %dma_start3A_358 = tpu.memref_squeeze %dma_start3A_357 : memref<1x16x1024xf32, #tpu.memory_space<vmem>> -> memref<16x1024xf32, #tpu.memory_space<vmem>>
    %dma_start3A_359 = arith.constant 0 : i32
    %dma_start3A_360 = tpu.memref_slice %arg7[%add3A_353, %dma_start3A_359] : memref<5120x1024xf32, #tpu.memory_space<hbm>> -> memref<16x1024xf32, #tpu.memory_space<hbm>>
    %dma_start3A_361 = arith.constant 0 : i32
    %dma_start3A_362 = tpu.memref_slice %arg7[%add3A_353, %dma_start3A_361] : memref<5120x1024xf32, #tpu.memory_space<hbm>> -> memref<16x1024xf32, #tpu.memory_space<hbm>>
    %dma_start3A_363 = arith.constant 0 : i32
    %dma_start3A_364 = arith.constant 0 : i32
    %dma_start3A_365 = tpu.memref_slice %arg15[%dma_start3A_354, %dma_start3A_363, %dma_start3A_364] : memref<4x16x1024xf32, #tpu.memory_space<vmem>> -> memref<1x16x1024xf32, #tpu.memory_space<vmem>>
    %dma_start3A_366 = tpu.memref_squeeze %dma_start3A_365 : memref<1x16x1024xf32, #tpu.memory_space<vmem>> -> memref<16x1024xf32, #tpu.memory_space<vmem>>
    tpu.enqueue_dma source(%dma_start3A_366 : memref<16x1024xf32, #tpu.memory_space<vmem>>) target(%dma_start3A_362 : memref<16x1024xf32, #tpu.memory_space<hbm>>) target_semaphore(%arg22 : memref<!tpu.dma_semaphore, #tpu.memory_space<semaphore_mem>>)
    %dma_wait3A_367 = arith.constant 3 : i32
    %dma_wait3A_368 = arith.constant 0 : i32
    %dma_wait3A_369 = arith.constant 0 : i32
    %dma_wait3A_370 = tpu.memref_slice %arg15[%dma_wait3A_367, %dma_wait3A_368, %dma_wait3A_369] : memref<4x16x1024xf32, #tpu.memory_space<vmem>> -> memref<1x16x1024xf32, #tpu.memory_space<vmem>>
    %dma_wait3A_371 = tpu.memref_squeeze %dma_wait3A_370 : memref<1x16x1024xf32, #tpu.memory_space<vmem>> -> memref<16x1024xf32, #tpu.memory_space<vmem>>
    %dma_wait3A_372 = arith.constant 112 : i32
    %dma_wait3A_373 = tpu.memref_slice %arg13[%dma_wait3A_372] : memref<160xi32, #tpu.memory_space<vmem>> -> memref<16xi32, #tpu.memory_space<vmem>>
    %dma_wait3A_374 = arith.constant 0 : i32
    %dma_wait3A_375 = arith.constant 0 : i32
    %dma_wait3A_376 = tpu.memref_slice %arg2[%dma_wait3A_374, %dma_wait3A_375] : memref<2048x1024xf32, #tpu.memory_space<hbm>> -> memref<2048x1024xf32, #tpu.memory_space<hbm>>
    tpu.wait_indirect_dma semaphore(%arg19 : memref<!tpu.dma_semaphore, #tpu.memory_space<semaphore_mem>>) src(%dma_wait3A_376 : memref<2048x1024xf32, #tpu.memory_space<hbm>>) dst(%dma_wait3A_371 : memref<16x1024xf32, #tpu.memory_space<vmem>>)
    %add3A_377 = arith.constant 112 : i32
    %add3A_378 = arith.addi %mul3A_2, %add3A_377 : i32
    %dma_start3A_379 = arith.constant 3 : i32
    %dma_start3A_380 = arith.constant 0 : i32
    %dma_start3A_381 = arith.constant 0 : i32
    %dma_start3A_382 = tpu.memref_slice %arg15[%dma_start3A_379, %dma_start3A_380, %dma_start3A_381] : memref<4x16x1024xf32, #tpu.memory_space<vmem>> -> memref<1x16x1024xf32, #tpu.memory_space<vmem>>
    %dma_start3A_383 = tpu.memref_squeeze %dma_start3A_382 : memref<1x16x1024xf32, #tpu.memory_space<vmem>> -> memref<16x1024xf32, #tpu.memory_space<vmem>>
    %dma_start3A_384 = arith.constant 0 : i32
    %dma_start3A_385 = tpu.memref_slice %arg7[%add3A_378, %dma_start3A_384] : memref<5120x1024xf32, #tpu.memory_space<hbm>> -> memref<16x1024xf32, #tpu.memory_space<hbm>>
    %dma_start3A_386 = arith.constant 0 : i32
    %dma_start3A_387 = tpu.memref_slice %arg7[%add3A_378, %dma_start3A_386] : memref<5120x1024xf32, #tpu.memory_space<hbm>> -> memref<16x1024xf32, #tpu.memory_space<hbm>>
    %dma_start3A_388 = arith.constant 0 : i32
    %dma_start3A_389 = arith.constant 0 : i32
    %dma_start3A_390 = tpu.memref_slice %arg15[%dma_start3A_379, %dma_start3A_388, %dma_start3A_389] : memref<4x16x1024xf32, #tpu.memory_space<vmem>> -> memref<1x16x1024xf32, #tpu.memory_space<vmem>>
    %dma_start3A_391 = tpu.memref_squeeze %dma_start3A_390 : memref<1x16x1024xf32, #tpu.memory_space<vmem>> -> memref<16x1024xf32, #tpu.memory_space<vmem>>
    tpu.enqueue_dma source(%dma_start3A_391 : memref<16x1024xf32, #tpu.memory_space<vmem>>) target(%dma_start3A_387 : memref<16x1024xf32, #tpu.memory_space<hbm>>) target_semaphore(%arg23 : memref<!tpu.dma_semaphore, #tpu.memory_space<semaphore_mem>>)
    %dma_wait3A_392 = arith.constant 0 : i32
    %dma_wait3A_393 = arith.constant 0 : i32
    %dma_wait3A_394 = arith.constant 0 : i32
    %dma_wait3A_395 = tpu.memref_slice %arg15[%dma_wait3A_392, %dma_wait3A_393, %dma_wait3A_394] : memref<4x16x1024xf32, #tpu.memory_space<vmem>> -> memref<1x16x1024xf32, #tpu.memory_space<vmem>>
    %dma_wait3A_396 = tpu.memref_squeeze %dma_wait3A_395 : memref<1x16x1024xf32, #tpu.memory_space<vmem>> -> memref<16x1024xf32, #tpu.memory_space<vmem>>
    %dma_wait3A_397 = arith.constant 128 : i32
    %dma_wait3A_398 = tpu.memref_slice %arg13[%dma_wait3A_397] : memref<160xi32, #tpu.memory_space<vmem>> -> memref<16xi32, #tpu.memory_space<vmem>>
    %dma_wait3A_399 = arith.constant 0 : i32
    %dma_wait3A_400 = arith.constant 0 : i32
    %dma_wait3A_401 = tpu.memref_slice %arg2[%dma_wait3A_399, %dma_wait3A_400] : memref<2048x1024xf32, #tpu.memory_space<hbm>> -> memref<2048x1024xf32, #tpu.memory_space<hbm>>
    tpu.wait_indirect_dma semaphore(%arg16 : memref<!tpu.dma_semaphore, #tpu.memory_space<semaphore_mem>>) src(%dma_wait3A_401 : memref<2048x1024xf32, #tpu.memory_space<hbm>>) dst(%dma_wait3A_396 : memref<16x1024xf32, #tpu.memory_space<vmem>>)
    %add3A_402 = arith.constant 128 : i32
    %add3A_403 = arith.addi %mul3A_2, %add3A_402 : i32
    %dma_start3A_404 = arith.constant 0 : i32
    %dma_start3A_405 = arith.constant 0 : i32
    %dma_start3A_406 = arith.constant 0 : i32
    %dma_start3A_407 = tpu.memref_slice %arg15[%dma_start3A_404, %dma_start3A_405, %dma_start3A_406] : memref<4x16x1024xf32, #tpu.memory_space<vmem>> -> memref<1x16x1024xf32, #tpu.memory_space<vmem>>
    %dma_start3A_408 = tpu.memref_squeeze %dma_start3A_407 : memref<1x16x1024xf32, #tpu.memory_space<vmem>> -> memref<16x1024xf32, #tpu.memory_space<vmem>>
    %dma_start3A_409 = arith.constant 0 : i32
    %dma_start3A_410 = tpu.memref_slice %arg7[%add3A_403, %dma_start3A_409] : memref<5120x1024xf32, #tpu.memory_space<hbm>> -> memref<16x1024xf32, #tpu.memory_space<hbm>>
    %dma_start3A_411 = arith.constant 0 : i32
    %dma_start3A_412 = tpu.memref_slice %arg7[%add3A_403, %dma_start3A_411] : memref<5120x1024xf32, #tpu.memory_space<hbm>> -> memref<16x1024xf32, #tpu.memory_space<hbm>>
    %dma_start3A_413 = arith.constant 0 : i32
    %dma_start3A_414 = arith.constant 0 : i32
    %dma_start3A_415 = tpu.memref_slice %arg15[%dma_start3A_404, %dma_start3A_413, %dma_start3A_414] : memref<4x16x1024xf32, #tpu.memory_space<vmem>> -> memref<1x16x1024xf32, #tpu.memory_space<vmem>>
    %dma_start3A_416 = tpu.memref_squeeze %dma_start3A_415 : memref<1x16x1024xf32, #tpu.memory_space<vmem>> -> memref<16x1024xf32, #tpu.memory_space<vmem>>
    tpu.enqueue_dma source(%dma_start3A_416 : memref<16x1024xf32, #tpu.memory_space<vmem>>) target(%dma_start3A_412 : memref<16x1024xf32, #tpu.memory_space<hbm>>) target_semaphore(%arg20 : memref<!tpu.dma_semaphore, #tpu.memory_space<semaphore_mem>>)
    %dma_wait3A_417 = arith.constant 1 : i32
    %dma_wait3A_418 = arith.constant 0 : i32
    %dma_wait3A_419 = arith.constant 0 : i32
    %dma_wait3A_420 = tpu.memref_slice %arg15[%dma_wait3A_417, %dma_wait3A_418, %dma_wait3A_419] : memref<4x16x1024xf32, #tpu.memory_space<vmem>> -> memref<1x16x1024xf32, #tpu.memory_space<vmem>>
    %dma_wait3A_421 = tpu.memref_squeeze %dma_wait3A_420 : memref<1x16x1024xf32, #tpu.memory_space<vmem>> -> memref<16x1024xf32, #tpu.memory_space<vmem>>
    %dma_wait3A_422 = arith.constant 144 : i32
    %dma_wait3A_423 = tpu.memref_slice %arg13[%dma_wait3A_422] : memref<160xi32, #tpu.memory_space<vmem>> -> memref<16xi32, #tpu.memory_space<vmem>>
    %dma_wait3A_424 = arith.constant 0 : i32
    %dma_wait3A_425 = arith.constant 0 : i32
    %dma_wait3A_426 = tpu.memref_slice %arg2[%dma_wait3A_424, %dma_wait3A_425] : memref<2048x1024xf32, #tpu.memory_space<hbm>> -> memref<2048x1024xf32, #tpu.memory_space<hbm>>
    tpu.wait_indirect_dma semaphore(%arg17 : memref<!tpu.dma_semaphore, #tpu.memory_space<semaphore_mem>>) src(%dma_wait3A_426 : memref<2048x1024xf32, #tpu.memory_space<hbm>>) dst(%dma_wait3A_421 : memref<16x1024xf32, #tpu.memory_space<vmem>>)
    %add3A_427 = arith.constant 144 : i32
    %add3A_428 = arith.addi %mul3A_2, %add3A_427 : i32
    %dma_start3A_429 = arith.constant 1 : i32
    %dma_start3A_430 = arith.constant 0 : i32
    %dma_start3A_431 = arith.constant 0 : i32
    %dma_start3A_432 = tpu.memref_slice %arg15[%dma_start3A_429, %dma_start3A_430, %dma_start3A_431] : memref<4x16x1024xf32, #tpu.memory_space<vmem>> -> memref<1x16x1024xf32, #tpu.memory_space<vmem>>
    %dma_start3A_433 = tpu.memref_squeeze %dma_start3A_432 : memref<1x16x1024xf32, #tpu.memory_space<vmem>> -> memref<16x1024xf32, #tpu.memory_space<vmem>>
    %dma_start3A_434 = arith.constant 0 : i32
    %dma_start3A_435 = tpu.memref_slice %arg7[%add3A_428, %dma_start3A_434] : memref<5120x1024xf32, #tpu.memory_space<hbm>> -> memref<16x1024xf32, #tpu.memory_space<hbm>>
    %dma_start3A_436 = arith.constant 0 : i32
    %dma_start3A_437 = tpu.memref_slice %arg7[%add3A_428, %dma_start3A_436] : memref<5120x1024xf32, #tpu.memory_space<hbm>> -> memref<16x1024xf32, #tpu.memory_space<hbm>>
    %dma_start3A_438 = arith.constant 0 : i32
    %dma_start3A_439 = arith.constant 0 : i32
    %dma_start3A_440 = tpu.memref_slice %arg15[%dma_start3A_429, %dma_start3A_438, %dma_start3A_439] : memref<4x16x1024xf32, #tpu.memory_space<vmem>> -> memref<1x16x1024xf32, #tpu.memory_space<vmem>>
    %dma_start3A_441 = tpu.memref_squeeze %dma_start3A_440 : memref<1x16x1024xf32, #tpu.memory_space<vmem>> -> memref<16x1024xf32, #tpu.memory_space<vmem>>
    tpu.enqueue_dma source(%dma_start3A_441 : memref<16x1024xf32, #tpu.memory_space<vmem>>) target(%dma_start3A_437 : memref<16x1024xf32, #tpu.memory_space<hbm>>) target_semaphore(%arg21 : memref<!tpu.dma_semaphore, #tpu.memory_space<semaphore_mem>>)
    %dma_wait3A_442 = arith.constant 2 : i32
    %dma_wait3A_443 = arith.constant 0 : i32
    %dma_wait3A_444 = arith.constant 0 : i32
    %dma_wait3A_445 = tpu.memref_slice %arg15[%dma_wait3A_442, %dma_wait3A_443, %dma_wait3A_444] : memref<4x16x1024xf32, #tpu.memory_space<vmem>> -> memref<1x16x1024xf32, #tpu.memory_space<vmem>>
    %dma_wait3A_446 = tpu.memref_squeeze %dma_wait3A_445 : memref<1x16x1024xf32, #tpu.memory_space<vmem>> -> memref<16x1024xf32, #tpu.memory_space<vmem>>
    %dma_wait3A_447 = arith.constant 0 : i32
    %dma_wait3A_448 = tpu.memref_slice %arg7[%add3A_353, %dma_wait3A_447] : memref<5120x1024xf32, #tpu.memory_space<hbm>> -> memref<16x1024xf32, #tpu.memory_space<hbm>>
    %dma_wait3A_449 = arith.constant 0 : i32
    %dma_wait3A_450 = tpu.memref_slice %arg7[%add3A_353, %dma_wait3A_449] : memref<5120x1024xf32, #tpu.memory_space<hbm>> -> memref<16x1024xf32, #tpu.memory_space<hbm>>
    %dma_wait3A_451 = arith.constant 0 : i32
    %dma_wait3A_452 = arith.constant 0 : i32
    %dma_wait3A_453 = tpu.memref_slice %arg15[%dma_wait3A_442, %dma_wait3A_451, %dma_wait3A_452] : memref<4x16x1024xf32, #tpu.memory_space<vmem>> -> memref<1x16x1024xf32, #tpu.memory_space<vmem>>
    %dma_wait3A_454 = tpu.memref_squeeze %dma_wait3A_453 : memref<1x16x1024xf32, #tpu.memory_space<vmem>> -> memref<16x1024xf32, #tpu.memory_space<vmem>>
    tpu.wait_dma2 semaphore(%arg22 : memref<!tpu.dma_semaphore, #tpu.memory_space<semaphore_mem>>) src(%dma_wait3A_454 : memref<16x1024xf32, #tpu.memory_space<vmem>>) dst(%dma_wait3A_450 : memref<16x1024xf32, #tpu.memory_space<hbm>>)
    %dma_wait3A_455 = arith.constant 3 : i32
    %dma_wait3A_456 = arith.constant 0 : i32
    %dma_wait3A_457 = arith.constant 0 : i32
    %dma_wait3A_458 = tpu.memref_slice %arg15[%dma_wait3A_455, %dma_wait3A_456, %dma_wait3A_457] : memref<4x16x1024xf32, #tpu.memory_space<vmem>> -> memref<1x16x1024xf32, #tpu.memory_space<vmem>>
    %dma_wait3A_459 = tpu.memref_squeeze %dma_wait3A_458 : memref<1x16x1024xf32, #tpu.memory_space<vmem>> -> memref<16x1024xf32, #tpu.memory_space<vmem>>
    %dma_wait3A_460 = arith.constant 0 : i32
    %dma_wait3A_461 = tpu.memref_slice %arg7[%add3A_378, %dma_wait3A_460] : memref<5120x1024xf32, #tpu.memory_space<hbm>> -> memref<16x1024xf32, #tpu.memory_space<hbm>>
    %dma_wait3A_462 = arith.constant 0 : i32
    %dma_wait3A_463 = tpu.memref_slice %arg7[%add3A_378, %dma_wait3A_462] : memref<5120x1024xf32, #tpu.memory_space<hbm>> -> memref<16x1024xf32, #tpu.memory_space<hbm>>
    %dma_wait3A_464 = arith.constant 0 : i32
    %dma_wait3A_465 = arith.constant 0 : i32
    %dma_wait3A_466 = tpu.memref_slice %arg15[%dma_wait3A_455, %dma_wait3A_464, %dma_wait3A_465] : memref<4x16x1024xf32, #tpu.memory_space<vmem>> -> memref<1x16x1024xf32, #tpu.memory_space<vmem>>
    %dma_wait3A_467 = tpu.memref_squeeze %dma_wait3A_466 : memref<1x16x1024xf32, #tpu.memory_space<vmem>> -> memref<16x1024xf32, #tpu.memory_space<vmem>>
    tpu.wait_dma2 semaphore(%arg23 : memref<!tpu.dma_semaphore, #tpu.memory_space<semaphore_mem>>) src(%dma_wait3A_467 : memref<16x1024xf32, #tpu.memory_space<vmem>>) dst(%dma_wait3A_463 : memref<16x1024xf32, #tpu.memory_space<hbm>>)
    %dma_wait3A_468 = arith.constant 0 : i32
    %dma_wait3A_469 = arith.constant 0 : i32
    %dma_wait3A_470 = arith.constant 0 : i32
    %dma_wait3A_471 = tpu.memref_slice %arg15[%dma_wait3A_468, %dma_wait3A_469, %dma_wait3A_470] : memref<4x16x1024xf32, #tpu.memory_space<vmem>> -> memref<1x16x1024xf32, #tpu.memory_space<vmem>>
    %dma_wait3A_472 = tpu.memref_squeeze %dma_wait3A_471 : memref<1x16x1024xf32, #tpu.memory_space<vmem>> -> memref<16x1024xf32, #tpu.memory_space<vmem>>
    %dma_wait3A_473 = arith.constant 0 : i32
    %dma_wait3A_474 = tpu.memref_slice %arg7[%add3A_403, %dma_wait3A_473] : memref<5120x1024xf32, #tpu.memory_space<hbm>> -> memref<16x1024xf32, #tpu.memory_space<hbm>>
    %dma_wait3A_475 = arith.constant 0 : i32
    %dma_wait3A_476 = tpu.memref_slice %arg7[%add3A_403, %dma_wait3A_475] : memref<5120x1024xf32, #tpu.memory_space<hbm>> -> memref<16x1024xf32, #tpu.memory_space<hbm>>
    %dma_wait3A_477 = arith.constant 0 : i32
    %dma_wait3A_478 = arith.constant 0 : i32
    %dma_wait3A_479 = tpu.memref_slice %arg15[%dma_wait3A_468, %dma_wait3A_477, %dma_wait3A_478] : memref<4x16x1024xf32, #tpu.memory_space<vmem>> -> memref<1x16x1024xf32, #tpu.memory_space<vmem>>
    %dma_wait3A_480 = tpu.memref_squeeze %dma_wait3A_479 : memref<1x16x1024xf32, #tpu.memory_space<vmem>> -> memref<16x1024xf32, #tpu.memory_space<vmem>>
    tpu.wait_dma2 semaphore(%arg20 : memref<!tpu.dma_semaphore, #tpu.memory_space<semaphore_mem>>) src(%dma_wait3A_480 : memref<16x1024xf32, #tpu.memory_space<vmem>>) dst(%dma_wait3A_476 : memref<16x1024xf32, #tpu.memory_space<hbm>>)
    %dma_wait3A_481 = arith.constant 1 : i32
    %dma_wait3A_482 = arith.constant 0 : i32
    %dma_wait3A_483 = arith.constant 0 : i32
    %dma_wait3A_484 = tpu.memref_slice %arg15[%dma_wait3A_481, %dma_wait3A_482, %dma_wait3A_483] : memref<4x16x1024xf32, #tpu.memory_space<vmem>> -> memref<1x16x1024xf32, #tpu.memory_space<vmem>>
    %dma_wait3A_485 = tpu.memref_squeeze %dma_wait3A_484 : memref<1x16x1024xf32, #tpu.memory_space<vmem>> -> memref<16x1024xf32, #tpu.memory_space<vmem>>
    %dma_wait3A_486 = arith.constant 0 : i32
    %dma_wait3A_487 = tpu.memref_slice %arg7[%add3A_428, %dma_wait3A_486] : memref<5120x1024xf32, #tpu.memory_space<hbm>> -> memref<16x1024xf32, #tpu.memory_space<hbm>>
    %dma_wait3A_488 = arith.constant 0 : i32
    %dma_wait3A_489 = tpu.memref_slice %arg7[%add3A_428, %dma_wait3A_488] : memref<5120x1024xf32, #tpu.memory_space<hbm>> -> memref<16x1024xf32, #tpu.memory_space<hbm>>
    %dma_wait3A_490 = arith.constant 0 : i32
    %dma_wait3A_491 = arith.constant 0 : i32
    %dma_wait3A_492 = tpu.memref_slice %arg15[%dma_wait3A_481, %dma_wait3A_490, %dma_wait3A_491] : memref<4x16x1024xf32, #tpu.memory_space<vmem>> -> memref<1x16x1024xf32, #tpu.memory_space<vmem>>
    %dma_wait3A_493 = tpu.memref_squeeze %dma_wait3A_492 : memref<1x16x1024xf32, #tpu.memory_space<vmem>> -> memref<16x1024xf32, #tpu.memory_space<vmem>>
    tpu.wait_dma2 semaphore(%arg21 : memref<!tpu.dma_semaphore, #tpu.memory_space<semaphore_mem>>) src(%dma_wait3A_493 : memref<16x1024xf32, #tpu.memory_space<vmem>>) dst(%dma_wait3A_489 : memref<16x1024xf32, #tpu.memory_space<hbm>>)
    return
  }
}

module attributes {stable_mosaic.version = 14 : i64} {
  func.func @_gate_body(%arg0: i32, %arg1: memref<256x1024xf32, #tpu.memory_space<vmem>>, %arg2: memref<1024x128xf32, #tpu.memory_space<vmem>>, %arg3: memref<256x128xf32, #tpu.memory_space<vmem>>, %arg4: memref<256x128xi32, #tpu.memory_space<vmem>>, %arg5: memref<256x128xf32, #tpu.memory_space<vmem>>, %arg6: memref<256x1024xbf16, #tpu.memory_space<vmem>>) attributes {dimension_semantics = [#tpu.dimension_semantics<arbitrary>], iteration_bounds = array<i64: 8>, scalar_prefetch = 0 : i64, scratch_operands = 0 : i64, tpu.core_type = #tpu.core_type<tc>, window_params = [{transform_indices = @transform_0, window_bounds = array<i64: 256, 1024>}, {pipeline_mode = #tpu.pipeline_mode<synchronous>, transform_indices = @transform_1, window_bounds = array<i64: 1024, 128>}, {transform_indices = @transform_2, window_bounds = array<i64: 256, 128>}, {transform_indices = @transform_3, window_bounds = array<i64: 256, 128>}, {transform_indices = @transform_4, window_bounds = array<i64: 256, 128>}, {transform_indices = @transform_5, window_bounds = array<i64: 256, 1024>}]} {
    %get3A = arith.constant 0 : index
    %get3A_0 = arith.constant 0 : index
    %get3A_1 = vector.load %arg1[%get3A, %get3A_0] : memref<256x1024xf32, #tpu.memory_space<vmem>>, vector<256x1024xf32>
    %convert_element_type3A = arith.truncf %get3A_1 : vector<256x1024xf32> to vector<256x1024xbf16>
    %swap3A = arith.constant 0 : index
    %swap3A_2 = arith.constant 0 : index
    %swap3A_3 = vector.load %arg6[%swap3A, %swap3A_2] : memref<256x1024xbf16, #tpu.memory_space<vmem>>, vector<256x1024xbf16>
    tpu.vector_store %arg6[%swap3A, %swap3A_2], %convert_element_type3A {strides = array<i32>} : memref<256x1024xbf16, #tpu.memory_space<vmem>>, vector<256x1024xbf16>,
    %get3A_4 = arith.constant 0 : index
    %get3A_5 = arith.constant 0 : index
    %get3A_6 = vector.load %arg2[%get3A_4, %get3A_5] : memref<1024x128xf32, #tpu.memory_space<vmem>>, vector<1024x128xf32>
    %dot_general3A = arith.constant dense<0.000000e+00> : vector<256x128xf32>
    %dot_general3A_7 = tpu.matmul %get3A_1, %get3A_6, %dot_general3A {dimension_numbers = #tpu.dot_dimension_numbers<[1], [0], [0], [1], [0, 0, 1, 1], [], []>, transpose_lhs_hint = false} : vector<256x1024xf32>, vector<1024x128xf32>, vector<256x128xf32> -> vector<256x128xf32>
    %swap3A_8 = arith.constant 0 : index
    %swap3A_9 = arith.constant 0 : index
    %swap3A_10 = vector.load %arg3[%swap3A_8, %swap3A_9] : memref<256x128xf32, #tpu.memory_space<vmem>>, vector<256x128xf32>
    tpu.vector_store %arg3[%swap3A_8, %swap3A_9], %dot_general3A_7 {strides = array<i32>} : memref<256x128xf32, #tpu.memory_space<vmem>>, vector<256x128xf32>,
    %iota3A = tpu.iota {dimensions = array<i32: 1>} : vector<256x128xi32>
    %lt3A = arith.constant 8 : i32
    %lt3A_11 = vector.broadcast %lt3A : i32 to vector<256x128xi32>
    %lt3A_12 = arith.cmpi slt, %iota3A, %lt3A_11 : vector<256x128xi32>
    %jit3A = arith.constant -1.000000e+30 : f32
    %broadcast_in_dim3A = vector.broadcast %jit3A : f32 to vector<256x128xf32>
    %select_n3A = arith.select %lt3A_12, %dot_general3A_7, %broadcast_in_dim3A : vector<256x128xi1>, vector<256x128xf32>
    %reduce_max3A = arith.constant dense<0xFF800000> : vector<256xf32>
    %reduce_max3A_13 = vector.multi_reduction <maximumf>, %select_n3A, %reduce_max3A [1] : vector<256x128xf32> to vector<256xf32>
    %broadcast_in_dim3A_14 = vector.shape_cast %reduce_max3A_13 : vector<256xf32> to vector<256x1xf32>
    %eq3A = vector.broadcast %broadcast_in_dim3A_14 : vector<256x1xf32> to vector<256x128xf32>
    %eq3A_15 = arith.cmpf oeq, %select_n3A, %eq3A : vector<256x128xf32>
    %jit3A_16 = arith.constant 127 : i32
    %broadcast_in_dim3A_17 = vector.broadcast %jit3A_16 : i32 to vector<256x128xi32>
    %select_n3A_18 = arith.select %eq3A_15, %iota3A, %broadcast_in_dim3A_17 : vector<256x128xi1>, vector<256x128xi32>
    %reduce_min3A = arith.constant dense<2147483647> : vector<256xi32>
    %reduce_min3A_19 = vector.multi_reduction <minsi>, %select_n3A_18, %reduce_min3A [1] : vector<256x128xi32> to vector<256xi32>
    %broadcast_in_dim3A_20 = vector.shape_cast %reduce_min3A_19 : vector<256xi32> to vector<256x1xi32>
    %eq3A_21 = vector.broadcast %broadcast_in_dim3A_20 : vector<256x1xi32> to vector<256x128xi32>
    %eq3A_22 = arith.cmpi eq, %iota3A, %eq3A_21 : vector<256x128xi32>
    %jit3A_23 = arith.constant -1.000000e+30 : f32
    %broadcast_in_dim3A_24 = vector.broadcast %jit3A_23 : f32 to vector<256x128xf32>
    %select_n3A_25 = arith.select %eq3A_22, %broadcast_in_dim3A_24, %select_n3A : vector<256x128xi1>, vector<256x128xf32>
    %reduce_max3A_26 = arith.constant dense<0xFF800000> : vector<256xf32>
    %reduce_max3A_27 = vector.multi_reduction <maximumf>, %select_n3A_25, %reduce_max3A_26 [1] : vector<256x128xf32> to vector<256xf32>
    %broadcast_in_dim3A_28 = vector.shape_cast %reduce_max3A_27 : vector<256xf32> to vector<256x1xf32>
    %eq3A_29 = vector.broadcast %broadcast_in_dim3A_28 : vector<256x1xf32> to vector<256x128xf32>
    %eq3A_30 = arith.cmpf oeq, %select_n3A_25, %eq3A_29 : vector<256x128xf32>
    %jit3A_31 = arith.constant 127 : i32
    %broadcast_in_dim3A_32 = vector.broadcast %jit3A_31 : i32 to vector<256x128xi32>
    %select_n3A_33 = arith.select %eq3A_30, %iota3A, %broadcast_in_dim3A_32 : vector<256x128xi1>, vector<256x128xi32>
    %reduce_min3A_34 = arith.constant dense<2147483647> : vector<256xi32>
    %reduce_min3A_35 = vector.multi_reduction <minsi>, %select_n3A_33, %reduce_min3A_34 [1] : vector<256x128xi32> to vector<256xi32>
    %broadcast_in_dim3A_36 = vector.shape_cast %reduce_min3A_35 : vector<256xi32> to vector<256x1xi32>
    %sub3A = vector.broadcast %broadcast_in_dim3A_14 : vector<256x1xf32> to vector<256x128xf32>
    %sub3A_37 = arith.subf %select_n3A, %sub3A : vector<256x128xf32>
    %exp3A = math.exp %sub3A_37 : vector<256x128xf32>
    %reduce_sum3A = arith.constant dense<0.000000e+00> : vector<256xf32>
    %reduce_sum3A_38 = vector.multi_reduction <add>, %exp3A, %reduce_sum3A [1] : vector<256x128xf32> to vector<256xf32>
    %broadcast_in_dim3A_39 = vector.shape_cast %reduce_sum3A_38 : vector<256xf32> to vector<256x1xf32>
    %div3A = arith.constant 1.000000e+00 : f32
    %div3A_40 = vector.broadcast %div3A : f32 to vector<256x1xf32>
    %div3A_41 = arith.divf %div3A_40, %broadcast_in_dim3A_39 : vector<256x1xf32>
    %sub3A_42 = arith.subf %broadcast_in_dim3A_28, %broadcast_in_dim3A_14 : vector<256x1xf32>
    %exp3A_43 = math.exp %sub3A_42 : vector<256x1xf32>
    %div3A_44 = arith.divf %exp3A_43, %broadcast_in_dim3A_39 : vector<256x1xf32>
    %eq3A_45 = arith.constant 0 : i32
    %eq3A_46 = vector.broadcast %eq3A_45 : i32 to vector<256x128xi32>
    %eq3A_47 = arith.cmpi eq, %iota3A, %eq3A_46 : vector<256x128xi32>
    %eq3A_48 = arith.constant 1 : i32
    %eq3A_49 = vector.broadcast %eq3A_48 : i32 to vector<256x128xi32>
    %eq3A_50 = arith.cmpi eq, %iota3A, %eq3A_49 : vector<256x128xi32>
    %jit3A_51 = arith.constant 0 : i32
    %broadcast_in_dim3A_52 = vector.shape_cast %broadcast_in_dim3A_36 : vector<256x1xi32> to vector<256x1xi32>
    %broadcast_in_dim3A_53 = vector.broadcast %broadcast_in_dim3A_52 : vector<256x1xi32> to vector<256x128xi32>
    %broadcast_in_dim3A_54 = vector.broadcast %jit3A_51 : i32 to vector<256x128xi32>
    %select_n3A_55 = arith.select %eq3A_50, %broadcast_in_dim3A_53, %broadcast_in_dim3A_54 : vector<256x128xi1>, vector<256x128xi32>
    %broadcast_in_dim3A_56 = vector.shape_cast %broadcast_in_dim3A_20 : vector<256x1xi32> to vector<256x1xi32>
    %broadcast_in_dim3A_57 = vector.broadcast %broadcast_in_dim3A_56 : vector<256x1xi32> to vector<256x128xi32>
    %select_n3A_58 = arith.select %eq3A_47, %broadcast_in_dim3A_57, %select_n3A_55 : vector<256x128xi1>, vector<256x128xi32>
    %swap3A_59 = arith.constant 0 : index
    %swap3A_60 = arith.constant 0 : index
    %swap3A_61 = vector.load %arg4[%swap3A_59, %swap3A_60] : memref<256x128xi32, #tpu.memory_space<vmem>>, vector<256x128xi32>
    tpu.vector_store %arg4[%swap3A_59, %swap3A_60], %select_n3A_58 {strides = array<i32>} : memref<256x128xi32, #tpu.memory_space<vmem>>, vector<256x128xi32>,
    %eq3A_62 = arith.constant 0 : i32
    %eq3A_63 = vector.broadcast %eq3A_62 : i32 to vector<256x128xi32>
    %eq3A_64 = arith.cmpi eq, %iota3A, %eq3A_63 : vector<256x128xi32>
    %eq3A_65 = arith.constant 1 : i32
    %eq3A_66 = vector.broadcast %eq3A_65 : i32 to vector<256x128xi32>
    %eq3A_67 = arith.cmpi eq, %iota3A, %eq3A_66 : vector<256x128xi32>
    %jit3A_68 = arith.constant 0.000000e+00 : f32
    %broadcast_in_dim3A_69 = vector.shape_cast %div3A_44 : vector<256x1xf32> to vector<256x1xf32>
    %broadcast_in_dim3A_70 = vector.broadcast %broadcast_in_dim3A_69 : vector<256x1xf32> to vector<256x128xf32>
    %broadcast_in_dim3A_71 = vector.broadcast %jit3A_68 : f32 to vector<256x128xf32>
    %select_n3A_72 = arith.select %eq3A_67, %broadcast_in_dim3A_70, %broadcast_in_dim3A_71 : vector<256x128xi1>, vector<256x128xf32>
    %broadcast_in_dim3A_73 = vector.shape_cast %div3A_41 : vector<256x1xf32> to vector<256x1xf32>
    %broadcast_in_dim3A_74 = vector.broadcast %broadcast_in_dim3A_73 : vector<256x1xf32> to vector<256x128xf32>
    %select_n3A_75 = arith.select %eq3A_64, %broadcast_in_dim3A_74, %select_n3A_72 : vector<256x128xi1>, vector<256x128xf32>
    %swap3A_76 = arith.constant 0 : index
    %swap3A_77 = arith.constant 0 : index
    %swap3A_78 = vector.load %arg5[%swap3A_76, %swap3A_77] : memref<256x128xf32, #tpu.memory_space<vmem>>, vector<256x128xf32>
    tpu.vector_store %arg5[%swap3A_76, %swap3A_77], %select_n3A_75 {strides = array<i32>} : memref<256x128xf32, #tpu.memory_space<vmem>>, vector<256x128xf32>,
    return
  }
  func.func @transform_0(%arg0: i32) -> (i32, i32) {
    %c0_i32 = arith.constant 0 : i32
    %c0_i32_0 = arith.constant 0 : i32
    return %arg0, %c0_i32 : i32, i32
  }
  func.func @transform_1(%arg0: i32) -> (i32, i32) {
    %c0_i32 = arith.constant 0 : i32
    %c0_i32_0 = arith.constant 0 : i32
    %c0_i32_1 = arith.constant 0 : i32
    return %c0_i32, %c0_i32_0 : i32, i32
  }
  func.func @transform_2(%arg0: i32) -> (i32, i32) {
    %c0_i32 = arith.constant 0 : i32
    %c0_i32_0 = arith.constant 0 : i32
    return %arg0, %c0_i32 : i32, i32
  }
  func.func @transform_3(%arg0: i32) -> (i32, i32) {
    %c0_i32 = arith.constant 0 : i32
    %c0_i32_0 = arith.constant 0 : i32
    return %arg0, %c0_i32 : i32, i32
  }
  func.func @transform_4(%arg0: i32) -> (i32, i32) {
    %c0_i32 = arith.constant 0 : i32
    %c0_i32_0 = arith.constant 0 : i32
    return %arg0, %c0_i32 : i32, i32
  }
  func.func @transform_5(%arg0: i32) -> (i32, i32) {
    %c0_i32 = arith.constant 0 : i32
    %c0_i32_0 = arith.constant 0 : i32
    return %arg0, %c0_i32 : i32, i32
  }
}

module attributes {stable_mosaic.version = 14 : i64} {
  func.func @_shared_body(%arg0: i32, %arg1: memref<2048x1024xbf16, #tpu.memory_space<vmem>>, %arg2: memref<1024x512xf32, #tpu.memory_space<vmem>>, %arg3: memref<1024x512xf32, #tpu.memory_space<vmem>>, %arg4: memref<512x1024xf32, #tpu.memory_space<vmem>>, %arg5: memref<2048x1024xf32, #tpu.memory_space<vmem>>) attributes {dimension_semantics = [#tpu.dimension_semantics<arbitrary>], iteration_bounds = array<i64: 4>, scalar_prefetch = 0 : i64, scratch_operands = 0 : i64, tpu.core_type = #tpu.core_type<tc>, window_params = [{pipeline_mode = #tpu.pipeline_mode<synchronous>, transform_indices = @transform_0, window_bounds = array<i64: 2048, 1024>}, {transform_indices = @transform_1, window_bounds = array<i64: 1024, 512>}, {transform_indices = @transform_2, window_bounds = array<i64: 1024, 512>}, {transform_indices = @transform_3, window_bounds = array<i64: 512, 1024>}, {pipeline_mode = #tpu.pipeline_mode<synchronous>, transform_indices = @transform_4, window_bounds = array<i64: 2048, 1024>}]} {
    %get3A = arith.constant 0 : index
    %get3A_0 = arith.constant 0 : index
    %get3A_1 = vector.load %arg1[%get3A, %get3A_0] : memref<2048x1024xbf16, #tpu.memory_space<vmem>>, vector<2048x1024xbf16>
    %get3A_2 = arith.constant 0 : index
    %get3A_3 = arith.constant 0 : index
    %get3A_4 = vector.load %arg2[%get3A_2, %get3A_3] : memref<1024x512xf32, #tpu.memory_space<vmem>>, vector<1024x512xf32>
    %convert_element_type3A = arith.truncf %get3A_4 : vector<1024x512xf32> to vector<1024x512xbf16>
    %get3A_5 = arith.constant 0 : index
    %get3A_6 = arith.constant 0 : index
    %get3A_7 = vector.load %arg3[%get3A_5, %get3A_6] : memref<1024x512xf32, #tpu.memory_space<vmem>>, vector<1024x512xf32>
    %convert_element_type3A_8 = arith.truncf %get3A_7 : vector<1024x512xf32> to vector<1024x512xbf16>
    %dot_general3A = arith.constant dense<0.000000e+00> : vector<2048x512xf32>
    %dot_general3A_9 = tpu.matmul %get3A_1, %convert_element_type3A, %dot_general3A {dimension_numbers = #tpu.dot_dimension_numbers<[1], [0], [0], [1], [0, 0, 1, 1], [], []>, transpose_lhs_hint = false} : vector<2048x1024xbf16>, vector<1024x512xbf16>, vector<2048x512xf32> -> vector<2048x512xf32>
    %dot_general3A_10 = arith.constant dense<0.000000e+00> : vector<2048x512xf32>
    %dot_general3A_11 = tpu.matmul %get3A_1, %convert_element_type3A_8, %dot_general3A_10 {dimension_numbers = #tpu.dot_dimension_numbers<[1], [0], [0], [1], [0, 0, 1, 1], [], []>, transpose_lhs_hint = false} : vector<2048x1024xbf16>, vector<1024x512xbf16>, vector<2048x512xf32> -> vector<2048x512xf32>
    %logistic3A = arith.negf %dot_general3A_9 : vector<2048x512xf32>
    %logistic3A_12 = math.exp %logistic3A : vector<2048x512xf32>
    %logistic3A_13 = arith.constant 1.000000e+00 : f32
    %logistic3A_14 = vector.broadcast %logistic3A_13 : f32 to vector<2048x512xf32>
    %logistic3A_15 = arith.addf %logistic3A_14, %logistic3A_12 : vector<2048x512xf32>
    %logistic3A_16 = arith.divf %logistic3A_14, %logistic3A_15 : vector<2048x512xf32>
    %mul3A = arith.mulf %dot_general3A_9, %logistic3A_16 : vector<2048x512xf32>
    %mul3A_17 = arith.mulf %mul3A, %dot_general3A_11 : vector<2048x512xf32>
    %convert_element_type3A_18 = arith.truncf %mul3A_17 : vector<2048x512xf32> to vector<2048x512xbf16>
    %get3A_19 = arith.constant 0 : index
    %get3A_20 = arith.constant 0 : index
    %get3A_21 = vector.load %arg4[%get3A_19, %get3A_20] : memref<512x1024xf32, #tpu.memory_space<vmem>>, vector<512x1024xf32>
    %convert_element_type3A_22 = arith.truncf %get3A_21 : vector<512x1024xf32> to vector<512x1024xbf16>
    %dot_general3A_23 = arith.constant dense<0.000000e+00> : vector<2048x1024xf32>
    %dot_general3A_24 = tpu.matmul %convert_element_type3A_18, %convert_element_type3A_22, %dot_general3A_23 {dimension_numbers = #tpu.dot_dimension_numbers<[1], [0], [0], [1], [0, 0, 1, 1], [], []>, transpose_lhs_hint = false} : vector<2048x512xbf16>, vector<512x1024xbf16>, vector<2048x1024xf32> -> vector<2048x1024xf32>
    %eq3A = arith.constant 0 : i32
    %eq3A_25 = arith.cmpi eq, %arg0, %eq3A : i32
    %convert_element_type3A_26 = arith.extui %eq3A_25 : i1 to i32
    %cond3A = arith.constant 0 : i32
    %cond3A_27 = arith.cmpi ne, %convert_element_type3A_26, %cond3A : i32
    scf.if %cond3A_27 {
      %swap3A = arith.constant 0 : index
      %swap3A_32 = arith.constant 0 : index
      %swap3A_33 = vector.load %arg5[%swap3A, %swap3A_32] : memref<2048x1024xf32, #tpu.memory_space<vmem>>, vector<2048x1024xf32>
      tpu.vector_store %arg5[%swap3A, %swap3A_32], %dot_general3A_24 {strides = array<i32>} : memref<2048x1024xf32, #tpu.memory_space<vmem>>, vector<2048x1024xf32>,
    } else {
    }
    %ne3A = arith.constant 0 : i32
    %ne3A_28 = arith.cmpi ne, %arg0, %ne3A : i32
    %convert_element_type3A_29 = arith.extui %ne3A_28 : i1 to i32
    %cond3A_30 = arith.constant 0 : i32
    %cond3A_31 = arith.cmpi ne, %convert_element_type3A_29, %cond3A_30 : i32
    scf.if %cond3A_31 {
      %get3A_32 = arith.constant 0 : index
      %get3A_33 = arith.constant 0 : index
      %get3A_34 = vector.load %arg5[%get3A_32, %get3A_33] : memref<2048x1024xf32, #tpu.memory_space<vmem>>, vector<2048x1024xf32>
      %add3A = arith.addf %get3A_34, %dot_general3A_24 : vector<2048x1024xf32>
      %swap3A = arith.constant 0 : index
      %swap3A_35 = arith.constant 0 : index
      %swap3A_36 = vector.load %arg5[%swap3A, %swap3A_35] : memref<2048x1024xf32, #tpu.memory_space<vmem>>, vector<2048x1024xf32>
      tpu.vector_store %arg5[%swap3A, %swap3A_35], %add3A {strides = array<i32>} : memref<2048x1024xf32, #tpu.memory_space<vmem>>, vector<2048x1024xf32>,
    } else {
    }
    return
  }
  func.func @transform_0(%arg0: i32) -> (i32, i32) {
    %c0_i32 = arith.constant 0 : i32
    %c0_i32_0 = arith.constant 0 : i32
    %c0_i32_1 = arith.constant 0 : i32
    return %c0_i32, %c0_i32_0 : i32, i32
  }
  func.func @transform_1(%arg0: i32) -> (i32, i32) {
    %c0_i32 = arith.constant 0 : i32
    %c0_i32_0 = arith.constant 0 : i32
    return %c0_i32, %arg0 : i32, i32
  }
  func.func @transform_2(%arg0: i32) -> (i32, i32) {
    %c0_i32 = arith.constant 0 : i32
    %c0_i32_0 = arith.constant 0 : i32
    return %c0_i32, %arg0 : i32, i32
  }
  func.func @transform_3(%arg0: i32) -> (i32, i32) {
    %c0_i32 = arith.constant 0 : i32
    %c0_i32_0 = arith.constant 0 : i32
    return %arg0, %c0_i32 : i32, i32
  }
  func.func @transform_4(%arg0: i32) -> (i32, i32) {
    %c0_i32 = arith.constant 0 : i32
    %c0_i32_0 = arith.constant 0 : i32
    %c0_i32_1 = arith.constant 0 : i32
    return %c0_i32, %c0_i32_0 : i32, i32
  }
}

module attributes {stable_mosaic.version = 14 : i64} {
  func.func @_ffn_body(%arg0: i32, %arg1: memref<40xi32, #tpu.memory_space<smem>>, %arg2: memref<128x1024xf32, #tpu.memory_space<vmem>>, %arg3: memref<1x1024x1024xf32, #tpu.memory_space<vmem>>, %arg4: memref<1x1024x1024xf32, #tpu.memory_space<vmem>>, %arg5: memref<1x1024x1024xf32, #tpu.memory_space<vmem>>, %arg6: memref<128x128xf32, #tpu.memory_space<vmem>>, %arg7: memref<128x1024xf32, #tpu.memory_space<vmem>>) attributes {dimension_semantics = [#tpu.dimension_semantics<arbitrary>], iteration_bounds = array<i64: 40>, scalar_prefetch = 1 : i64, scratch_operands = 0 : i64, tpu.core_type = #tpu.core_type<tc>, window_params = [{transform_indices = @transform_0, window_bounds = array<i64: 128, 1024>}, {transform_indices = @transform_1, window_bounds = array<i64: 1, 1024, 1024>}, {transform_indices = @transform_2, window_bounds = array<i64: 1, 1024, 1024>}, {transform_indices = @transform_3, window_bounds = array<i64: 1, 1024, 1024>}, {transform_indices = @transform_4, window_bounds = array<i64: 128, 128>}, {transform_indices = @transform_5, window_bounds = array<i64: 128, 1024>}]} {
    %get3A = arith.constant 0 : index
    %get3A_0 = arith.constant 0 : index
    %get3A_1 = vector.load %arg2[%get3A, %get3A_0] : memref<128x1024xf32, #tpu.memory_space<vmem>>, vector<128x1024xf32>
    %convert_element_type3A = arith.truncf %get3A_1 : vector<128x1024xf32> to vector<128x1024xbf16>
    %get3A_2 = arith.constant 0 : index
    %get3A_3 = arith.constant 0 : index
    %get3A_4 = arith.constant 0 : index
    %get3A_5 = vector.load %arg3[%get3A_2, %get3A_3, %get3A_4] : memref<1x1024x1024xf32, #tpu.memory_space<vmem>>, vector<1x1024x1024xf32>
    %get3A_6 = vector.shape_cast %get3A_5 : vector<1x1024x1024xf32> to vector<1024x1024xf32>
    %convert_element_type3A_7 = arith.truncf %get3A_6 : vector<1024x1024xf32> to vector<1024x1024xbf16>
    %get3A_8 = arith.constant 0 : index
    %get3A_9 = arith.constant 0 : index
    %get3A_10 = arith.constant 0 : index
    %get3A_11 = vector.load %arg4[%get3A_8, %get3A_9, %get3A_10] : memref<1x1024x1024xf32, #tpu.memory_space<vmem>>, vector<1x1024x1024xf32>
    %get3A_12 = vector.shape_cast %get3A_11 : vector<1x1024x1024xf32> to vector<1024x1024xf32>
    %convert_element_type3A_13 = arith.truncf %get3A_12 : vector<1024x1024xf32> to vector<1024x1024xbf16>
    %dot_general3A = arith.constant dense<0.000000e+00> : vector<128x1024xf32>
    %dot_general3A_14 = tpu.matmul %convert_element_type3A, %convert_element_type3A_7, %dot_general3A {dimension_numbers = #tpu.dot_dimension_numbers<[1], [0], [0], [1], [0, 0, 1, 1], [], []>, transpose_lhs_hint = false} : vector<128x1024xbf16>, vector<1024x1024xbf16>, vector<128x1024xf32> -> vector<128x1024xf32>
    %dot_general3A_15 = arith.constant dense<0.000000e+00> : vector<128x1024xf32>
    %dot_general3A_16 = tpu.matmul %convert_element_type3A, %convert_element_type3A_13, %dot_general3A_15 {dimension_numbers = #tpu.dot_dimension_numbers<[1], [0], [0], [1], [0, 0, 1, 1], [], []>, transpose_lhs_hint = false} : vector<128x1024xbf16>, vector<1024x1024xbf16>, vector<128x1024xf32> -> vector<128x1024xf32>
    %logistic3A = arith.negf %dot_general3A_14 : vector<128x1024xf32>
    %logistic3A_17 = math.exp %logistic3A : vector<128x1024xf32>
    %logistic3A_18 = arith.constant 1.000000e+00 : f32
    %logistic3A_19 = vector.broadcast %logistic3A_18 : f32 to vector<128x1024xf32>
    %logistic3A_20 = arith.addf %logistic3A_19, %logistic3A_17 : vector<128x1024xf32>
    %logistic3A_21 = arith.divf %logistic3A_19, %logistic3A_20 : vector<128x1024xf32>
    %mul3A = arith.mulf %dot_general3A_14, %logistic3A_21 : vector<128x1024xf32>
    %mul3A_22 = arith.mulf %mul3A, %dot_general3A_16 : vector<128x1024xf32>
    %convert_element_type3A_23 = arith.truncf %mul3A_22 : vector<128x1024xf32> to vector<128x1024xbf16>
    %get3A_24 = arith.constant 0 : index
    %get3A_25 = arith.constant 0 : index
    %get3A_26 = arith.constant 0 : index
    %get3A_27 = vector.load %arg5[%get3A_24, %get3A_25, %get3A_26] : memref<1x1024x1024xf32, #tpu.memory_space<vmem>>, vector<1x1024x1024xf32>
    %get3A_28 = vector.shape_cast %get3A_27 : vector<1x1024x1024xf32> to vector<1024x1024xf32>
    %convert_element_type3A_29 = arith.truncf %get3A_28 : vector<1024x1024xf32> to vector<1024x1024xbf16>
    %dot_general3A_30 = arith.constant dense<0.000000e+00> : vector<128x1024xf32>
    %dot_general3A_31 = tpu.matmul %convert_element_type3A_23, %convert_element_type3A_29, %dot_general3A_30 {dimension_numbers = #tpu.dot_dimension_numbers<[1], [0], [0], [1], [0, 0, 1, 1], [], []>, transpose_lhs_hint = false} : vector<128x1024xbf16>, vector<1024x1024xbf16>, vector<128x1024xf32> -> vector<128x1024xf32>
    %get3A_32 = arith.constant 0 : index
    %get3A_33 = arith.constant 0 : index
    %get3A_34 = vector.load %arg6[%get3A_32, %get3A_33] : memref<128x128xf32, #tpu.memory_space<vmem>>, vector<128x128xf32>
    %slice3A = vector.extract_strided_slice %get3A_34 {offsets = [0, 0], sizes = [128, 1], strides = [1, 1]} : vector<128x128xf32> to vector<128x1xf32>
    %mul3A_35 = vector.broadcast %slice3A : vector<128x1xf32> to vector<128x1024xf32>
    %mul3A_36 = arith.mulf %dot_general3A_31, %mul3A_35 : vector<128x1024xf32>
    %swap3A = arith.constant 0 : index
    %swap3A_37 = arith.constant 0 : index
    %swap3A_38 = vector.load %arg7[%swap3A, %swap3A_37] : memref<128x1024xf32, #tpu.memory_space<vmem>>, vector<128x1024xf32>
    tpu.vector_store %arg7[%swap3A, %swap3A_37], %mul3A_36 {strides = array<i32>} : memref<128x1024xf32, #tpu.memory_space<vmem>>, vector<128x1024xf32>,
    return
  }
  func.func @transform_0(%arg0: i32, %arg1: memref<40xi32, #tpu.memory_space<smem>>) -> (i32, i32) {
    %c0_i32 = arith.constant 0 : i32
    %c0_i32_0 = arith.constant 0 : i32
    return %arg0, %c0_i32 : i32, i32
  }
  func.func @transform_1(%arg0: i32, %arg1: memref<40xi32, #tpu.memory_space<smem>>) -> (i32, i32, i32) {
    %get3A = arith.index_cast %arg0 : i32 to index
    %get3A_0 = memref.load %arg1[%get3A] : memref<40xi32, #tpu.memory_space<smem>>
    %c0_i32 = arith.constant 0 : i32
    %c0_i32_1 = arith.constant 0 : i32
    %c0_i32_2 = arith.constant 0 : i32
    return %get3A_0, %c0_i32, %c0_i32_1 : i32, i32, i32
  }
  func.func @transform_2(%arg0: i32, %arg1: memref<40xi32, #tpu.memory_space<smem>>) -> (i32, i32, i32) {
    %get3A = arith.index_cast %arg0 : i32 to index
    %get3A_0 = memref.load %arg1[%get3A] : memref<40xi32, #tpu.memory_space<smem>>
    %c0_i32 = arith.constant 0 : i32
    %c0_i32_1 = arith.constant 0 : i32
    %c0_i32_2 = arith.constant 0 : i32
    return %get3A_0, %c0_i32, %c0_i32_1 : i32, i32, i32
  }
  func.func @transform_3(%arg0: i32, %arg1: memref<40xi32, #tpu.memory_space<smem>>) -> (i32, i32, i32) {
    %get3A = arith.index_cast %arg0 : i32 to index
    %get3A_0 = memref.load %arg1[%get3A] : memref<40xi32, #tpu.memory_space<smem>>
    %c0_i32 = arith.constant 0 : i32
    %c0_i32_1 = arith.constant 0 : i32
    %c0_i32_2 = arith.constant 0 : i32
    return %get3A_0, %c0_i32, %c0_i32_1 : i32, i32, i32
  }
  func.func @transform_4(%arg0: i32, %arg1: memref<40xi32, #tpu.memory_space<smem>>) -> (i32, i32) {
    %c0_i32 = arith.constant 0 : i32
    %c0_i32_0 = arith.constant 0 : i32
    return %arg0, %c0_i32 : i32, i32
  }
  func.func @transform_5(%arg0: i32, %arg1: memref<40xi32, #tpu.memory_space<smem>>) -> (i32, i32) {
    %c0_i32 = arith.constant 0 : i32
    %c0_i32_0 = arith.constant 0 : i32
    return %arg0, %c0_i32 : i32, i32
  }
}

</mosaic_0001>

<sc_bundles>
// kernel: kernel.10.cloned.1.call-start
scs
__scs_entry_jumppad:
0x0: {  	(pc) =	sbr.rel $0x88, $3  }
0x1: {  	(tag) =	ssettag $0x0;
	lr =	simm.s32 $0x1  }
0x2: {  	[smem:$0x3F99] =	sst lr;
	_ =	strace $0xD0000000  }
0x3: {  	_ = 	snop  }
0x4: {  	_ = 	snop  }
0x5: {  	_ = 	snop  }
0x6: {  	_ = 	snop  }
0x7: {  	_ = 	snop  }
__scs_overlays_trampoline_lowered:
0x8: {  	[smem:$0x3FA8] =	sst s0  }
0x9: {  	[smem:$0x3FA9] =	sst s1  }
0xa: {  	[smem:$0x3FAA] =	sst s2  }
0xb: {  	[smem:$0x3FAB] =	sst s3  }
0xc: {  	[smem:$0x3FAC] =	sst s4  }
0xd: {  	[smem:$0x3FAD] =	sst s5  }
0xe: {  	[smem:$0x3FAE] =	sst s6  }
0xf: {  	[smem:$0x3FAF] =	sst s7  }
0x10: {  	[smem:$0x3FB0] =	sst s8  }
0x11: {  	[smem:$0x3FB1] =	sst s9;
	s0 =	simm.s32 @!p0 $0x0  }
0x12: {  	s1 =	sld [smem:$0x3F97];
	s0 =	simm.s32 @p0 $0x1  }
0x13: {  	[smem:$0x3FB2] =	sst s0;
	s0 =	simm.s32 @!p1 $0x0  }
0x14: {  	s2 =	sld [smem:$0x3F96];
	s0 =	simm.s32 @p1 $0x1  }
0x15: {  	[smem:$0x3FB3] =	sst s0;
	s0 =	simm.s32 @!p2 $0x0  }
0x16: {  	s3 =	sld [smem:$0x3FDB];
	s0 =	simm.s32 @p2 $0x1  }
0x17: {  	s4 =	simm.s32 $0x1BF5;
	[smem:$0x3FB5] =	sst s0  }
0x18: {  	s0 =	sld [smem:$0x3F98];
	_ =	swait.ge [sflag:s4], $0x0  }
0x19: {  	s7 =	sld [smem:$0x3F99]  }
0x1a: {  	s8 =	sadd.s32 $0xFFFFE003, lr  }
0x1b: {  	s9 =	sadd.s32 $0xFFFFFEF7, lr;
	s5 =	simm.s32 $0xFFFFFFFF;
	p2 =	slt.u32 s8, $0xFFFFF086  }
0x1c: {  	p1 =	slt.u32 s9, $0xF7A;
	s5 =	simm.s32 @!p2 $0x0  }
0x1d: {  	s5 =	simm.s32 @p1 $0x1;
	p0 =	seq.s32 s7, s2  }
0x1e: {  	s7 =	smul.u32 @!p0 $0xF7A, s2;
	p2 =	seq.s32 @!p0 s5, $0x0  }
0x1f: {  	s9 =	smul.u32 $0xF7A, s1;
	s8 =	simm.s32 @!p0 $0x1BF5;
	p2 =	por !p2, p0  }
0x20: {  	[sflag:s8] =	ssyncset.s32 @!p0 $0xFFFFF086;
	s6 =	sadd.s32 @!p0 s3, s7;
	s7 =	simm.s32 @!p0 $0x108  }
0x21: {  	s3 =	sadd.s32 s3, s9;
	s6 =	sadd.s32 @!p0 $0x88, s6;
	s7 =	simm.s32 @p2 $0x1082  }
0x22: {  	[simem:s7], [sflag:s8] =	dma.local @!p0 [hbm:s6], $0xF7A  }
0x23: {  	s9 =	sor.u32 $0xD0000000, s2;
	s6 =	simm.s32 $0x108;
	_ =	swait.ge @!p0 [sflag:s8], $0x0  }
0x24: {  	s3 =	sadd.s32 $0x88, s3;
	s6 =	simm.s32 @!p1 $0x1082;
	[sflag:s4] =	ssyncset.s32 $0xFFFFF086  }
0x25: {  	[simem:s6], [sflag:s4] =	dma.local [hbm:s3], $0xF7A  }
0x26: {  	[smem:$0x3F99] =	sst s1;
	(tag) =	ssettag s2;
	_ =	strace s9  }
0x27: {  	s1 =	sld [smem:$0x3FA9]  }
0x28: {  	s2 =	sld [smem:$0x3FAA]  }
0x29: {  	s4 =	sld [smem:$0x3FAC]  }
0x2a: {  	p0 =	seq.s32 s5, $0x0;
	s5 =	sld [smem:$0x3FAD]  }
0x2b: {  	s6 =	sld [smem:$0x3FAE]  }
0x2c: {  	s7 =	sld [smem:$0x3FAF]  }
0x2d: {  	s3 =	simm.s32 $0x108;
	s8 =	sld [smem:$0x3FB0]  }
0x2e: {  	s3 =	simm.s32 @!p0 $0x1082;
	s9 =	sld [smem:$0x3FB1]  }
0x2f: {  	lr =	sadd.s32 s0, s3;
	s0 =	sld [smem:$0x3FA8]  }
0x30: {  	s3 =	sld [smem:$0x3FAB]  }
0x31: {  	[smem:$0x3FB4] =	sst s10  }
0x32: {  	s10 =	sld [smem:$0x3FB2];
	_ =	sdelay $0x3  }
0x33: {  	p0 =	seq.s32 s10, $0x1;
	s10 =	sld [smem:$0x3FB4];
	_ =	sdelay $0x3  }
0x34: {  	[smem:$0x3FB4] =	sst s10  }
0x35: {  	s10 =	sld [smem:$0x3FB3];
	_ =	sdelay $0x3  }
0x36: {  	p1 =	seq.s32 s10, $0x1;
	s10 =	sld [smem:$0x3FB4];
	_ =	sdelay $0x3  }
0x37: {  	[smem:$0x3FB4] =	sst s10  }
0x38: {  	s10 =	sld [smem:$0x3FB5]  }
0x39: {  	_ = 	snop;
	(pc) =	sbr.ind lr, $3  }
0x3a: {  	_ = 	snop  }
0x3b: {  	_ = 	snop  }
0x3c: {  	p2 =	seq.s32 s10, $0x1;
	s10 =	sld [smem:$0x3FB4]  }
0x3d: {  	_ =	shalt  }
0x3e: {  	_ =	shalt  }
0x3f: {  	_ =	shalt  }
0x40: {  	_ =	shalt  }
0x41: {  	_ =	shalt  }
0x42: {  	_ =	shalt  }
0x43: {  	_ =	shalt  }
0x44: {  	_ =	shalt  }
0x45: {  	_ =	shalt  }
0x46: {  	_ =	shalt  }
0x47: {  	_ =	shalt  }
0x48: {  	_ =	shalt  }
0x49: {  	_ =	shalt  }
0x4a: {  	_ =	shalt  }
0x4b: {  	_ =	shalt  }
0x4c: {  	_ =	shalt  }
0x4d: {  	_ =	shalt  }
0x4e: {  	_ =	shalt  }
0x4f: {  	_ =	shalt  }
0x50: {  	_ =	shalt  }
0x51: {  	_ =	shalt  }
0x52: {  	_ =	shalt  }
0x53: {  	_ =	shalt  }
0x54: {  	_ =	shalt  }
0x55: {  	_ =	shalt  }
0x56: {  	_ =	shalt  }
0x57: {  	_ =	shalt  }
0x58: {  	_ =	shalt  }
0x59: {  	_ =	shalt  }
0x5a: {  	_ =	shalt  }
0x5b: {  	_ =	shalt  }
0x5c: {  	_ =	shalt  }
0x5d: {  	_ =	shalt  }
0x5e: {  	_ =	shalt  }
0x5f: {  	_ =	shalt  }
0x60: {  	_ =	shalt  }
0x61: {  	_ =	shalt  }
0x62: {  	_ =	shalt  }
0x63: {  	_ =	shalt  }
0x64: {  	_ =	shalt  }
0x65: {  	_ =	shalt  }
0x66: {  	_ =	shalt  }
0x67: {  	_ =	shalt  }
0x68: {  	_ =	shalt  }
0x69: {  	_ =	shalt  }
0x6a: {  	_ =	shalt  }
0x6b: {  	_ =	shalt  }
0x6c: {  	_ =	shalt  }
0x6d: {  	_ =	shalt  }
0x6e: {  	_ =	shalt  }
0x6f: {  	_ =	shalt  }
0x70: {  	_ =	shalt  }
0x71: {  	_ =	shalt  }
0x72: {  	_ =	shalt  }
0x73: {  	_ =	shalt  }
0x74: {  	_ =	shalt  }
0x75: {  	_ =	shalt  }
0x76: {  	_ =	shalt  }
0x77: {  	_ =	shalt  }
0x78: {  	_ =	shalt  }
0x79: {  	_ =	shalt  }
0x7a: {  	_ =	shalt  }
0x7b: {  	_ =	shalt  }
0x7c: {  	_ =	shalt  }
0x7d: {  	_ =	shalt  }
0x7e: {  	_ =	shalt  }
0x7f: {  	_ =	shalt  }
0x80: {  	_ =	shalt  }
0x81: {  	_ =	shalt  }
0x82: {  	_ =	shalt  }
0x83: {  	_ =	shalt  }
0x84: {  	_ =	shalt  }
0x85: {  	_ =	shalt  }
0x86: {  	_ =	shalt  }
0x87: {  	_ =	shalt  }
.Lfunc_end0:
.L_simem_size_0:
called_computation.1_lowered:
.L_overlay_start_0:
0x88: {  	s2 =	sld [smem:$0x3FD9]  }
0x89: {  	s3 =	sld [smem:$0x3FFE];
	_ =	sdelay $0x1  }
0x8a: {  	s1 =	srdreg.scid  }
0x8b: {  	s0 =	sand.u32 $0x1, s1  }
0x8c: {  	s14 =	sshll.u32 s0, $0xA;
	s2 =	sadd.s32 s3, s2  }
0x8d: {  	s2 =	sadd.s32 s2, s14  }
0x8e: {  	[smem:$0x3FC0] =	sst s2  }
0x8f: {  	_ = 	snop  }
0x90: {  	s2 =	sld [smem:$0x3FD0];
	_ =	sdelay $0x2  }
0x91: {  	s15 =	simm.s32 $0xA;
	s4 =	simm.s32 $0x10  }
0x92: {  	[smem:s4], [sflag:s15] =	dma.local [hbm:s2], $0x1  }
0x93: {  	_ =	swait.eq [sflag:s15], $0x1  }
0x94: {  	[sflag:s15] =	ssyncset.done $0x0  }
0x95: {  	[sflag:s15] =	ssyncadd.s32 $0xFFFFFFFF  }
0x96: {  	s16 =	sld [smem:$0x10];
	(tm) =	ssettm $0x1  }
0x97: {  	s17 =	sld [smem:$0x3FFB];
	_ =	sdelay $0x3  }
0x98: {  	_ =	strace s17  }
0x99: {  	s3 =	sld [smem:$0x3FFC];
	_ =	sdelay $0x3  }
0x9a: {  	_ =	strace s3  }
0x9b: {  	s3 =	sld [smem:$0x3FFD];
	_ =	sdelay $0x3  }
0x9c: {  	_ =	strace s3  }
0x9d: {  	_ =	strace $0x8FFFFFFF  }
0x9e: {  	s18 =	sld [smem:$0x3FDB];
	_ =	sdelay $0x1  }
0x9f: {  	s19 =	simm.s32 $_scs_section_size  }
0xa0: {  	s5 =	simm.s32 $_size__tile_overlayer_lowered;
	s6 =	simm.s32 $_tile_overlayer_lowered  }
0xa1: {  	s22 =	simm.s32 $0x1BFF;
	s21 =	sshll.u32 s6, $0x1;
	s3 =	sadd.s32 s19, s18  }
0xa2: {  	s7 =	simm.s32 $0x0;
	s20 =	sshll.u32 s5, $0x1;
	s5 =	sadd.s32 s21, s3  }
0xa3: {  	[timem:s7], [sflag:s22] =	dma.local [hbm:s5], s20  }
0xa4: {  	_ =	swait.ge [sflag:s22], s20  }
0xa5: {  	s4 =	ssub.s32 $0x0, s20;
	[sflag:s22] =	ssyncset.done $0x0  }
0xa6: {  	[sflag:s22] =	ssyncadd.s32 s4;
	_ =	sdelay $0x1  }
0xa7: {  	s23 =	simm.s32 $0x1B8B  }
0xa8: {  	_ =	swait.ge [sflag:s23], $0x1  }
0xa9: {  	[sflag:s23] =	ssyncset.done $0x0  }
0xaa: {  	s25 =	simm.s32 $0x1B8E;
	s24 =	sld [smem:$0x3FFE];
	[sflag:s23] =	ssyncadd.s32 $0xFFFFFFFF  }
0xab: {  	s26 =	simm.s32 $execute0_lowered;
	[smem:$0x3FD2] =	sst s25  }
0xac: {  	s5 =	sshll.u32 s26, $0x1;
	_ =	strace $0x80000049;
	[dreg:$0x1] =	wrdreg $0xFFFFFFFF  }
0xad: {  	s28 =	simm.s32 $_size_execute0_lowered;
	s3 =	sadd.s32 s3, s5;
	[dreg:$0x0] =	wrdreg $0x0  }
0xae: {  	s5 =	sshll.u32 s28, $0x1;
	[dreg:$0x2] =	wrdreg s3  }
0xaf: {  	[dreg:$0x3] =	wrdreg s5  }
0xb0: {  	[dreg:$0x4] =	wrdreg $0xC0  }
0xb1: {  	_ =	task [dreg:s7], $0x5FFFF  }
0xb2: {  	[dreg:$0x1] =	wrdreg $0xFFFFFFFF  }
0xb3: {  	[dreg:$0x0] =	wrdreg $0x60  }
0xb4: {  	[dreg:$0x2] =	wrdreg s24  }
0xb5: {  	[dreg:$0x3] =	wrdreg s16  }
0xb6: {  	[dreg:$0x4] =	wrdreg $0x9  }
0xb7: {  	_ =	task.clear_ibuf [dreg:s7], $0x5FFFF;
	_ =	strace $0x90000049  }
0xb8: {  	s29 =	simm.s32 $0x9;
	_ =	strace $0x8000004B  }
0xb9: {  	_ =	swait.ge [sflag:s29], $0x1  }
0xba: {  	[sflag:s29] =	ssyncadd.s32 $0xFFFFFFFF  }
0xbb: {  	_ =	strace $0x9000004B  }
0xbc: {  	_ =	sfence  }
0xbd: {  	s30 =	sld [smem:$0x0];
	_ =	sdelay $0x2  }
0xbe: {  	s31 =	sshll.u32 s1, $0xD;
	s1 =	sshrl.u32 s1, $0x2  }
0xbf: {  	s3 =	sand.u32 $0x4000, s31;
	s1 =	sadd.s32 s1, s30  }
0xc0: {  	s0 =	sor.u32 s3, s0;
	s1 =	sshll.u32 s1, $0x11  }
0xc1: {  	s0 =	sor.u32 s1, s0  }
0xc2: {  	s0 =	sadd.s32 $0x8F2B, s0  }
0xc3: {  	[sflag:s0] =	ssyncadd.remote.s32 $0x1  }
0xc4: {  	_ =	sfence.sel $0xFFFF  }
0xc5: {  	[dreg:$0x0] =	wrdreg $0xFFFFFFFF;
	(pc) =	sbr.abs _section_cstart, $3  }
0xc6: {  	[dreg:$0x1] =	wrdreg $0xFFFFFFFF  }
0xc7: {  	_ =	task.clear_ibuf [dreg:s7], $0x2FFFF;
	_ =	strace $0x9FFFFFFF  }
0xc8: {  	(tm) =	ssettm $0x7FFFFFFF  }
0xc9: {  	_ =	shalt  }
tec
execute0_lowered:
.L_overlay_start_1:
0x0: {  	(tag) =	ssettag $0x1  }
0x1: {  	s0 =	rddreg [dreg:$0x0]  }
0x2: {  	s1 =	rddreg [dreg:$0x1]  }
0x3: {  	s2 =	srdreg.scid;
	s4 =	stileid.u32;
	s18 =	simm.s32 $0x5  }
0x4: {  	s14 =	simm.s32 $0x7900;
	s15 =	simm.s32 $0xC900;
	s16 =	simm.s32 $0xD900  }
0x5: {  	s17 =	simm.s32 $0xE900;
	s28 =	simm.s32 $0xF100;
	s29 =	simm.s32 $0x14100  }
0x6: {  	s30 =	simm.s32 $0x1;
	s31 =	simm.s32 $0x3;
	s3 =	sand.u32 $0x1, s2  }
0x7: {  	s2 =	simm.s32 $0x0;
	s4 =	sshll.u32 s4, $0x7;
	s9 =	sadd.s32 $0xA0600, s0  }
0x8: {  	s8 =	sadd.s32 $0xE0900, s0;
	s5 =	sshll.u32 s3, $0x6;
	[smem:$0x7FF] =	sst s2  }
0x9: {  	s19 =	ssub.s32 $0x2, s3;
	s3 =	sadd.s32 $0xE0600, s0;
	s4 =	sor.u32 s5, s4  }
0xa: {  	_ =	strace $0x8000004A;
	s7 =	sshrl.u32 s19, $0x1;
	s6 =	sshrl.u32 s4, $0x3  }
0xb: {  	s5 =	ssub.s32 s19, s7;
	s4 =	sshll.u32 s4, $0x7;
	s6 =	sadd.s32 s0, s6  }
0xc: {  	s7 =	sadd.s32 $0xE0800, s0;
	s20 =	sadd.s32 s9, s4;
	[dreg:$0x3] =	wrdreg s6  }
0xd: {  	s19 =	simm.s32 $0x0;
	s22 =	sadd.s32 s1, s4;
	[dreg:$0x5] =	wrdreg s20  }
0xe: {  	s21 =	sor.u32 $0x800, s4;
	s26 =	smax.u32 s5, $0x1;
	[dreg:$0x7] =	wrdreg s22  }
0xf: {  	s23 =	sor.u32 $0x1000, s4;
	s6 =	sadd.s32 $0x200, s6;
	[dreg:$0xd] =	wrdreg s26  }
0x10: {  	s24 =	sor.u32 $0x1800, s4;
	s10 =	sadd.s32 s9, s21;
	[dreg:$0x4] =	wrdreg s6  }
0x11: {  	s11 =	sadd.s32 s9, s23;
	s4 =	sadd.s32 s9, s24;
	[dreg:$0x6] =	wrdreg s10  }
0x12: {  	s25 =	sadd.s32 s1, s23;
	s22 =	simm.s32 $0x100;
	[dreg:$0x8] =	wrdreg s11  }
0x13: {  	s23 =	simm.s32 $0x7100;
	s26 =	simm.s32 $0xE100;
	[dreg:$0xa] =	wrdreg s4  }
0x14: {  	s6 =	sadd.s32 $0xE0700, s0;
	s0 =	sadd.s32 s1, s21;
	[dreg:$0xb] =	wrdreg s25  }
0x15: {  	v2 =	vlaneseq.u32;
	s10 =	simm.s32 $0x10100;
	s25 =	simm.s32 $0xD100;
	s4 =	simm.s32 $0xF900  }
0x16: {  	vm0 =	vmmov $0xffff;
	v1 =	vshrl.u32 v2, $0x3;
	[dreg:$0x9] =	wrdreg s0;
	s0 =	sadd.s32 s1, s24;
	s24 =	simm.s32 $0xC100  }
0x17: {  	v0 =	vand.u32 $0x7, v2;
	v2 =	vor.u32 $0x8, v2;
	v1 =	vmul.u32 $0x8, v1;
	s1 =	simm.s32 $0x4;
	[dreg:$0xc] =	wrdreg s0;
	s0 =	simm.s32 $0x2  }
.LBB2_1:
0x18: {  	s5 =	rddreg [dreg:$0x4]  }
0x19: {  	[tilespmem:s2], [sflag:$0x5] =	stream.linear.gather [hbm4b:s5+s2], $0x40, $0x38;
	[tilespmem:$0x18100] =	vst v63  }
0x1a: {  	_ =	swait.ge [sflag:s18], $0x40  }
0x1b: {  	[sflag:s18] =	ssyncset.done $0x0  }
0x1c: {  	s9 =	simm.s32 $0x80;
	s21 =	rddreg [dreg:$0x3];
	[sflag:s18] =	ssyncadd.s32 $0xFFFFFFC0  }
0x1d: {  	[tilespmem:s9], [sflag:$0x5] =	stream.linear.gather [hbm4b:s21+s2], $0x40, $0x38;
	[tilespmem:$0x18100] =	vst v63  }
0x1e: {  	_ =	swait.ge [sflag:s18], $0x40  }
0x1f: {  	[sflag:s18] =	ssyncset.done $0x0  }
0x20: {  	[sflag:s18] =	ssyncadd.s32 $0xFFFFFFC0  }
0x21: {  	v3 =	vld [tilespmem:$0x0];
	_ =	sdelay $0x4  }
0x22: {  	v4 =	vshll.u32 v3, $0x3  }
0x23: {  	v3 =	vand.u32 $0x7, v3;
	v4 =	vand.u32 $0xFFFFFFC0, v4  }
0x24: {  	v3 =	vor.u32 v3, v4  }
0x25: {  	v4 =	vperm.xlane v3, v0;
	_ =	sdelay $0x1  }
0x26: {  	v4 =	vadd.s32 v1, v4;
	_ =	sdelay $0x4  }
0x27: {  	[tilespmem:s22], [sflag:$0x1] =	stream.indirect_vreg.gather [hbm4b:s3+s2], $0x80, v4, vm0, $0xb8;
	[tilespmem:$0x18100] =	vst v63  }
0x28: {  	s11 =	simm.s32 $0x900;
	v3 =	vperm.xlane v3, v2  }
0x29: {  	[tilespmem:s11], [sflag:$0x1] =	stream.indirect_vreg.gather [hbm4b:s6+s2], $0x80, v4, vm0, $0xb8;
	[tilespmem:$0x18100] =	vst v63  }
0x2a: {  	s12 =	simm.s32 $0x1100;
	v3 =	vadd.s32 v1, v3  }
0x2b: {  	[tilespmem:s12], [sflag:$0x1] =	stream.indirect_vreg.gather [hbm4b:s7+s2], $0x80, v4, vm0, $0xb8;
	[tilespmem:$0x18100] =	vst v63  }
0x2c: {  	s13 =	simm.s32 $0x1900  }
0x2d: {  	[tilespmem:s13], [sflag:$0x1] =	stream.indirect_vreg.gather [hbm4b:s8+s2], $0x80, v4, vm0, $0xb8;
	[tilespmem:$0x18100] =	vst v63  }
0x2e: {  	s20 =	simm.s32 $0x2100  }
0x2f: {  	[tilespmem:s20], [sflag:$0x1] =	stream.indirect_vreg.gather [hbm4b:s3+s2], $0x80, v3, vm0, $0xb8;
	[tilespmem:$0x18100] =	vst v63  }
0x30: {  	s21 =	simm.s32 $0x2900  }
0x31: {  	[tilespmem:s21], [sflag:$0x1] =	stream.indirect_vreg.gather [hbm4b:s6+s2], $0x80, v3, vm0, $0xb8;
	[tilespmem:$0x18100] =	vst v63  }
0x32: {  	s9 =	simm.s32 $0x3100  }
0x33: {  	[tilespmem:s9], [sflag:$0x1] =	stream.indirect_vreg.gather [hbm4b:s7+s2], $0x80, v3, vm0, $0xb8;
	[tilespmem:$0x18100] =	vst v63  }
0x34: {  	s11 =	simm.s32 $0x3900  }
0x35: {  	[tilespmem:s11], [sflag:$0x1] =	stream.indirect_vreg.gather [hbm4b:s8+s2], $0x80, v3, vm0, $0xb8;
	[tilespmem:$0x18100] =	vst v63  }
0x36: {  	v3 =	vld [tilespmem:$0x80];
	_ =	sdelay $0x4  }
0x37: {  	v61 =	vshll.u32 v3, $0x3  }
0x38: {  	v3 =	vand.u32 $0x7, v3;
	v4 =	vand.u32 $0xFFFFFFC0, v61  }
0x39: {  	v3 =	vor.u32 v3, v4  }
0x3a: {  	v4 =	vperm.xlane v3, v0;
	_ =	sdelay $0x1  }
0x3b: {  	v4 =	vadd.s32 v1, v4;
	_ =	sdelay $0x3  }
0x3c: {  	s12 =	simm.s32 $0x8100  }
0x3d: {  	[tilespmem:s12], [sflag:$0x1] =	stream.indirect_vreg.gather [hbm4b:s3+s2], $0x80, v4, vm0, $0xb8;
	[tilespmem:$0x18100] =	vst v63  }
0x3e: {  	s13 =	simm.s32 $0x8900;
	v3 =	vperm.xlane v3, v2  }
0x3f: {  	[tilespmem:s13], [sflag:$0x1] =	stream.indirect_vreg.gather [hbm4b:s6+s2], $0x80, v4, vm0, $0xb8;
	[tilespmem:$0x18100] =	vst v63  }
0x40: {  	s20 =	simm.s32 $0x9100;
	v3 =	vadd.s32 v1, v3  }
0x41: {  	[tilespmem:s20], [sflag:$0x1] =	stream.indirect_vreg.gather [hbm4b:s7+s2], $0x80, v4, vm0, $0xb8;
	[tilespmem:$0x18100] =	vst v63  }
0x42: {  	s21 =	simm.s32 $0x9900  }
0x43: {  	[tilespmem:s21], [sflag:$0x1] =	stream.indirect_vreg.gather [hbm4b:s8+s2], $0x80, v4, vm0, $0xb8;
	[tilespmem:$0x18100] =	vst v63  }
0x44: {  	s9 =	simm.s32 $0xA100  }
0x45: {  	[tilespmem:s9], [sflag:$0x1] =	stream.indirect_vreg.gather [hbm4b:s3+s2], $0x80, v3, vm0, $0xb8;
	[tilespmem:$0x18100] =	vst v63  }
0x46: {  	s11 =	simm.s32 $0xA900  }
0x47: {  	[tilespmem:s11], [sflag:$0x1] =	stream.indirect_vreg.gather [hbm4b:s6+s2], $0x80, v3, vm0, $0xb8;
	[tilespmem:$0x18100] =	vst v63  }
0x48: {  	s12 =	simm.s32 $0xB100  }
0x49: {  	[tilespmem:s12], [sflag:$0x1] =	stream.indirect_vreg.gather [hbm4b:s7+s2], $0x80, v3, vm0, $0xb8;
	[tilespmem:$0x18100] =	vst v63  }
0x4a: {  	s13 =	simm.s32 $0xB900  }
0x4b: {  	[tilespmem:s13], [sflag:$0x1] =	stream.indirect_vreg.gather [hbm4b:s8+s2], $0x80, v3, vm0, $0xb8;
	[tilespmem:$0x18100] =	vst v63  }
0x4c: {  	s20 =	rddreg [dreg:$0x5]  }
0x4d: {  	[tilespmem:s10], [sflag:$0x1] =	stream.linear.gather [hbm4b:s20+s2], $0x4000, $0x38;
	[tilespmem:$0x18100] =	vst v63  }
0x4e: {  	v3 =	vld [tilespmem:$0x10];
	_ =	sdelay $0x4  }
0x4f: {  	v62 =	vshll.u32 v3, $0x3  }
0x50: {  	v3 =	vand.u32 $0x7, v3;
	v4 =	vand.u32 $0xFFFFFFC0, v62  }
0x51: {  	v3 =	vor.u32 v3, v4  }
0x52: {  	v4 =	vperm.xlane v3, v0;
	_ =	sdelay $0x1  }
0x53: {  	v4 =	vadd.s32 v1, v4;
	_ =	sdelay $0x3  }
0x54: {  	s21 =	simm.s32 $0x4100  }
0x55: {  	[tilespmem:s21], [sflag:$0x2] =	stream.indirect_vreg.gather [hbm4b:s3+s2], $0x80, v4, vm0, $0xb8;
	[tilespmem:$0x18100] =	vst v63  }
0x56: {  	s9 =	simm.s32 $0x4900;
	v3 =	vperm.xlane v3, v2  }
0x57: {  	[tilespmem:s9], [sflag:$0x2] =	stream.indirect_vreg.gather [hbm4b:s6+s2], $0x80, v4, vm0, $0xb8;
	[tilespmem:$0x18100] =	vst v63  }
0x58: {  	s11 =	simm.s32 $0x5100;
	v3 =	vadd.s32 v1, v3  }
0x59: {  	[tilespmem:s11], [sflag:$0x2] =	stream.indirect_vreg.gather [hbm4b:s7+s2], $0x80, v4, vm0, $0xb8;
	[tilespmem:$0x18100] =	vst v63  }
0x5a: {  	s12 =	simm.s32 $0x5900  }
0x5b: {  	[tilespmem:s12], [sflag:$0x2] =	stream.indirect_vreg.gather [hbm4b:s8+s2], $0x80, v4, vm0, $0xb8;
	[tilespmem:$0x18100] =	vst v63  }
0x5c: {  	s13 =	simm.s32 $0x6100  }
0x5d: {  	[tilespmem:s13], [sflag:$0x2] =	stream.indirect_vreg.gather [hbm4b:s3+s2], $0x80, v3, vm0, $0xb8;
	[tilespmem:$0x18100] =	vst v63  }
0x5e: {  	s20 =	simm.s32 $0x6900  }
0x5f: {  	[tilespmem:s20], [sflag:$0x2] =	stream.indirect_vreg.gather [hbm4b:s6+s2], $0x80, v3, vm0, $0xb8;
	[tilespmem:$0x18100] =	vst v63  }
0x60: {  	_ = 	snop  }
0x61: {  	[tilespmem:s23], [sflag:$0x2] =	stream.indirect_vreg.gather [hbm4b:s7+s2], $0x80, v3, vm0, $0xb8;
	[tilespmem:$0x18100] =	vst v63  }
0x62: {  	_ = 	snop  }
0x63: {  	[tilespmem:s14], [sflag:$0x2] =	stream.indirect_vreg.gather [hbm4b:s8+s2], $0x80, v3, vm0, $0xb8;
	[tilespmem:$0x18100] =	vst v63  }
0x64: {  	v3 =	vld [tilespmem:$0x90];
	_ =	sdelay $0x4  }
0x65: {  	v63 =	vshll.u32 v3, $0x3  }
0x66: {  	v3 =	vand.u32 $0x7, v3;
	v4 =	vand.u32 $0xFFFFFFC0, v63  }
0x67: {  	v3 =	vor.u32 v3, v4  }
0x68: {  	v4 =	vperm.xlane v3, v0;
	_ =	sdelay $0x1  }
0x69: {  	v4 =	vadd.s32 v1, v4;
	_ =	sdelay $0x4  }
0x6a: {  	[tilespmem:s24], [sflag:$0x2] =	stream.indirect_vreg.gather [hbm4b:s3+s2], $0x80, v4, vm0, $0xb8;
	[tilespmem:$0x18100] =	vst v63  }
0x6b: {  	v3 =	vperm.xlane v3, v2  }
0x6c: {  	[tilespmem:s15], [sflag:$0x2] =	stream.indirect_vreg.gather [hbm4b:s6+s2], $0x80, v4, vm0, $0xb8;
	[tilespmem:$0x18100] =	vst v63  }
0x6d: {  	v3 =	vadd.s32 v1, v3  }
0x6e: {  	[tilespmem:s25], [sflag:$0x2] =	stream.indirect_vreg.gather [hbm4b:s7+s2], $0x80, v4, vm0, $0xb8;
	[tilespmem:$0x18100] =	vst v63  }
0x6f: {  	_ = 	snop  }
0x70: {  	[tilespmem:s16], [sflag:$0x2] =	stream.indirect_vreg.gather [hbm4b:s8+s2], $0x80, v4, vm0, $0xb8;
	[tilespmem:$0x18100] =	vst v63  }
0x71: {  	_ = 	snop  }
0x72: {  	[tilespmem:s26], [sflag:$0x2] =	stream.indirect_vreg.gather [hbm4b:s3+s2], $0x80, v3, vm0, $0xb8;
	[tilespmem:$0x18100] =	vst v63  }
0x73: {  	_ = 	snop  }
0x74: {  	[tilespmem:s17], [sflag:$0x2] =	stream.indirect_vreg.gather [hbm4b:s6+s2], $0x80, v3, vm0, $0xb8;
	[tilespmem:$0x18100] =	vst v63  }
0x75: {  	_ = 	snop  }
0x76: {  	[tilespmem:s28], [sflag:$0x2] =	stream.indirect_vreg.gather [hbm4b:s7+s2], $0x80, v3, vm0, $0xb8;
	[tilespmem:$0x18100] =	vst v63  }
0x77: {  	_ = 	snop  }
0x78: {  	[tilespmem:s4], [sflag:$0x2] =	stream.indirect_vreg.gather [hbm4b:s8+s2], $0x80, v3, vm0, $0xb8;
	[tilespmem:$0x18100] =	vst v63  }
0x79: {  	s21 =	rddreg [dreg:$0x6]  }
0x7a: {  	[tilespmem:s29], [sflag:$0x2] =	stream.linear.gather [hbm4b:s21+s2], $0x4000, $0x38;
	[tilespmem:$0x18100] =	vst v63  }
0x7b: {  	_ =	swait.ge [sflag:s30], $0x4000  }
0x7c: {  	[sflag:s30] =	ssyncset.done $0x0  }
0x7d: {  	[sflag:s30] =	ssyncadd.s32 $0xFFFFC000  }
0x7e: {  	_ =	swait.ge [sflag:s30], $0x4000  }
0x7f: {  	[sflag:s30] =	ssyncset.done $0x0  }
0x80: {  	[sflag:s30] =	ssyncadd.s32 $0xFFFFC000  }
0x81: {  	_ =	swait.ge [sflag:s30], $0x4000  }
0x82: {  	[sflag:s30] =	ssyncset.done $0x0  }
0x83: {  	s5 =	simm.s32 $0x0;
	[sflag:s30] =	ssyncadd.s32 $0xFFFFC000  }
.LBB2_2:
0x84: {  	s9 =	sshll.u32 s5, $0xA;
	s11 =	sshll.u32 s5, $0x7  }
0x85: {  	s9 =	sand.u32 $0x2000, s9;
	s12 =	sand.u32 $0x380, s11;
	s11 =	simm.s32 $0x0  }
0x86: {  	s20 =	sor.u32 s9, s12;
	s13 =	sand.u32 $0x40, s11  }
0x87: {  	s21 =	sand.u32 $0x1C00, s11;
	s9 =	sor.u32 s13, s20  }
0x88: {  	s9 =	sor.u32 s21, s9  }
0x89: {  	v7 =	vld [tilespmem:s9+$0x8100]  }
0x8a: {  	v8 =	vld [tilespmem:s9+$0x8110]  }
0x8b: {  	v6 =	vld [tilespmem:s9+$0x100]  }
0x8c: {  	v5 =	vld [tilespmem:s9+$0x110]  }
0x8d: {  	v4 =	vld [tilespmem:s9+$0x120]  }
0x8e: {  	v3 =	vld [tilespmem:s9+$0x130]  }
0x8f: {  	s12 =	simm.s32 $0x40;
	v9 =	vld [tilespmem:s9+$0x10100]  }
.LBB2_3:
0x90: {  	p0 =	sne.s32 s12, $0x3C0;
	v10 =	vld [tilespmem:s9+$0x10110]  }
0x91: {  	v11 =	vld [tilespmem:s9+$0x10120]  }
0x92: {  	s21 =	sand.u32 $0x40, s12;
	s11 =	sadd.s32 $0x200, s11;
	v12 =	vld [tilespmem:s9+$0x10130]  }
0x93: {  	s13 =	sand.u32 $0x1C00, s11;
	s21 =	sor.u32 s21, s20;
	v13 =	vld [tilespmem:s9+$0x8120]  }
0x94: {  	s13 =	sor.u32 s13, s21;
	v6 =	vadd.f32 v6, v9;
	v9 =	vld [tilespmem:s9+$0x8130]  }
0x95: {  	v14 =	vld [tilespmem:s13+$0x8100];
	v5 =	vadd.f32 v5, v10  }
0x96: {  	v10 =	vld [tilespmem:s13+$0x8110];
	v7 =	vadd.f32 v7, v6;
	v4 =	vadd.f32 v4, v11  }
.Ltmp0:
0x97: {  	v6 =	vld [tilespmem:s13+$0x100];
	v8 =	vadd.f32 v8, v5;
	v3 =	vadd.f32 v3, v12;
	(pc) =	sbr.rel @p0 .LBB2_3-.Ltmp0, $4  }
0x98: {  	v5 =	vld [tilespmem:s13+$0x110];
	[tilespmem:s9+$0x10100] =	vst v7;
	v11 =	vadd.f32 v13, v4  }
0x99: {  	v4 =	vld [tilespmem:s13+$0x120];
	[tilespmem:s9+$0x10110] =	vst v8;
	v12 =	vadd.f32 v9, v3  }
0x9a: {  	v3 =	vld [tilespmem:s13+$0x130];
	[tilespmem:s9+$0x10120] =	vst v11;
	v7 =	vmov v14  }
0x9b: {  	s12 =	sadd.s32 $0x40, s12;
	v9 =	vld [tilespmem:s13+$0x10100];
	[tilespmem:s9+$0x10130] =	vst v12;
	v8 =	vmov v10;
	s9 =	smov.u32 s13  }
0x9c: {  	v10 =	vld [tilespmem:s9+$0x10110]  }
0x9d: {  	v11 =	vld [tilespmem:s9+$0x10120]  }
0x9e: {  	v12 =	vld [tilespmem:s9+$0x10130]  }
0x9f: {  	v13 =	vld [tilespmem:s9+$0x8120]  }
0xa0: {  	v63 =	vld [tilespmem:s9+$0x8130];
	v6 =	vadd.f32 v6, v9  }
0xa1: {  	s5 =	sadd.s32 $0x1, s5;
	v5 =	vadd.f32 v5, v10  }
0xa2: {  	p0 =	sne.s32 s5, $0x10;
	v4 =	vadd.f32 v4, v11;
	v6 =	vadd.f32 v7, v6  }
.Ltmp1:
0xa3: {  	v3 =	vadd.f32 v3, v12;
	v5 =	vadd.f32 v8, v5;
	(pc) =	sbr.rel @p0 .LBB2_2-.Ltmp1, $4  }
0xa4: {  	v4 =	vadd.f32 v13, v4;
	[tilespmem:s9+$0x10100] =	vst v6  }
0xa5: {  	v3 =	vadd.f32 v63, v3;
	[tilespmem:s9+$0x10110] =	vst v5  }
0xa6: {  	[tilespmem:s9+$0x10120] =	vst v4  }
0xa7: {  	[tilespmem:s9+$0x10130] =	vst v3  }
0xa8: {  	s5 =	simm.s32 $0x0;
	s9 =	rddreg [dreg:$0x7]  }
0xa9: {  	[hbm4b:s9+s5] =	stream.linear.scatter [tilespmem:s10], [sflag:$0x3], $0x4000, $0x38;
	[tilespmem:$0x18100] =	vst v63  }
0xaa: {  	_ =	swait.ge [sflag:s31], $0x4000  }
0xab: {  	[sflag:s31] =	ssyncset.done $0x0  }
0xac: {  	[sflag:s31] =	ssyncadd.s32 $0xFFFFC000  }
0xad: {  	v3 =	vld [tilespmem:$0x20];
	_ =	sdelay $0x4  }
0xae: {  	v4 =	vshll.u32 v3, $0x3  }
0xaf: {  	v3 =	vand.u32 $0x7, v3;
	v4 =	vand.u32 $0xFFFFFFC0, v4  }
0xb0: {  	v3 =	vor.u32 v3, v4  }
0xb1: {  	v4 =	vperm.xlane v3, v0;
	_ =	sdelay $0x1  }
0xb2: {  	v4 =	vadd.s32 v1, v4;
	_ =	sdelay $0x4  }
0xb3: {  	[tilespmem:s22], [sflag:$0x1] =	stream.indirect_vreg.gather [hbm4b:s3+s5], $0x80, v4, vm0, $0xb8;
	[tilespmem:$0x18100] =	vst v63  }
0xb4: {  	s13 =	simm.s32 $0x900;
	v3 =	vperm.xlane v3, v2  }
0xb5: {  	[tilespmem:s13], [sflag:$0x1] =	stream.indirect_vreg.gather [hbm4b:s6+s5], $0x80, v4, vm0, $0xb8;
	[tilespmem:$0x18100] =	vst v63  }
0xb6: {  	s20 =	simm.s32 $0x1100;
	v3 =	vadd.s32 v1, v3  }
0xb7: {  	[tilespmem:s20], [sflag:$0x1] =	stream.indirect_vreg.gather [hbm4b:s7+s5], $0x80, v4, vm0, $0xb8;
	[tilespmem:$0x18100] =	vst v63  }
0xb8: {  	s21 =	simm.s32 $0x1900  }
0xb9: {  	[tilespmem:s21], [sflag:$0x1] =	stream.indirect_vreg.gather [hbm4b:s8+s5], $0x80, v4, vm0, $0xb8;
	[tilespmem:$0x18100] =	vst v63  }
0xba: {  	s22 =	simm.s32 $0x2100  }
0xbb: {  	[tilespmem:s22], [sflag:$0x1] =	stream.indirect_vreg.gather [hbm4b:s3+s5], $0x80, v3, vm0, $0xb8;
	[tilespmem:$0x18100] =	vst v63  }
0xbc: {  	s11 =	simm.s32 $0x2900  }
0xbd: {  	[tilespmem:s11], [sflag:$0x1] =	stream.indirect_vreg.gather [hbm4b:s6+s5], $0x80, v3, vm0, $0xb8;
	[tilespmem:$0x18100] =	vst v63  }
0xbe: {  	s12 =	simm.s32 $0x3100  }
0xbf: {  	[tilespmem:s12], [sflag:$0x1] =	stream.indirect_vreg.gather [hbm4b:s7+s5], $0x80, v3, vm0, $0xb8;
	[tilespmem:$0x18100] =	vst v63  }
0xc0: {  	s13 =	simm.s32 $0x3900  }
0xc1: {  	[tilespmem:s13], [sflag:$0x1] =	stream.indirect_vreg.gather [hbm4b:s8+s5], $0x80, v3, vm0, $0xb8;
	[tilespmem:$0x18100] =	vst v63  }
0xc2: {  	v3 =	vld [tilespmem:$0xA0];
	_ =	sdelay $0x4  }
0xc3: {  	v63 =	vshll.u32 v3, $0x3  }
0xc4: {  	v3 =	vand.u32 $0x7, v3;
	v4 =	vand.u32 $0xFFFFFFC0, v63  }
0xc5: {  	v3 =	vor.u32 v3, v4  }
0xc6: {  	v4 =	vperm.xlane v3, v0;
	_ =	sdelay $0x1  }
0xc7: {  	v4 =	vadd.s32 v1, v4;
	_ =	sdelay $0x3  }
0xc8: {  	s20 =	simm.s32 $0x8100  }
0xc9: {  	[tilespmem:s20], [sflag:$0x1] =	stream.indirect_vreg.gather [hbm4b:s3+s5], $0x80, v4, vm0, $0xb8;
	[tilespmem:$0x18100] =	vst v63  }
0xca: {  	s21 =	simm.s32 $0x8900;
	v3 =	vperm.xlane v3, v2  }
0xcb: {  	[tilespmem:s21], [sflag:$0x1] =	stream.indirect_vreg.gather [hbm4b:s6+s5], $0x80, v4, vm0, $0xb8;
	[tilespmem:$0x18100] =	vst v63  }
0xcc: {  	s22 =	simm.s32 $0x9100;
	v3 =	vadd.s32 v1, v3  }
0xcd: {  	[tilespmem:s22], [sflag:$0x1] =	stream.indirect_vreg.gather [hbm4b:s7+s5], $0x80, v4, vm0, $0xb8;
	[tilespmem:$0x18100] =	vst v63  }
0xce: {  	s11 =	simm.s32 $0x9900  }
0xcf: {  	[tilespmem:s11], [sflag:$0x1] =	stream.indirect_vreg.gather [hbm4b:s8+s5], $0x80, v4, vm0, $0xb8;
	[tilespmem:$0x18100] =	vst v63  }
0xd0: {  	s12 =	simm.s32 $0xA100  }
0xd1: {  	[tilespmem:s12], [sflag:$0x1] =	stream.indirect_vreg.gather [hbm4b:s3+s5], $0x80, v3, vm0, $0xb8;
	[tilespmem:$0x18100] =	vst v63  }
0xd2: {  	s13 =	simm.s32 $0xA900  }
0xd3: {  	[tilespmem:s13], [sflag:$0x1] =	stream.indirect_vreg.gather [hbm4b:s6+s5], $0x80, v3, vm0, $0xb8;
	[tilespmem:$0x18100] =	vst v63  }
0xd4: {  	s20 =	simm.s32 $0xB100  }
0xd5: {  	[tilespmem:s20], [sflag:$0x1] =	stream.indirect_vreg.gather [hbm4b:s7+s5], $0x80, v3, vm0, $0xb8;
	[tilespmem:$0x18100] =	vst v63  }
0xd6: {  	s21 =	simm.s32 $0xB900  }
0xd7: {  	[tilespmem:s21], [sflag:$0x1] =	stream.indirect_vreg.gather [hbm4b:s8+s5], $0x80, v3, vm0, $0xb8;
	[tilespmem:$0x18100] =	vst v63  }
0xd8: {  	s22 =	rddreg [dreg:$0x8]  }
0xd9: {  	[tilespmem:s10], [sflag:$0x1] =	stream.linear.gather [hbm4b:s22+s5], $0x4000, $0x38;
	[tilespmem:$0x18100] =	vst v63  }
0xda: {  	_ =	swait.ge [sflag:s0], $0x4000  }
0xdb: {  	[sflag:s0] =	ssyncset.done $0x0  }
0xdc: {  	[sflag:s0] =	ssyncadd.s32 $0xFFFFC000  }
0xdd: {  	_ =	swait.ge [sflag:s0], $0x4000  }
0xde: {  	[sflag:s0] =	ssyncset.done $0x0  }
0xdf: {  	[sflag:s0] =	ssyncadd.s32 $0xFFFFC000  }
0xe0: {  	_ =	swait.ge [sflag:s0], $0x4000  }
0xe1: {  	[sflag:s0] =	ssyncset.done $0x0  }
0xe2: {  	s9 =	simm.s32 $0x0;
	[sflag:s0] =	ssyncadd.s32 $0xFFFFC000  }
.LBB2_6:
0xe3: {  	s11 =	sshll.u32 s9, $0xA;
	s12 =	sshll.u32 s9, $0x7  }
0xe4: {  	s11 =	sand.u32 $0x2000, s11;
	s12 =	sand.u32 $0x380, s12  }
0xe5: {  	s21 =	sand.u32 $0x40, s5;
	s20 =	sor.u32 s12, s11  }
0xe6: {  	s22 =	sand.u32 $0x1C00, s5;
	s11 =	sor.u32 s21, s20  }
0xe7: {  	s11 =	sor.u32 s22, s11  }
0xe8: {  	v7 =	vld [tilespmem:s11+$0xC100]  }
0xe9: {  	v8 =	vld [tilespmem:s11+$0xC110]  }
0xea: {  	v6 =	vld [tilespmem:s11+$0x4100]  }
0xeb: {  	v5 =	vld [tilespmem:s11+$0x4110]  }
0xec: {  	v4 =	vld [tilespmem:s11+$0x4120]  }
0xed: {  	v3 =	vld [tilespmem:s11+$0x4130]  }
0xee: {  	s12 =	simm.s32 $0x40;
	s21 =	simm.s32 $0x0;
	v9 =	vld [tilespmem:s11+$0x14100]  }
.LBB2_7:
0xef: {  	p0 =	sne.s32 s12, $0x3C0;
	v10 =	vld [tilespmem:s11+$0x14110]  }
0xf0: {  	v11 =	vld [tilespmem:s11+$0x14120]  }
0xf1: {  	s13 =	sand.u32 $0x40, s12;
	s21 =	sadd.s32 $0x200, s21;
	v12 =	vld [tilespmem:s11+$0x14130]  }
0xf2: {  	s22 =	sand.u32 $0x1C00, s21;
	s13 =	sor.u32 s13, s20;
	v13 =	vld [tilespmem:s11+$0xC120]  }
0xf3: {  	s13 =	sor.u32 s22, s13;
	v6 =	vadd.f32 v6, v9;
	v9 =	vld [tilespmem:s11+$0xC130]  }
0xf4: {  	v14 =	vld [tilespmem:s13+$0xC100];
	v5 =	vadd.f32 v5, v10  }
0xf5: {  	v10 =	vld [tilespmem:s13+$0xC110];
	v7 =	vadd.f32 v7, v6;
	v4 =	vadd.f32 v4, v11  }
.Ltmp2:
0xf6: {  	v6 =	vld [tilespmem:s13+$0x4100];
	v8 =	vadd.f32 v8, v5;
	v3 =	vadd.f32 v3, v12;
	(pc) =	sbr.rel @p0 .LBB2_7-.Ltmp2, $4  }
0xf7: {  	v5 =	vld [tilespmem:s13+$0x4110];
	[tilespmem:s11+$0x14100] =	vst v7;
	v11 =	vadd.f32 v13, v4  }
0xf8: {  	v4 =	vld [tilespmem:s13+$0x4120];
	[tilespmem:s11+$0x14110] =	vst v8;
	v12 =	vadd.f32 v9, v3  }
0xf9: {  	v3 =	vld [tilespmem:s13+$0x4130];
	[tilespmem:s11+$0x14120] =	vst v11;
	v7 =	vmov v14  }
0xfa: {  	s12 =	sadd.s32 $0x40, s12;
	v9 =	vld [tilespmem:s13+$0x14100];
	[tilespmem:s11+$0x14130] =	vst v12;
	v8 =	vmov v10;
	s11 =	smov.u32 s13  }
0xfb: {  	v10 =	vld [tilespmem:s11+$0x14110]  }
0xfc: {  	v11 =	vld [tilespmem:s11+$0x14120]  }
0xfd: {  	v12 =	vld [tilespmem:s11+$0x14130]  }
0xfe: {  	v13 =	vld [tilespmem:s11+$0xC120]  }
0xff: {  	v63 =	vld [tilespmem:s11+$0xC130];
	v6 =	vadd.f32 v6, v9  }
0x100: {  	s9 =	sadd.s32 $0x1, s9;
	v5 =	vadd.f32 v5, v10  }
0x101: {  	p0 =	sne.s32 s9, $0x10;
	v4 =	vadd.f32 v4, v11;
	v6 =	vadd.f32 v7, v6  }
.Ltmp3:
0x102: {  	v3 =	vadd.f32 v3, v12;
	v5 =	vadd.f32 v8, v5;
	(pc) =	sbr.rel @p0 .LBB2_6-.Ltmp3, $4  }
0x103: {  	v4 =	vadd.f32 v13, v4;
	[tilespmem:s11+$0x14100] =	vst v6  }
0x104: {  	v3 =	vadd.f32 v63, v3;
	[tilespmem:s11+$0x14110] =	vst v5  }
0x105: {  	[tilespmem:s11+$0x14120] =	vst v4  }
0x106: {  	[tilespmem:s11+$0x14130] =	vst v3  }
0x107: {  	s5 =	simm.s32 $0x0;
	s9 =	rddreg [dreg:$0x9]  }
0x108: {  	[hbm4b:s9+s5] =	stream.linear.scatter [tilespmem:s29], [sflag:$0x4], $0x4000, $0x38;
	[tilespmem:$0x18100] =	vst v63  }
0x109: {  	_ =	swait.ge [sflag:s1], $0x4000  }
0x10a: {  	[sflag:s1] =	ssyncset.done $0x0  }
0x10b: {  	[sflag:s1] =	ssyncadd.s32 $0xFFFFC000  }
0x10c: {  	v3 =	vld [tilespmem:$0x30];
	_ =	sdelay $0x4  }
0x10d: {  	v4 =	vshll.u32 v3, $0x3  }
0x10e: {  	v3 =	vand.u32 $0x7, v3;
	v4 =	vand.u32 $0xFFFFFFC0, v4  }
0x10f: {  	v3 =	vor.u32 v3, v4  }
0x110: {  	v4 =	vperm.xlane v3, v0;
	_ =	sdelay $0x1  }
0x111: {  	v4 =	vadd.s32 v1, v4;
	_ =	sdelay $0x3  }
0x112: {  	s22 =	simm.s32 $0x4100  }
0x113: {  	[tilespmem:s22], [sflag:$0x2] =	stream.indirect_vreg.gather [hbm4b:s3+s5], $0x80, v4, vm0, $0xb8;
	[tilespmem:$0x18100] =	vst v63  }
0x114: {  	s11 =	simm.s32 $0x4900;
	v3 =	vperm.xlane v3, v2  }
0x115: {  	[tilespmem:s11], [sflag:$0x2] =	stream.indirect_vreg.gather [hbm4b:s6+s5], $0x80, v4, vm0, $0xb8;
	[tilespmem:$0x18100] =	vst v63  }
0x116: {  	s12 =	simm.s32 $0x5100;
	v3 =	vadd.s32 v1, v3  }
0x117: {  	[tilespmem:s12], [sflag:$0x2] =	stream.indirect_vreg.gather [hbm4b:s7+s5], $0x80, v4, vm0, $0xb8;
	[tilespmem:$0x18100] =	vst v63  }
0x118: {  	s13 =	simm.s32 $0x5900  }
0x119: {  	[tilespmem:s13], [sflag:$0x2] =	stream.indirect_vreg.gather [hbm4b:s8+s5], $0x80, v4, vm0, $0xb8;
	[tilespmem:$0x18100] =	vst v63  }
0x11a: {  	s20 =	simm.s32 $0x6100  }
0x11b: {  	[tilespmem:s20], [sflag:$0x2] =	stream.indirect_vreg.gather [hbm4b:s3+s5], $0x80, v3, vm0, $0xb8;
	[tilespmem:$0x18100] =	vst v63  }
0x11c: {  	s21 =	simm.s32 $0x6900  }
0x11d: {  	[tilespmem:s21], [sflag:$0x2] =	stream.indirect_vreg.gather [hbm4b:s6+s5], $0x80, v3, vm0, $0xb8;
	[tilespmem:$0x18100] =	vst v63  }
0x11e: {  	_ = 	snop  }
0x11f: {  	[tilespmem:s23], [sflag:$0x2] =	stream.indirect_vreg.gather [hbm4b:s7+s5], $0x80, v3, vm0, $0xb8;
	[tilespmem:$0x18100] =	vst v63  }
0x120: {  	_ = 	snop  }
0x121: {  	[tilespmem:s14], [sflag:$0x2] =	stream.indirect_vreg.gather [hbm4b:s8+s5], $0x80, v3, vm0, $0xb8;
	[tilespmem:$0x18100] =	vst v63  }
0x122: {  	v3 =	vld [tilespmem:$0xB0];
	_ =	sdelay $0x4  }
0x123: {  	v63 =	vshll.u32 v3, $0x3  }
0x124: {  	v3 =	vand.u32 $0x7, v3;
	v4 =	vand.u32 $0xFFFFFFC0, v63  }
0x125: {  	v3 =	vor.u32 v3, v4  }
0x126: {  	v4 =	vperm.xlane v3, v0;
	_ =	sdelay $0x1  }
0x127: {  	v4 =	vadd.s32 v1, v4;
	_ =	sdelay $0x4  }
0x128: {  	[tilespmem:s24], [sflag:$0x2] =	stream.indirect_vreg.gather [hbm4b:s3+s5], $0x80, v4, vm0, $0xb8;
	[tilespmem:$0x18100] =	vst v63  }
0x129: {  	v3 =	vperm.xlane v3, v2  }
0x12a: {  	[tilespmem:s15], [sflag:$0x2] =	stream.indirect_vreg.gather [hbm4b:s6+s5], $0x80, v4, vm0, $0xb8;
	[tilespmem:$0x18100] =	vst v63  }
0x12b: {  	v3 =	vadd.s32 v1, v3  }
0x12c: {  	[tilespmem:s25], [sflag:$0x2] =	stream.indirect_vreg.gather [hbm4b:s7+s5], $0x80, v4, vm0, $0xb8;
	[tilespmem:$0x18100] =	vst v63  }
0x12d: {  	_ = 	snop  }
0x12e: {  	[tilespmem:s16], [sflag:$0x2] =	stream.indirect_vreg.gather [hbm4b:s8+s5], $0x80, v4, vm0, $0xb8;
	[tilespmem:$0x18100] =	vst v63  }
0x12f: {  	_ = 	snop  }
0x130: {  	[tilespmem:s26], [sflag:$0x2] =	stream.indirect_vreg.gather [hbm4b:s3+s5], $0x80, v3, vm0, $0xb8;
	[tilespmem:$0x18100] =	vst v63  }
0x131: {  	_ = 	snop  }
0x132: {  	[tilespmem:s17], [sflag:$0x2] =	stream.indirect_vreg.gather [hbm4b:s6+s5], $0x80, v3, vm0, $0xb8;
	[tilespmem:$0x18100] =	vst v63  }
0x133: {  	_ = 	snop  }
0x134: {  	[tilespmem:s28], [sflag:$0x2] =	stream.indirect_vreg.gather [hbm4b:s7+s5], $0x80, v3, vm0, $0xb8;
	[tilespmem:$0x18100] =	vst v63  }
0x135: {  	_ = 	snop  }
0x136: {  	[tilespmem:s4], [sflag:$0x2] =	stream.indirect_vreg.gather [hbm4b:s8+s5], $0x80, v3, vm0, $0xb8;
	[tilespmem:$0x18100] =	vst v63  }
0x137: {  	s22 =	rddreg [dreg:$0xa]  }
0x138: {  	[tilespmem:s29], [sflag:$0x2] =	stream.linear.gather [hbm4b:s22+s5], $0x4000, $0x38;
	[tilespmem:$0x18100] =	vst v63  }
0x139: {  	_ =	swait.ge [sflag:s30], $0x4000  }
0x13a: {  	[sflag:s30] =	ssyncset.done $0x0  }
0x13b: {  	[sflag:s30] =	ssyncadd.s32 $0xFFFFC000  }
0x13c: {  	_ =	swait.ge [sflag:s30], $0x4000  }
0x13d: {  	[sflag:s30] =	ssyncset.done $0x0  }
0x13e: {  	[sflag:s30] =	ssyncadd.s32 $0xFFFFC000  }
0x13f: {  	_ =	swait.ge [sflag:s30], $0x4000  }
0x140: {  	[sflag:s30] =	ssyncset.done $0x0  }
0x141: {  	s9 =	simm.s32 $0x0;
	[sflag:s30] =	ssyncadd.s32 $0xFFFFC000  }
.LBB2_10:
0x142: {  	s11 =	sshll.u32 s9, $0xA;
	s12 =	sshll.u32 s9, $0x7  }
0x143: {  	s11 =	sand.u32 $0x2000, s11;
	s12 =	sand.u32 $0x380, s12  }
0x144: {  	s21 =	sand.u32 $0x40, s5;
	s20 =	sor.u32 s11, s12  }
0x145: {  	s22 =	sand.u32 $0x1C00, s5;
	s11 =	sor.u32 s21, s20  }
0x146: {  	s11 =	sor.u32 s22, s11  }
0x147: {  	v7 =	vld [tilespmem:s11+$0x8100]  }
0x148: {  	v8 =	vld [tilespmem:s11+$0x8110]  }
0x149: {  	v6 =	vld [tilespmem:s11+$0x100]  }
0x14a: {  	v5 =	vld [tilespmem:s11+$0x110]  }
0x14b: {  	v4 =	vld [tilespmem:s11+$0x120]  }
0x14c: {  	v3 =	vld [tilespmem:s11+$0x130]  }
0x14d: {  	s12 =	simm.s32 $0x40;
	s21 =	simm.s32 $0x0;
	v9 =	vld [tilespmem:s11+$0x10100]  }
.LBB2_11:
0x14e: {  	p0 =	sne.s32 s12, $0x3C0;
	v10 =	vld [tilespmem:s11+$0x10110]  }
0x14f: {  	v11 =	vld [tilespmem:s11+$0x10120]  }
0x150: {  	s13 =	sand.u32 $0x40, s12;
	s21 =	sadd.s32 $0x200, s21;
	v12 =	vld [tilespmem:s11+$0x10130]  }
0x151: {  	s22 =	sand.u32 $0x1C00, s21;
	s13 =	sor.u32 s13, s20;
	v13 =	vld [tilespmem:s11+$0x8120]  }
0x152: {  	s13 =	sor.u32 s22, s13;
	v6 =	vadd.f32 v6, v9;
	v9 =	vld [tilespmem:s11+$0x8130]  }
0x153: {  	v14 =	vld [tilespmem:s13+$0x8100];
	v5 =	vadd.f32 v5, v10  }
0x154: {  	v10 =	vld [tilespmem:s13+$0x8110];
	v7 =	vadd.f32 v7, v6;
	v4 =	vadd.f32 v4, v11  }
.Ltmp4:
0x155: {  	v6 =	vld [tilespmem:s13+$0x100];
	v8 =	vadd.f32 v8, v5;
	v3 =	vadd.f32 v3, v12;
	(pc) =	sbr.rel @p0 .LBB2_11-.Ltmp4, $4  }
0x156: {  	v5 =	vld [tilespmem:s13+$0x110];
	[tilespmem:s11+$0x10100] =	vst v7;
	v11 =	vadd.f32 v13, v4  }
0x157: {  	v4 =	vld [tilespmem:s13+$0x120];
	[tilespmem:s11+$0x10110] =	vst v8;
	v12 =	vadd.f32 v9, v3  }
0x158: {  	v3 =	vld [tilespmem:s13+$0x130];
	[tilespmem:s11+$0x10120] =	vst v11;
	v7 =	vmov v14  }
0x159: {  	s12 =	sadd.s32 $0x40, s12;
	v9 =	vld [tilespmem:s13+$0x10100];
	[tilespmem:s11+$0x10130] =	vst v12;
	v8 =	vmov v10;
	s11 =	smov.u32 s13  }
0x15a: {  	v10 =	vld [tilespmem:s11+$0x10110]  }
0x15b: {  	v11 =	vld [tilespmem:s11+$0x10120]  }
0x15c: {  	v12 =	vld [tilespmem:s11+$0x10130]  }
0x15d: {  	v13 =	vld [tilespmem:s11+$0x8120]  }
0x15e: {  	v63 =	vld [tilespmem:s11+$0x8130];
	v6 =	vadd.f32 v6, v9  }
0x15f: {  	s9 =	sadd.s32 $0x1, s9;
	v5 =	vadd.f32 v5, v10  }
0x160: {  	p0 =	sne.s32 s9, $0x10;
	v4 =	vadd.f32 v4, v11;
	v6 =	vadd.f32 v7, v6  }
.Ltmp5:
0x161: {  	v3 =	vadd.f32 v3, v12;
	v5 =	vadd.f32 v8, v5;
	(pc) =	sbr.rel @p0 .LBB2_10-.Ltmp5, $4  }
0x162: {  	v4 =	vadd.f32 v13, v4;
	[tilespmem:s11+$0x10100] =	vst v6  }
0x163: {  	v3 =	vadd.f32 v63, v3;
	[tilespmem:s11+$0x10110] =	vst v5  }
0x164: {  	[tilespmem:s11+$0x10120] =	vst v4  }
0x165: {  	[tilespmem:s11+$0x10130] =	vst v3  }
0x166: {  	s5 =	simm.s32 $0x0;
	s9 =	rddreg [dreg:$0xb]  }
0x167: {  	[hbm4b:s9+s5] =	stream.linear.scatter [tilespmem:s10], [sflag:$0x3], $0x4000, $0x38;
	[tilespmem:$0x18100] =	vst v63  }
0x168: {  	_ =	swait.ge [sflag:s0], $0x4000  }
0x169: {  	[sflag:s0] =	ssyncset.done $0x0  }
0x16a: {  	[sflag:s0] =	ssyncadd.s32 $0xFFFFC000  }
0x16b: {  	_ =	swait.ge [sflag:s0], $0x4000  }
0x16c: {  	[sflag:s0] =	ssyncset.done $0x0  }
0x16d: {  	[sflag:s0] =	ssyncadd.s32 $0xFFFFC000  }
0x16e: {  	_ =	swait.ge [sflag:s0], $0x4000  }
0x16f: {  	[sflag:s0] =	ssyncset.done $0x0  }
0x170: {  	s9 =	simm.s32 $0x0;
	[sflag:s0] =	ssyncadd.s32 $0xFFFFC000  }
.LBB2_14:
0x171: {  	s11 =	sshll.u32 s9, $0xA;
	s12 =	sshll.u32 s9, $0x7  }
0x172: {  	s11 =	sand.u32 $0x2000, s11;
	s12 =	sand.u32 $0x380, s12  }
0x173: {  	s21 =	sand.u32 $0x40, s5;
	s20 =	sor.u32 s12, s11  }
0x174: {  	s22 =	sand.u32 $0x1C00, s5;
	s11 =	sor.u32 s21, s20  }
0x175: {  	s11 =	sor.u32 s22, s11  }
0x176: {  	v7 =	vld [tilespmem:s11+$0xC100]  }
0x177: {  	v8 =	vld [tilespmem:s11+$0xC110]  }
0x178: {  	v6 =	vld [tilespmem:s11+$0x4100]  }
0x179: {  	v5 =	vld [tilespmem:s11+$0x4110]  }
0x17a: {  	v4 =	vld [tilespmem:s11+$0x4120]  }
0x17b: {  	v3 =	vld [tilespmem:s11+$0x4130]  }
0x17c: {  	s12 =	simm.s32 $0x40;
	s21 =	simm.s32 $0x0;
	v9 =	vld [tilespmem:s11+$0x14100]  }
.LBB2_15:
0x17d: {  	p0 =	sne.s32 s12, $0x3C0;
	v10 =	vld [tilespmem:s11+$0x14110]  }
0x17e: {  	v11 =	vld [tilespmem:s11+$0x14120]  }
0x17f: {  	s13 =	sand.u32 $0x40, s12;
	s21 =	sadd.s32 $0x200, s21;
	v12 =	vld [tilespmem:s11+$0x14130]  }
0x180: {  	s22 =	sand.u32 $0x1C00, s21;
	s13 =	sor.u32 s13, s20;
	v13 =	vld [tilespmem:s11+$0xC120]  }
0x181: {  	s13 =	sor.u32 s22, s13;
	v6 =	vadd.f32 v6, v9;
	v9 =	vld [tilespmem:s11+$0xC130]  }
0x182: {  	v14 =	vld [tilespmem:s13+$0xC100];
	v5 =	vadd.f32 v5, v10  }
0x183: {  	v10 =	vld [tilespmem:s13+$0xC110];
	v7 =	vadd.f32 v7, v6;
	v4 =	vadd.f32 v4, v11  }
.Ltmp6:
0x184: {  	v6 =	vld [tilespmem:s13+$0x4100];
	v8 =	vadd.f32 v8, v5;
	v3 =	vadd.f32 v3, v12;
	(pc) =	sbr.rel @p0 .LBB2_15-.Ltmp6, $4  }
0x185: {  	v5 =	vld [tilespmem:s13+$0x4110];
	[tilespmem:s11+$0x14100] =	vst v7;
	v11 =	vadd.f32 v13, v4  }
0x186: {  	v4 =	vld [tilespmem:s13+$0x4120];
	[tilespmem:s11+$0x14110] =	vst v8;
	v12 =	vadd.f32 v9, v3  }
0x187: {  	v3 =	vld [tilespmem:s13+$0x4130];
	[tilespmem:s11+$0x14120] =	vst v11;
	v7 =	vmov v14  }
0x188: {  	s12 =	sadd.s32 $0x40, s12;
	v9 =	vld [tilespmem:s13+$0x14100];
	[tilespmem:s11+$0x14130] =	vst v12;
	v8 =	vmov v10;
	s11 =	smov.u32 s13  }
0x189: {  	v10 =	vld [tilespmem:s11+$0x14110]  }
0x18a: {  	v11 =	vld [tilespmem:s11+$0x14120]  }
0x18b: {  	v12 =	vld [tilespmem:s11+$0x14130]  }
0x18c: {  	v13 =	vld [tilespmem:s11+$0xC120]  }
0x18d: {  	v63 =	vld [tilespmem:s11+$0xC130];
	v6 =	vadd.f32 v6, v9  }
0x18e: {  	s9 =	sadd.s32 $0x1, s9;
	v5 =	vadd.f32 v5, v10  }
0x18f: {  	p0 =	sne.s32 s9, $0x10;
	v4 =	vadd.f32 v4, v11;
	v6 =	vadd.f32 v7, v6  }
.Ltmp7:
0x190: {  	v3 =	vadd.f32 v3, v12;
	v5 =	vadd.f32 v8, v5;
	(pc) =	sbr.rel @p0 .LBB2_14-.Ltmp7, $4  }
0x191: {  	v4 =	vadd.f32 v13, v4;
	[tilespmem:s11+$0x14100] =	vst v6  }
0x192: {  	v3 =	vadd.f32 v63, v3;
	[tilespmem:s11+$0x14110] =	vst v5  }
0x193: {  	[tilespmem:s11+$0x14120] =	vst v4  }
0x194: {  	[tilespmem:s11+$0x14130] =	vst v3  }
0x195: {  	s5 =	rddreg [dreg:$0xc]  }
0x196: {  	[hbm4b:s5+s2] =	stream.linear.scatter [tilespmem:s29], [sflag:$0x4], $0x4000, $0x38;
	[tilespmem:$0x18100] =	vst v63  }
0x197: {  	_ =	swait.ge [sflag:s31], $0x4000  }
0x198: {  	[sflag:s31] =	ssyncset.done $0x0  }
0x199: {  	[sflag:s31] =	ssyncadd.s32 $0xFFFFC000  }
0x19a: {  	_ =	swait.ge [sflag:s1], $0x4000  }
0x19b: {  	s19 =	sadd.s32 $0x1, s19;
	s22 =	rddreg [dreg:$0xd]  }
0x19c: {  	p0 =	sne.s32 s19, s22  }
.Ltmp8:
0x19d: {  	_ = 	snop;
	(pc) =	sbr.rel @p0 .LBB2_1-.Ltmp8, $3  }
0x19e: {  	_ =	sdelay $0x1  }
0x19f: {  	[sflag:s1] =	ssyncset.done $0x0  }
0x1a0: {  	[sflag:s1] =	ssyncadd.s32 $0xFFFFC000;
	s22 =	simm.s32 $0x100  }
0x1a1: {  	_ =	sfence.sel $0x180000  }
0x1a2: {  	[bflag:$0x0] =	sbarrier.arrive $0xFFFF  }
0x1a3: {  	_ =	strace $0x9000004A  }
0x1a4: {  	s0 =	stileid.u32;
	[bflag:$0x2] =	sbarrier.arrive $0xFFFF  }
0x1a5: {  	p0 =	sne.s32 s0, $0x0;
	s0 =	rddreg [dreg:$0x2]  }
0x1a6: {  	s0 =	sadd.s32 @!p0 $0x100000, s0  }
0x1a7: {  	[sflag:s0] =	ssyncadd.tile.s32 @!p0 $0x1;
	_ =	shalt  }
.Lfunc_end2:
_tile_overlayer_lowered:
.L_overlay_start_2:
0x1a8: {  	(tag) =	ssettag $0x2  }
0x1a9: {  	s0 =	rddreg [dreg:$0x0];
	s2 =	stileid.u32  }
0x1aa: {  	s1 =	rddreg [dreg:$0x1];
	p0 =	sne.s32 s2, $0x0  }
0x1ab: {  	s3 =	rddreg [dreg:$0x2];
	[bflag:$0x3] =	sbarrier.arrive $0xFFFF;
	s2 =	simm.s32 @!p0 $0x1C05  }
0x1ac: {  	[timem:s3], [sflag:s2] =	dma.local @!p0 [hbm:s0], s1  }
0x1ad: {  	s0 =	simm.s32 @!p0 $0x5  }
0x1ae: {  	_ =	swait.ge @!p0 [sflag:s0], s1  }
0x1af: {  	s1 =	ssub.s32 @!p0 $0x0, s1;
	[sflag:s0] =	ssyncset.done @!p0 $0x0  }
0x1b0: {  	[sflag:s0] =	ssyncadd.s32 @!p0 s1  }
0x1b1: {  	[bflag:$0x3] =	sbarrier.arrive $0xFFFF  }
0x1b2: {  	_ =	shalt  }

// kernel: kernel.7.cloned.1.call-start
scs
__scs_entry_jumppad:
0x0: {  	(pc) =	sbr.rel $0x88, $3  }
0x1: {  	(tag) =	ssettag $0x0;
	lr =	simm.s32 $0x1  }
0x2: {  	[smem:$0x3F99] =	sst lr;
	_ =	strace $0xD0000000  }
0x3: {  	_ = 	snop  }
0x4: {  	_ = 	snop  }
0x5: {  	_ = 	snop  }
0x6: {  	_ = 	snop  }
0x7: {  	_ = 	snop  }
__scs_overlays_trampoline_lowered:
0x8: {  	[smem:$0x3FA8] =	sst s0  }
0x9: {  	[smem:$0x3FA9] =	sst s1  }
0xa: {  	[smem:$0x3FAA] =	sst s2  }
0xb: {  	[smem:$0x3FAB] =	sst s3  }
0xc: {  	[smem:$0x3FAC] =	sst s4  }
0xd: {  	[smem:$0x3FAD] =	sst s5  }
0xe: {  	[smem:$0x3FAE] =	sst s6  }
0xf: {  	[smem:$0x3FAF] =	sst s7  }
0x10: {  	[smem:$0x3FB0] =	sst s8  }
0x11: {  	[smem:$0x3FB1] =	sst s9;
	s0 =	simm.s32 @!p0 $0x0  }
0x12: {  	s1 =	sld [smem:$0x3F97];
	s0 =	simm.s32 @p0 $0x1  }
0x13: {  	[smem:$0x3FB2] =	sst s0;
	s0 =	simm.s32 @!p1 $0x0  }
0x14: {  	s2 =	sld [smem:$0x3F96];
	s0 =	simm.s32 @p1 $0x1  }
0x15: {  	[smem:$0x3FB3] =	sst s0;
	s0 =	simm.s32 @!p2 $0x0  }
0x16: {  	s3 =	sld [smem:$0x3FDB];
	s0 =	simm.s32 @p2 $0x1  }
0x17: {  	s4 =	simm.s32 $0x1BF5;
	[smem:$0x3FB5] =	sst s0  }
0x18: {  	s0 =	sld [smem:$0x3F98];
	_ =	swait.ge [sflag:s4], $0x0  }
0x19: {  	s7 =	sld [smem:$0x3F99]  }
0x1a: {  	s8 =	sadd.s32 $0xFFFFE003, lr  }
0x1b: {  	s9 =	sadd.s32 $0xFFFFFEF7, lr;
	s5 =	simm.s32 $0xFFFFFFFF;
	p2 =	slt.u32 s8, $0xFFFFF086  }
0x1c: {  	p1 =	slt.u32 s9, $0xF7A;
	s5 =	simm.s32 @!p2 $0x0  }
0x1d: {  	s5 =	simm.s32 @p1 $0x1;
	p0 =	seq.s32 s7, s2  }
0x1e: {  	s7 =	smul.u32 @!p0 $0xF7A, s2;
	p2 =	seq.s32 @!p0 s5, $0x0  }
0x1f: {  	s9 =	smul.u32 $0xF7A, s1;
	s8 =	simm.s32 @!p0 $0x1BF5;
	p2 =	por !p2, p0  }
0x20: {  	[sflag:s8] =	ssyncset.s32 @!p0 $0xFFFFF086;
	s6 =	sadd.s32 @!p0 s3, s7;
	s7 =	simm.s32 @!p0 $0x108  }
0x21: {  	s3 =	sadd.s32 s3, s9;
	s6 =	sadd.s32 @!p0 $0x88, s6;
	s7 =	simm.s32 @p2 $0x1082  }
0x22: {  	[simem:s7], [sflag:s8] =	dma.local @!p0 [hbm:s6], $0xF7A  }
0x23: {  	s9 =	sor.u32 $0xD0000000, s2;
	s6 =	simm.s32 $0x108;
	_ =	swait.ge @!p0 [sflag:s8], $0x0  }
0x24: {  	s3 =	sadd.s32 $0x88, s3;
	s6 =	simm.s32 @!p1 $0x1082;
	[sflag:s4] =	ssyncset.s32 $0xFFFFF086  }
0x25: {  	[simem:s6], [sflag:s4] =	dma.local [hbm:s3], $0xF7A  }
0x26: {  	[smem:$0x3F99] =	sst s1;
	(tag) =	ssettag s2;
	_ =	strace s9  }
0x27: {  	s1 =	sld [smem:$0x3FA9]  }
0x28: {  	s2 =	sld [smem:$0x3FAA]  }
0x29: {  	s4 =	sld [smem:$0x3FAC]  }
0x2a: {  	p0 =	seq.s32 s5, $0x0;
	s5 =	sld [smem:$0x3FAD]  }
0x2b: {  	s6 =	sld [smem:$0x3FAE]  }
0x2c: {  	s7 =	sld [smem:$0x3FAF]  }
0x2d: {  	s3 =	simm.s32 $0x108;
	s8 =	sld [smem:$0x3FB0]  }
0x2e: {  	s3 =	simm.s32 @!p0 $0x1082;
	s9 =	sld [smem:$0x3FB1]  }
0x2f: {  	lr =	sadd.s32 s0, s3;
	s0 =	sld [smem:$0x3FA8]  }
0x30: {  	s3 =	sld [smem:$0x3FAB]  }
0x31: {  	[smem:$0x3FB4] =	sst s10  }
0x32: {  	s10 =	sld [smem:$0x3FB2];
	_ =	sdelay $0x3  }
0x33: {  	p0 =	seq.s32 s10, $0x1;
	s10 =	sld [smem:$0x3FB4];
	_ =	sdelay $0x3  }
0x34: {  	[smem:$0x3FB4] =	sst s10  }
0x35: {  	s10 =	sld [smem:$0x3FB3];
	_ =	sdelay $0x3  }
0x36: {  	p1 =	seq.s32 s10, $0x1;
	s10 =	sld [smem:$0x3FB4];
	_ =	sdelay $0x3  }
0x37: {  	[smem:$0x3FB4] =	sst s10  }
0x38: {  	s10 =	sld [smem:$0x3FB5]  }
0x39: {  	_ = 	snop;
	(pc) =	sbr.ind lr, $3  }
0x3a: {  	_ = 	snop  }
0x3b: {  	_ = 	snop  }
0x3c: {  	p2 =	seq.s32 s10, $0x1;
	s10 =	sld [smem:$0x3FB4]  }
0x3d: {  	_ =	shalt  }
0x3e: {  	_ =	shalt  }
0x3f: {  	_ =	shalt  }
0x40: {  	_ =	shalt  }
0x41: {  	_ =	shalt  }
0x42: {  	_ =	shalt  }
0x43: {  	_ =	shalt  }
0x44: {  	_ =	shalt  }
0x45: {  	_ =	shalt  }
0x46: {  	_ =	shalt  }
0x47: {  	_ =	shalt  }
0x48: {  	_ =	shalt  }
0x49: {  	_ =	shalt  }
0x4a: {  	_ =	shalt  }
0x4b: {  	_ =	shalt  }
0x4c: {  	_ =	shalt  }
0x4d: {  	_ =	shalt  }
0x4e: {  	_ =	shalt  }
0x4f: {  	_ =	shalt  }
0x50: {  	_ =	shalt  }
0x51: {  	_ =	shalt  }
0x52: {  	_ =	shalt  }
0x53: {  	_ =	shalt  }
0x54: {  	_ =	shalt  }
0x55: {  	_ =	shalt  }
0x56: {  	_ =	shalt  }
0x57: {  	_ =	shalt  }
0x58: {  	_ =	shalt  }
0x59: {  	_ =	shalt  }
0x5a: {  	_ =	shalt  }
0x5b: {  	_ =	shalt  }
0x5c: {  	_ =	shalt  }
0x5d: {  	_ =	shalt  }
0x5e: {  	_ =	shalt  }
0x5f: {  	_ =	shalt  }
0x60: {  	_ =	shalt  }
0x61: {  	_ =	shalt  }
0x62: {  	_ =	shalt  }
0x63: {  	_ =	shalt  }
0x64: {  	_ =	shalt  }
0x65: {  	_ =	shalt  }
0x66: {  	_ =	shalt  }
0x67: {  	_ =	shalt  }
0x68: {  	_ =	shalt  }
0x69: {  	_ =	shalt  }
0x6a: {  	_ =	shalt  }
0x6b: {  	_ =	shalt  }
0x6c: {  	_ =	shalt  }
0x6d: {  	_ =	shalt  }
0x6e: {  	_ =	shalt  }
0x6f: {  	_ =	shalt  }
0x70: {  	_ =	shalt  }
0x71: {  	_ =	shalt  }
0x72: {  	_ =	shalt  }
0x73: {  	_ =	shalt  }
0x74: {  	_ =	shalt  }
0x75: {  	_ =	shalt  }
0x76: {  	_ =	shalt  }
0x77: {  	_ =	shalt  }
0x78: {  	_ =	shalt  }
0x79: {  	_ =	shalt  }
0x7a: {  	_ =	shalt  }
0x7b: {  	_ =	shalt  }
0x7c: {  	_ =	shalt  }
0x7d: {  	_ =	shalt  }
0x7e: {  	_ =	shalt  }
0x7f: {  	_ =	shalt  }
0x80: {  	_ =	shalt  }
0x81: {  	_ =	shalt  }
0x82: {  	_ =	shalt  }
0x83: {  	_ =	shalt  }
0x84: {  	_ =	shalt  }
0x85: {  	_ =	shalt  }
0x86: {  	_ =	shalt  }
0x87: {  	_ =	shalt  }
.Lfunc_end0:
.L_simem_size_0:
called_computation_lowered:
.L_overlay_start_0:
0x88: {  	s2 =	sld [smem:$0x3FD9]  }
0x89: {  	s3 =	sld [smem:$0x3FFE];
	_ =	sdelay $0x1  }
0x8a: {  	s1 =	srdreg.scid  }
0x8b: {  	s0 =	sand.u32 $0x1, s1  }
0x8c: {  	s14 =	sshll.u32 s0, $0xA;
	s2 =	sadd.s32 s3, s2  }
0x8d: {  	s2 =	sadd.s32 s2, s14  }
0x8e: {  	[smem:$0x3FC0] =	sst s2  }
0x8f: {  	_ = 	snop  }
0x90: {  	s2 =	sld [smem:$0x3FD0];
	_ =	sdelay $0x2  }
0x91: {  	s4 =	simm.s32 $0xA;
	s5 =	simm.s32 $0x10;
	s15 =	sld [smem:$0x3FC9]  }
0x92: {  	[smem:s5], [sflag:s4] =	dma.local [hbm:s2], $0x1  }
0x93: {  	_ =	swait.eq [sflag:s4], $0x1  }
0x94: {  	[sflag:s4] =	ssyncset.done $0x0  }
0x95: {  	s16 =	sld [smem:$0x10];
	[sflag:s4] =	ssyncadd.s32 $0xFFFFFFFF  }
0x96: {  	s17 =	sld [smem:$0x11];
	(tm) =	ssettm $0x1  }
0x97: {  	s18 =	sld [smem:$0x3FFB];
	_ =	sdelay $0x3  }
0x98: {  	_ =	strace s18  }
0x99: {  	s5 =	sld [smem:$0x3FFC];
	_ =	sdelay $0x3  }
0x9a: {  	_ =	strace s5  }
0x9b: {  	s5 =	sld [smem:$0x3FFD];
	_ =	sdelay $0x3  }
0x9c: {  	_ =	strace s5  }
0x9d: {  	_ =	strace $0x8FFFFFFF  }
0x9e: {  	s19 =	sld [smem:$0x3FDB];
	_ =	sdelay $0x1  }
0x9f: {  	s6 =	simm.s32 $_scs_section_size  }
0xa0: {  	s7 =	simm.s32 $_size__tile_overlayer_lowered;
	s8 =	simm.s32 $_tile_overlayer_lowered  }
0xa1: {  	s22 =	simm.s32 $0x1BFF;
	s21 =	sshll.u32 s8, $0x1;
	s5 =	sadd.s32 s6, s19  }
0xa2: {  	s9 =	simm.s32 $0x0;
	s20 =	sshll.u32 s7, $0x1;
	s7 =	sadd.s32 s21, s5  }
0xa3: {  	[timem:s9], [sflag:s22] =	dma.local [hbm:s7], s20  }
0xa4: {  	_ =	swait.ge [sflag:s22], s20  }
0xa5: {  	s6 =	ssub.s32 $0x0, s20;
	[sflag:s22] =	ssyncset.done $0x0  }
0xa6: {  	[sflag:s22] =	ssyncadd.s32 s6;
	_ =	sdelay $0x1  }
0xa7: {  	s23 =	simm.s32 $0x1B8B  }
0xa8: {  	_ =	swait.ge [sflag:s23], $0x1  }
0xa9: {  	[sflag:s23] =	ssyncset.done $0x0  }
0xaa: {  	s25 =	simm.s32 $0x1B8E;
	s24 =	sld [smem:$0x3FFE];
	[sflag:s23] =	ssyncadd.s32 $0xFFFFFFFF  }
0xab: {  	s26 =	simm.s32 $execute0_lowered;
	[smem:$0x3FD2] =	sst s25  }
0xac: {  	s7 =	sshll.u32 s26, $0x1;
	_ =	strace $0x80000046;
	[dreg:$0x1] =	wrdreg $0xFFFFFFFF  }
0xad: {  	s28 =	simm.s32 $_size_execute0_lowered;
	s5 =	sadd.s32 s5, s7;
	[dreg:$0x0] =	wrdreg $0x0  }
0xae: {  	s7 =	sshll.u32 s28, $0x1;
	[dreg:$0x2] =	wrdreg s5  }
0xaf: {  	[dreg:$0x3] =	wrdreg s7  }
0xb0: {  	[dreg:$0x4] =	wrdreg $0xC0  }
0xb1: {  	_ =	task [dreg:s9], $0x5FFFF  }
0xb2: {  	[dreg:$0x1] =	wrdreg $0xFFFFFFFF  }
0xb3: {  	[dreg:$0x0] =	wrdreg $0x60  }
0xb4: {  	[dreg:$0x2] =	wrdreg s15  }
0xb5: {  	[dreg:$0x3] =	wrdreg s24  }
0xb6: {  	[dreg:$0x4] =	wrdreg s16  }
0xb7: {  	[dreg:$0x5] =	wrdreg s17  }
0xb8: {  	[dreg:$0x6] =	wrdreg $0x9  }
0xb9: {  	_ =	task.clear_ibuf [dreg:s9], $0x7FFFF;
	_ =	strace $0x90000046  }
0xba: {  	s29 =	simm.s32 $0x9;
	_ =	strace $0x80000048  }
0xbb: {  	_ =	swait.ge [sflag:s29], $0x1  }
0xbc: {  	[sflag:s29] =	ssyncadd.s32 $0xFFFFFFFF  }
0xbd: {  	_ =	strace $0x90000048  }
0xbe: {  	_ =	sfence  }
0xbf: {  	s30 =	sld [smem:$0x0];
	_ =	sdelay $0x2  }
0xc0: {  	s31 =	sshll.u32 s1, $0xD;
	s1 =	sshrl.u32 s1, $0x2  }
0xc1: {  	s3 =	sand.u32 $0x4000, s31;
	s1 =	sadd.s32 s1, s30  }
0xc2: {  	s0 =	sor.u32 s3, s0;
	s1 =	sshll.u32 s1, $0x11  }
0xc3: {  	s0 =	sor.u32 s1, s0  }
0xc4: {  	s0 =	sadd.s32 $0x8F2B, s0  }
0xc5: {  	[sflag:s0] =	ssyncadd.remote.s32 $0x1  }
0xc6: {  	_ =	sfence.sel $0xFFFF  }
0xc7: {  	[dreg:$0x0] =	wrdreg $0xFFFFFFFF;
	(pc) =	sbr.abs _section_cstart, $3  }
0xc8: {  	[dreg:$0x1] =	wrdreg $0xFFFFFFFF  }
0xc9: {  	_ =	task.clear_ibuf [dreg:s9], $0x2FFFF;
	_ =	strace $0x9FFFFFFF  }
0xca: {  	(tm) =	ssettm $0x7FFFFFFF  }
0xcb: {  	_ =	shalt  }
tec
execute0_lowered:
.L_overlay_start_1:
0x0: {  	(tag) =	ssettag $0x1  }
0x1: {  	s1 =	rddreg [dreg:$0x0]  }
0x2: {  	s6 =	rddreg [dreg:$0x1]  }
0x3: {  	s2 =	rddreg [dreg:$0x3]  }
0x4: {  	s0 =	srdreg.scid;
	s12 =	stileid.u32;
	s5 =	simm.s32 $0x0  }
0x5: {  	s29 =	simm.s32 $0x2000;
	s30 =	simm.s32 $0x2100;
	s31 =	simm.s32 $0xE200  }
0x6: {  	s3 =	sand.u32 $0x1, s0;
	s10 =	sshll.u32 s12, $0x1;
	[smem:$0x7FF] =	sst s5  }
0x7: {  	s11 =	sadd.s32 $0x200, s6;
	s7 =	sadd.s32 $0x400, s6;
	s23 =	smul.u32 $0x140, s12  }
0x8: {  	s4 =	sor.u32 s3, s10;
	s13 =	ssub.s32 $0x2, s3;
	s3 =	smul.u32 $0xA0, s3  }
0x9: {  	_ =	strace $0x80000047;
	[dreg:$0x5] =	wrdreg s11;
	s0 =	smul.u32 $0xA0, s4  }
0xa: {  	s6 =	sadd.s32 $0x600, s6;
	[dreg:$0x6] =	wrdreg s7;
	s14 =	smul.u32 $0x5000, s4  }
0xb: {  	s8 =	sshrl.u32 s13, $0x1;
	s11 =	smul.u32 $0x28000, s4;
	s28 =	sadd.s32 s3, s23  }
0xc: {  	s7 =	ssub.s32 s13, s8;
	s16 =	sadd.s32 s6, s14;
	[dreg:$0x13] =	wrdreg s28  }
0xd: {  	s9 =	sshrl.u32 s0, $0x3;
	s26 =	smax.u32 s7, $0x1;
	[dreg:$0x8] =	wrdreg s16  }
0xe: {  	s15 =	sshrl.u32 s11, $0x3;
	s2 =	sadd.s32 s2, s9;
	[dreg:$0x12] =	wrdreg s26  }
0xf: {  	s17 =	sadd.s32 s6, s15;
	s18 =	sadd.s32 $0x800, s16;
	[dreg:$0x7] =	wrdreg s2  }
0x10: {  	s12 =	simm.s32 $0x6;
	[dreg:$0x9] =	wrdreg s18;
	s19 =	sadd.s32 $0x1000, s17  }
0x11: {  	s10 =	sadd.s32 $0x200, s1;
	s20 =	sadd.s32 $0x1800, s17;
	[dreg:$0xa] =	wrdreg s19  }
0x12: {  	s23 =	simm.s32 $0x5;
	s21 =	sadd.s32 $0x2000, s17;
	[dreg:$0xb] =	wrdreg s20  }
0x13: {  	s13 =	simm.s32 $0xA200;
	s22 =	sadd.s32 $0x2800, s17;
	[dreg:$0xc] =	wrdreg s21  }
0x14: {  	s11 =	sadd.s32 $0x300, s1;
	s6 =	sadd.s32 $0x3000, s17;
	[dreg:$0xd] =	wrdreg s22  }
0x15: {  	s9 =	sadd.s32 $0x100, s1;
	s24 =	sadd.s32 $0x3800, s17;
	[dreg:$0xe] =	wrdreg s6  }
0x16: {  	s16 =	simm.s32 $0x1;
	s25 =	sadd.s32 $0x4000, s17;
	[dreg:$0xf] =	wrdreg s24  }
0x17: {  	s2 =	sadd.s32 $0x4800, s17;
	s18 =	simm.s32 $0xD200;
	[dreg:$0x10] =	wrdreg s25  }
0x18: {  	v1 =	vlaneseq.u32;
	v2 =	vimm.f32 $0.0e+00;
	s17 =	simm.s32 $0xFA00;
	[dreg:$0x11] =	wrdreg s2;
	s24 =	simm.s32 $0x9  }
0x19: {  	vm0 =	vmmov $0xffff;
	v3 =	vand.u32 $0x7, v1;
	v4 =	vshrl.u32 v1, $0x3;
	s19 =	simm.s32 $0x2;
	s2 =	simm.s32 $0x0;
	s6 =	simm.s32 $0x2200  }
0x1a: {  	v5 =	vor.u32 $0x8, v1;
	v4 =	vmul.u32 $0x8, v4;
	v0 =	vmov s0;
	s21 =	simm.s32 $0x6200;
	s22 =	simm.s32 $0xCA00;
	s20 =	simm.s32 $0xDA00  }
.LBB2_1:
0x1b: {  	s7 =	rddreg [dreg:$0x5]  }
0x1c: {  	[tilespmem:s5], [sflag:$0x9] =	stream.linear.gather [hbm4b:s7+s5], $0x800, $0x38;
	[tilespmem:$0x12200] =	vst v63  }
0x1d: {  	_ =	swait.ge [sflag:s24], $0x800  }
0x1e: {  	[sflag:s24] =	ssyncset.done $0x0  }
0x1f: {  	[sflag:s24] =	ssyncadd.s32 $0xFFFFF800  }
0x20: {  	s8 =	simm.s32 $0x800;
	s14 =	rddreg [dreg:$0x1]  }
0x21: {  	[tilespmem:s8], [sflag:$0x9] =	stream.linear.gather [hbm4b:s14+s5], $0x800, $0x38;
	[tilespmem:$0x12200] =	vst v63  }
0x22: {  	_ =	swait.ge [sflag:s24], $0x800  }
0x23: {  	[sflag:s24] =	ssyncset.done $0x0  }
0x24: {  	s25 =	simm.s32 $0x1000;
	s15 =	rddreg [dreg:$0x6];
	[sflag:s24] =	ssyncadd.s32 $0xFFFFF800  }
0x25: {  	[tilespmem:s25], [sflag:$0x9] =	stream.linear.gather [hbm4b:s15+s5], $0x800, $0x38;
	[tilespmem:$0x12200] =	vst v63  }
0x26: {  	_ =	swait.ge [sflag:s24], $0x800  }
0x27: {  	[sflag:s24] =	ssyncset.done $0x0  }
0x28: {  	[sflag:s24] =	ssyncadd.s32 $0xFFFFF800  }
0x29: {  	s28 =	simm.s32 $0x1800;
	s26 =	rddreg [dreg:$0x2]  }
0x2a: {  	[tilespmem:s28], [sflag:$0x9] =	stream.linear.gather [hbm4b:s26+s5], $0x800, $0x38;
	[tilespmem:$0x12200] =	vst v63  }
0x2b: {  	_ =	swait.ge [sflag:s24], $0x800  }
0x2c: {  	[sflag:s24] =	ssyncset.done $0x0  }
0x2d: {  	s8 =	simm.s32 $0x0;
	s7 =	rddreg [dreg:$0x13];
	[sflag:s24] =	ssyncadd.s32 $0xFFFFF800  }
.LBB2_2:
0x2e: {  	p0 =	sne.s32 s8, $0x240  }
.Ltmp0:
0x2f: {  	_ = 	snop;
	(pc) =	sbr.rel @p0 .LBB2_2-.Ltmp0, $4  }
0x30: {  	_ = 	snop  }
0x31: {  	v6 =	vor.u32 s7, v1;
	s25 =	sshra.s32 s8, $0x2  }
0x32: {  	v6 =	vand.u32 $0x7FF, v6;
	[tilespmem:s25+$0x2100] =	vst v2  }
0x33: {  	s7 =	sadd.s32 $0x10, s7;
	s8 =	sadd.s32 $0x40, s8;
	[tilespmem:s25+$0x2000] =	vst v6  }
0x34: {  	s25 =	simm.s32 $0x0;
	s26 =	simm.s32 $0x1000  }
0x35: {  	s28 =	simm.s32 $0x800;
	s7 =	simm.s32 $0x1800;
	s8 =	simm.s32 $0x0  }
.LBB2_4:
0x36: {  	v6 =	vld [tilespmem:s25+$0x0];
	_ =	sdelay $0x4  }
0x37: {  	v6 =	vsub.s32 v6, v0  }
0x38: {  	vm1 =	vgt.s32 v6, $0x0  }
0x39: {  	vm2 =	vlt.u32 v6, $0xA0;
	v6 =	vnsel vm1, $0x0, v6  }
0x3a: {  	v6 =	vmin.u32 v6, $0x9F  }
0x3b: {  	v7 =	vld [tilespmem:s26+$0x0];
	_ =	sdelay $0x2  }
0x3c: {  	v8 =	vor.u32 s8, v1  }
0x3d: {  	[tilespmem:v6+s29+$0x0] =	vst.idx.msk vm2, v8  }
0x3e: {  	[tilespmem:v6+s30+$0x0] =	vst.idx.msk vm2, v7  }
0x3f: {  	v6 =	vld [tilespmem:s28+$0x0];
	_ =	sdelay $0x4  }
0x40: {  	v6 =	vsub.s32 v6, v0  }
0x41: {  	vm1 =	vgt.s32 v6, $0x0  }
0x42: {  	vm2 =	vlt.u32 v6, $0xA0;
	v6 =	vnsel vm1, $0x0, v6  }
0x43: {  	v6 =	vmin.u32 v6, $0x9F  }
0x44: {  	p0 =	sne.s32 s8, $0x7F0;
	v7 =	vld [tilespmem:s7+$0x0]  }
.Ltmp1:
0x45: {  	_ = 	snop;
	(pc) =	sbr.rel @p0 .LBB2_4-.Ltmp1, $3  }
0x46: {  	_ =	sdelay $0x1  }
0x47: {  	s25 =	sadd.s32 $0x10, s25;
	s26 =	sadd.s32 $0x10, s26;
	[tilespmem:v6+s29+$0x0] =	vst.idx.msk vm2, v8  }
0x48: {  	s8 =	sadd.s32 $0x10, s8;
	s28 =	sadd.s32 $0x10, s28;
	s7 =	sadd.s32 $0x10, s7;
	[tilespmem:v6+s30+$0x0] =	vst.idx.msk vm2, v7  }
0x49: {  	s7 =	rddreg [dreg:$0x7]  }
0x4a: {  	[hbm4b:s7+s5] =	stream.linear.scatter [tilespmem:s30], [sflag:$0x9], $0xA0, $0x38;
	[tilespmem:$0x12200] =	vst v63  }
0x4b: {  	_ =	swait.ge [sflag:s24], $0xA0  }
0x4c: {  	[sflag:s24] =	ssyncset.done $0x0  }
0x4d: {  	[sflag:s24] =	ssyncadd.s32 $0xFFFFFF60  }
0x4e: {  	v6 =	vld [tilespmem:$0x2000];
	_ =	sdelay $0x4  }
0x4f: {  	v7 =	vshll.u32 v6, $0x3  }
0x50: {  	v6 =	vand.u32 $0x7, v6;
	v7 =	vand.u32 $0xFFFFFFC0, v7  }
0x51: {  	v6 =	vor.u32 v6, v7  }
0x52: {  	v7 =	vperm.xlane v6, v3;
	_ =	sdelay $0x1  }
0x53: {  	v7 =	vadd.s32 v4, v7;
	_ =	sdelay $0x4  }
0x54: {  	[tilespmem:s6], [sflag:$0x1] =	stream.indirect_vreg.gather [hbm4b:s1+s5], $0x80, v7, vm0, $0xb8;
	[tilespmem:$0x12200] =	vst v63  }
0x55: {  	s0 =	simm.s32 $0x2A00;
	v6 =	vperm.xlane v6, v5  }
0x56: {  	[tilespmem:s0], [sflag:$0x1] =	stream.indirect_vreg.gather [hbm4b:s9+s5], $0x80, v7, vm0, $0xb8;
	[tilespmem:$0x12200] =	vst v63  }
0x57: {  	s3 =	simm.s32 $0x3200;
	v6 =	vadd.s32 v4, v6  }
0x58: {  	[tilespmem:s3], [sflag:$0x1] =	stream.indirect_vreg.gather [hbm4b:s10+s5], $0x80, v7, vm0, $0xb8;
	[tilespmem:$0x12200] =	vst v63  }
0x59: {  	s4 =	simm.s32 $0x3A00  }
0x5a: {  	[tilespmem:s4], [sflag:$0x1] =	stream.indirect_vreg.gather [hbm4b:s11+s5], $0x80, v7, vm0, $0xb8;
	[tilespmem:$0x12200] =	vst v63  }
0x5b: {  	s7 =	simm.s32 $0x4200  }
0x5c: {  	[tilespmem:s7], [sflag:$0x1] =	stream.indirect_vreg.gather [hbm4b:s1+s5], $0x80, v6, vm0, $0xb8;
	[tilespmem:$0x12200] =	vst v63  }
0x5d: {  	s8 =	simm.s32 $0x4A00  }
0x5e: {  	[tilespmem:s8], [sflag:$0x1] =	stream.indirect_vreg.gather [hbm4b:s9+s5], $0x80, v6, vm0, $0xb8;
	[tilespmem:$0x12200] =	vst v63  }
0x5f: {  	s15 =	simm.s32 $0x5200  }
0x60: {  	[tilespmem:s15], [sflag:$0x1] =	stream.indirect_vreg.gather [hbm4b:s10+s5], $0x80, v6, vm0, $0xb8;
	[tilespmem:$0x12200] =	vst v63  }
0x61: {  	s25 =	simm.s32 $0x5A00  }
0x62: {  	[tilespmem:s25], [sflag:$0x1] =	stream.indirect_vreg.gather [hbm4b:s11+s5], $0x80, v6, vm0, $0xb8;
	[tilespmem:$0x12200] =	vst v63  }
0x63: {  	v6 =	vld [tilespmem:$0x2010];
	_ =	sdelay $0x4  }
0x64: {  	v7 =	vshll.u32 v6, $0x3  }
0x65: {  	v6 =	vand.u32 $0x7, v6;
	v7 =	vand.u32 $0xFFFFFFC0, v7  }
0x66: {  	v6 =	vor.u32 v6, v7  }
0x67: {  	v7 =	vperm.xlane v6, v3;
	_ =	sdelay $0x1  }
0x68: {  	v7 =	vadd.s32 v4, v7;
	_ =	sdelay $0x4  }
0x69: {  	[tilespmem:s21], [sflag:$0x2] =	stream.indirect_vreg.gather [hbm4b:s1+s5], $0x80, v7, vm0, $0xb8;
	[tilespmem:$0x12200] =	vst v63  }
0x6a: {  	s26 =	simm.s32 $0x6A00;
	v6 =	vperm.xlane v6, v5  }
0x6b: {  	[tilespmem:s26], [sflag:$0x2] =	stream.indirect_vreg.gather [hbm4b:s9+s5], $0x80, v7, vm0, $0xb8;
	[tilespmem:$0x12200] =	vst v63  }
0x6c: {  	s28 =	simm.s32 $0x7200;
	v6 =	vadd.s32 v4, v6  }
0x6d: {  	[tilespmem:s28], [sflag:$0x2] =	stream.indirect_vreg.gather [hbm4b:s10+s5], $0x80, v7, vm0, $0xb8;
	[tilespmem:$0x12200] =	vst v63  }
0x6e: {  	s3 =	simm.s32 $0x7A00  }
0x6f: {  	[tilespmem:s3], [sflag:$0x2] =	stream.indirect_vreg.gather [hbm4b:s11+s5], $0x80, v7, vm0, $0xb8;
	[tilespmem:$0x12200] =	vst v63  }
0x70: {  	s4 =	simm.s32 $0x8200  }
0x71: {  	[tilespmem:s4], [sflag:$0x2] =	stream.indirect_vreg.gather [hbm4b:s1+s5], $0x80, v6, vm0, $0xb8;
	[tilespmem:$0x12200] =	vst v63  }
0x72: {  	s7 =	simm.s32 $0x8A00  }
0x73: {  	[tilespmem:s7], [sflag:$0x2] =	stream.indirect_vreg.gather [hbm4b:s9+s5], $0x80, v6, vm0, $0xb8;
	[tilespmem:$0x12200] =	vst v63  }
0x74: {  	s8 =	simm.s32 $0x9200  }
0x75: {  	[tilespmem:s8], [sflag:$0x2] =	stream.indirect_vreg.gather [hbm4b:s10+s5], $0x80, v6, vm0, $0xb8;
	[tilespmem:$0x12200] =	vst v63  }
0x76: {  	s25 =	simm.s32 $0x9A00  }
0x77: {  	[tilespmem:s25], [sflag:$0x2] =	stream.indirect_vreg.gather [hbm4b:s11+s5], $0x80, v6, vm0, $0xb8;
	[tilespmem:$0x12200] =	vst v63  }
0x78: {  	v6 =	vld [tilespmem:$0x2020];
	_ =	sdelay $0x4  }
0x79: {  	v7 =	vshll.u32 v6, $0x3  }
0x7a: {  	v6 =	vand.u32 $0x7, v6;
	v7 =	vand.u32 $0xFFFFFFC0, v7  }
0x7b: {  	v6 =	vor.u32 v6, v7  }
0x7c: {  	v7 =	vperm.xlane v6, v3;
	_ =	sdelay $0x1  }
0x7d: {  	v7 =	vadd.s32 v4, v7;
	_ =	sdelay $0x4  }
0x7e: {  	[tilespmem:s13], [sflag:$0x3] =	stream.indirect_vreg.gather [hbm4b:s1+s5], $0x80, v7, vm0, $0xb8;
	[tilespmem:$0x12200] =	vst v63  }
0x7f: {  	s0 =	simm.s32 $0xAA00;
	v6 =	vperm.xlane v6, v5  }
0x80: {  	[tilespmem:s0], [sflag:$0x3] =	stream.indirect_vreg.gather [hbm4b:s9+s5], $0x80, v7, vm0, $0xb8;
	[tilespmem:$0x12200] =	vst v63  }
0x81: {  	s3 =	simm.s32 $0xB200;
	v6 =	vadd.s32 v4, v6  }
0x82: {  	[tilespmem:s3], [sflag:$0x3] =	stream.indirect_vreg.gather [hbm4b:s10+s5], $0x80, v7, vm0, $0xb8;
	[tilespmem:$0x12200] =	vst v63  }
0x83: {  	s4 =	simm.s32 $0xBA00  }
0x84: {  	[tilespmem:s4], [sflag:$0x3] =	stream.indirect_vreg.gather [hbm4b:s11+s5], $0x80, v7, vm0, $0xb8;
	[tilespmem:$0x12200] =	vst v63  }
0x85: {  	s8 =	simm.s32 $0xC200  }
0x86: {  	[tilespmem:s8], [sflag:$0x3] =	stream.indirect_vreg.gather [hbm4b:s1+s5], $0x80, v6, vm0, $0xb8;
	[tilespmem:$0x12200] =	vst v63  }
0x87: {  	_ = 	snop  }
0x88: {  	[tilespmem:s22], [sflag:$0x3] =	stream.indirect_vreg.gather [hbm4b:s9+s5], $0x80, v6, vm0, $0xb8;
	[tilespmem:$0x12200] =	vst v63  }
0x89: {  	_ = 	snop  }
0x8a: {  	[tilespmem:s18], [sflag:$0x3] =	stream.indirect_vreg.gather [hbm4b:s10+s5], $0x80, v6, vm0, $0xb8;
	[tilespmem:$0x12200] =	vst v63  }
0x8b: {  	_ = 	snop  }
0x8c: {  	[tilespmem:s20], [sflag:$0x3] =	stream.indirect_vreg.gather [hbm4b:s11+s5], $0x80, v6, vm0, $0xb8;
	[tilespmem:$0x12200] =	vst v63  }
0x8d: {  	v6 =	vld [tilespmem:$0x2030];
	_ =	sdelay $0x4  }
0x8e: {  	v7 =	vshll.u32 v6, $0x3  }
0x8f: {  	v6 =	vand.u32 $0x7, v6;
	v7 =	vand.u32 $0xFFFFFFC0, v7  }
0x90: {  	v6 =	vor.u32 v6, v7  }
0x91: {  	v7 =	vperm.xlane v6, v3;
	_ =	sdelay $0x1  }
0x92: {  	v7 =	vadd.s32 v4, v7;
	_ =	sdelay $0x4  }
0x93: {  	[tilespmem:s31], [sflag:$0x4] =	stream.indirect_vreg.gather [hbm4b:s1+s5], $0x80, v7, vm0, $0xb8;
	[tilespmem:$0x12200] =	vst v63  }
0x94: {  	s26 =	simm.s32 $0xEA00;
	v6 =	vperm.xlane v6, v5  }
0x95: {  	[tilespmem:s26], [sflag:$0x4] =	stream.indirect_vreg.gather [hbm4b:s9+s5], $0x80, v7, vm0, $0xb8;
	[tilespmem:$0x12200] =	vst v63  }
0x96: {  	s28 =	simm.s32 $0xF200;
	v6 =	vadd.s32 v4, v6  }
0x97: {  	[tilespmem:s28], [sflag:$0x4] =	stream.indirect_vreg.gather [hbm4b:s10+s5], $0x80, v7, vm0, $0xb8;
	[tilespmem:$0x12200] =	vst v63  }
0x98: {  	_ = 	snop  }
0x99: {  	[tilespmem:s17], [sflag:$0x4] =	stream.indirect_vreg.gather [hbm4b:s11+s5], $0x80, v7, vm0, $0xb8;
	[tilespmem:$0x12200] =	vst v63  }
0x9a: {  	s25 =	simm.s32 $0x10200  }
0x9b: {  	[tilespmem:s25], [sflag:$0x4] =	stream.indirect_vreg.gather [hbm4b:s1+s5], $0x80, v6, vm0, $0xb8;
	[tilespmem:$0x12200] =	vst v63  }
0x9c: {  	s26 =	simm.s32 $0x10A00  }
0x9d: {  	[tilespmem:s26], [sflag:$0x4] =	stream.indirect_vreg.gather [hbm4b:s9+s5], $0x80, v6, vm0, $0xb8;
	[tilespmem:$0x12200] =	vst v63  }
0x9e: {  	s28 =	simm.s32 $0x11200  }
0x9f: {  	[tilespmem:s28], [sflag:$0x4] =	stream.indirect_vreg.gather [hbm4b:s10+s5], $0x80, v6, vm0, $0xb8;
	[tilespmem:$0x12200] =	vst v63  }
0xa0: {  	s7 =	simm.s32 $0x11A00  }
0xa1: {  	[tilespmem:s7], [sflag:$0x4] =	stream.indirect_vreg.gather [hbm4b:s11+s5], $0x80, v6, vm0, $0xb8;
	[tilespmem:$0x12200] =	vst v63  }
0xa2: {  	_ =	swait.ge [sflag:s16], $0x4000  }
0xa3: {  	[sflag:s16] =	ssyncset.done $0x0  }
0xa4: {  	s7 =	rddreg [dreg:$0x8];
	[sflag:s16] =	ssyncadd.s32 $0xFFFFC000  }
0xa5: {  	[hbm4b:s7+s5] =	stream.linear.scatter [tilespmem:s6], [sflag:$0x5], $0x4000, $0x38;
	[tilespmem:$0x12200] =	vst v63  }
0xa6: {  	_ =	swait.ge [sflag:s23], $0x4000  }
0xa7: {  	[sflag:s23] =	ssyncset.done $0x0  }
0xa8: {  	[sflag:s23] =	ssyncadd.s32 $0xFFFFC000  }
0xa9: {  	v6 =	vld [tilespmem:$0x2040];
	_ =	sdelay $0x4  }
0xaa: {  	v7 =	vshll.u32 v6, $0x3  }
0xab: {  	v6 =	vand.u32 $0x7, v6;
	v7 =	vand.u32 $0xFFFFFFC0, v7  }
0xac: {  	v6 =	vor.u32 v6, v7  }
0xad: {  	v7 =	vperm.xlane v6, v3;
	_ =	sdelay $0x1  }
0xae: {  	v7 =	vadd.s32 v4, v7;
	_ =	sdelay $0x4  }
0xaf: {  	[tilespmem:s6], [sflag:$0x1] =	stream.indirect_vreg.gather [hbm4b:s1+s5], $0x80, v7, vm0, $0xb8;
	[tilespmem:$0x12200] =	vst v63  }
0xb0: {  	s14 =	simm.s32 $0x2A00;
	v6 =	vperm.xlane v6, v5  }
0xb1: {  	[tilespmem:s14], [sflag:$0x1] =	stream.indirect_vreg.gather [hbm4b:s9+s5], $0x80, v7, vm0, $0xb8;
	[tilespmem:$0x12200] =	vst v63  }
0xb2: {  	v6 =	vadd.s32 v4, v6;
	s14 =	simm.s32 $0x3200  }
0xb3: {  	[tilespmem:s14], [sflag:$0x1] =	stream.indirect_vreg.gather [hbm4b:s10+s5], $0x80, v7, vm0, $0xb8;
	[tilespmem:$0x12200] =	vst v63  }
0xb4: {  	s14 =	simm.s32 $0x3A00  }
0xb5: {  	[tilespmem:s14], [sflag:$0x1] =	stream.indirect_vreg.gather [hbm4b:s11+s5], $0x80, v7, vm0, $0xb8;
	[tilespmem:$0x12200] =	vst v63  }
0xb6: {  	s14 =	simm.s32 $0x4200  }
0xb7: {  	[tilespmem:s14], [sflag:$0x1] =	stream.indirect_vreg.gather [hbm4b:s1+s5], $0x80, v6, vm0, $0xb8;
	[tilespmem:$0x12200] =	vst v63  }
0xb8: {  	s14 =	simm.s32 $0x4A00  }
0xb9: {  	[tilespmem:s14], [sflag:$0x1] =	stream.indirect_vreg.gather [hbm4b:s9+s5], $0x80, v6, vm0, $0xb8;
	[tilespmem:$0x12200] =	vst v63  }
0xba: {  	s14 =	simm.s32 $0x5200  }
0xbb: {  	[tilespmem:s14], [sflag:$0x1] =	stream.indirect_vreg.gather [hbm4b:s10+s5], $0x80, v6, vm0, $0xb8;
	[tilespmem:$0x12200] =	vst v63  }
0xbc: {  	s15 =	simm.s32 $0x5A00  }
0xbd: {  	[tilespmem:s15], [sflag:$0x1] =	stream.indirect_vreg.gather [hbm4b:s11+s5], $0x80, v6, vm0, $0xb8;
	[tilespmem:$0x12200] =	vst v63  }
0xbe: {  	_ =	swait.ge [sflag:s19], $0x4000  }
0xbf: {  	[sflag:s19] =	ssyncset.done $0x0  }
0xc0: {  	s15 =	rddreg [dreg:$0x9];
	[sflag:s19] =	ssyncadd.s32 $0xFFFFC000  }
0xc1: {  	[hbm4b:s15+s5] =	stream.linear.scatter [tilespmem:s21], [sflag:$0x6], $0x4000, $0x38;
	[tilespmem:$0x12200] =	vst v63  }
0xc2: {  	_ =	swait.ge [sflag:s12], $0x4000  }
0xc3: {  	[sflag:s12] =	ssyncset.done $0x0  }
0xc4: {  	[sflag:s12] =	ssyncadd.s32 $0xFFFFC000  }
0xc5: {  	v6 =	vld [tilespmem:$0x2050];
	_ =	sdelay $0x4  }
0xc6: {  	v7 =	vshll.u32 v6, $0x3  }
0xc7: {  	v6 =	vand.u32 $0x7, v6;
	v7 =	vand.u32 $0xFFFFFFC0, v7  }
0xc8: {  	v6 =	vor.u32 v6, v7  }
0xc9: {  	v7 =	vperm.xlane v6, v3;
	_ =	sdelay $0x1  }
0xca: {  	v7 =	vadd.s32 v4, v7;
	_ =	sdelay $0x4  }
0xcb: {  	[tilespmem:s21], [sflag:$0x2] =	stream.indirect_vreg.gather [hbm4b:s1+s5], $0x80, v7, vm0, $0xb8;
	[tilespmem:$0x12200] =	vst v63  }
0xcc: {  	s14 =	simm.s32 $0x6A00;
	v6 =	vperm.xlane v6, v5  }
0xcd: {  	[tilespmem:s14], [sflag:$0x2] =	stream.indirect_vreg.gather [hbm4b:s9+s5], $0x80, v7, vm0, $0xb8;
	[tilespmem:$0x12200] =	vst v63  }
0xce: {  	s15 =	simm.s32 $0x7200;
	v6 =	vadd.s32 v4, v6  }
0xcf: {  	[tilespmem:s15], [sflag:$0x2] =	stream.indirect_vreg.gather [hbm4b:s10+s5], $0x80, v7, vm0, $0xb8;
	[tilespmem:$0x12200] =	vst v63  }
0xd0: {  	s14 =	simm.s32 $0x7A00  }
0xd1: {  	[tilespmem:s14], [sflag:$0x2] =	stream.indirect_vreg.gather [hbm4b:s11+s5], $0x80, v7, vm0, $0xb8;
	[tilespmem:$0x12200] =	vst v63  }
0xd2: {  	s15 =	simm.s32 $0x8200  }
0xd3: {  	[tilespmem:s15], [sflag:$0x2] =	stream.indirect_vreg.gather [hbm4b:s1+s5], $0x80, v6, vm0, $0xb8;
	[tilespmem:$0x12200] =	vst v63  }
0xd4: {  	s14 =	simm.s32 $0x8A00  }
0xd5: {  	[tilespmem:s14], [sflag:$0x2] =	stream.indirect_vreg.gather [hbm4b:s9+s5], $0x80, v6, vm0, $0xb8;
	[tilespmem:$0x12200] =	vst v63  }
0xd6: {  	s15 =	simm.s32 $0x9200  }
0xd7: {  	[tilespmem:s15], [sflag:$0x2] =	stream.indirect_vreg.gather [hbm4b:s10+s5], $0x80, v6, vm0, $0xb8;
	[tilespmem:$0x12200] =	vst v63  }
0xd8: {  	s14 =	simm.s32 $0x9A00  }
0xd9: {  	[tilespmem:s14], [sflag:$0x2] =	stream.indirect_vreg.gather [hbm4b:s11+s5], $0x80, v6, vm0, $0xb8;
	[tilespmem:$0x12200] =	vst v63  }
0xda: {  	s14 =	simm.s32 $0x3  }
0xdb: {  	_ =	swait.ge [sflag:s14], $0x4000  }
0xdc: {  	[sflag:s14] =	ssyncset.done $0x0  }
0xdd: {  	s15 =	rddreg [dreg:$0xa];
	[sflag:s14] =	ssyncadd.s32 $0xFFFFC000  }
0xde: {  	[hbm4b:s15+s5] =	stream.linear.scatter [tilespmem:s13], [sflag:$0x7], $0x4000, $0x38;
	[tilespmem:$0x12200] =	vst v63  }
0xdf: {  	s15 =	simm.s32 $0x7  }
0xe0: {  	_ =	swait.ge [sflag:s15], $0x4000  }
0xe1: {  	[sflag:s15] =	ssyncset.done $0x0  }
0xe2: {  	[sflag:s15] =	ssyncadd.s32 $0xFFFFC000  }
0xe3: {  	v6 =	vld [tilespmem:$0x2060];
	_ =	sdelay $0x4  }
0xe4: {  	v7 =	vshll.u32 v6, $0x3  }
0xe5: {  	v6 =	vand.u32 $0x7, v6;
	v7 =	vand.u32 $0xFFFFFFC0, v7  }
0xe6: {  	v6 =	vor.u32 v6, v7  }
0xe7: {  	v7 =	vperm.xlane v6, v3;
	_ =	sdelay $0x1  }
0xe8: {  	v7 =	vadd.s32 v4, v7;
	_ =	sdelay $0x4  }
0xe9: {  	[tilespmem:s13], [sflag:$0x3] =	stream.indirect_vreg.gather [hbm4b:s1+s5], $0x80, v7, vm0, $0xb8;
	[tilespmem:$0x12200] =	vst v63  }
0xea: {  	v6 =	vperm.xlane v6, v5  }
0xeb: {  	[tilespmem:s0], [sflag:$0x3] =	stream.indirect_vreg.gather [hbm4b:s9+s5], $0x80, v7, vm0, $0xb8;
	[tilespmem:$0x12200] =	vst v63  }
0xec: {  	v6 =	vadd.s32 v4, v6  }
0xed: {  	[tilespmem:s3], [sflag:$0x3] =	stream.indirect_vreg.gather [hbm4b:s10+s5], $0x80, v7, vm0, $0xb8;
	[tilespmem:$0x12200] =	vst v63  }
0xee: {  	_ = 	snop  }
0xef: {  	[tilespmem:s4], [sflag:$0x3] =	stream.indirect_vreg.gather [hbm4b:s11+s5], $0x80, v7, vm0, $0xb8;
	[tilespmem:$0x12200] =	vst v63  }
0xf0: {  	_ = 	snop  }
0xf1: {  	[tilespmem:s8], [sflag:$0x3] =	stream.indirect_vreg.gather [hbm4b:s1+s5], $0x80, v6, vm0, $0xb8;
	[tilespmem:$0x12200] =	vst v63  }
0xf2: {  	_ = 	snop  }
0xf3: {  	[tilespmem:s22], [sflag:$0x3] =	stream.indirect_vreg.gather [hbm4b:s9+s5], $0x80, v6, vm0, $0xb8;
	[tilespmem:$0x12200] =	vst v63  }
0xf4: {  	_ = 	snop  }
0xf5: {  	[tilespmem:s18], [sflag:$0x3] =	stream.indirect_vreg.gather [hbm4b:s10+s5], $0x80, v6, vm0, $0xb8;
	[tilespmem:$0x12200] =	vst v63  }
0xf6: {  	s0 =	simm.s32 $0x4  }
0xf7: {  	[tilespmem:s20], [sflag:$0x3] =	stream.indirect_vreg.gather [hbm4b:s11+s5], $0x80, v6, vm0, $0xb8;
	[tilespmem:$0x12200] =	vst v63  }
0xf8: {  	_ =	swait.ge [sflag:s0], $0x4000  }
0xf9: {  	[sflag:s0] =	ssyncset.done $0x0  }
0xfa: {  	s3 =	simm.s32 $0x8;
	s4 =	rddreg [dreg:$0xb];
	[sflag:s0] =	ssyncadd.s32 $0xFFFFC000  }
0xfb: {  	[hbm4b:s4+s5] =	stream.linear.scatter [tilespmem:s31], [sflag:$0x8], $0x4000, $0x38;
	[tilespmem:$0x12200] =	vst v63  }
0xfc: {  	_ =	swait.ge [sflag:s3], $0x4000  }
0xfd: {  	[sflag:s3] =	ssyncset.done $0x0  }
0xfe: {  	[sflag:s3] =	ssyncadd.s32 $0xFFFFC000  }
0xff: {  	v6 =	vld [tilespmem:$0x2070];
	_ =	sdelay $0x4  }
0x100: {  	v7 =	vshll.u32 v6, $0x3  }
0x101: {  	v6 =	vand.u32 $0x7, v6;
	v7 =	vand.u32 $0xFFFFFFC0, v7  }
0x102: {  	v6 =	vor.u32 v6, v7  }
0x103: {  	v7 =	vperm.xlane v6, v3;
	_ =	sdelay $0x1  }
0x104: {  	v7 =	vadd.s32 v4, v7;
	_ =	sdelay $0x4  }
0x105: {  	[tilespmem:s31], [sflag:$0x4] =	stream.indirect_vreg.gather [hbm4b:s1+s5], $0x80, v7, vm0, $0xb8;
	[tilespmem:$0x12200] =	vst v63  }
0x106: {  	s7 =	simm.s32 $0xEA00;
	v6 =	vperm.xlane v6, v5  }
0x107: {  	[tilespmem:s7], [sflag:$0x4] =	stream.indirect_vreg.gather [hbm4b:s9+s5], $0x80, v7, vm0, $0xb8;
	[tilespmem:$0x12200] =	vst v63  }
0x108: {  	s8 =	simm.s32 $0xF200;
	v6 =	vadd.s32 v4, v6  }
0x109: {  	[tilespmem:s8], [sflag:$0x4] =	stream.indirect_vreg.gather [hbm4b:s10+s5], $0x80, v7, vm0, $0xb8;
	[tilespmem:$0x12200] =	vst v63  }
0x10a: {  	_ = 	snop  }
0x10b: {  	[tilespmem:s17], [sflag:$0x4] =	stream.indirect_vreg.gather [hbm4b:s11+s5], $0x80, v7, vm0, $0xb8;
	[tilespmem:$0x12200] =	vst v63  }
0x10c: {  	_ = 	snop  }
0x10d: {  	[tilespmem:s25], [sflag:$0x4] =	stream.indirect_vreg.gather [hbm4b:s1+s5], $0x80, v6, vm0, $0xb8;
	[tilespmem:$0x12200] =	vst v63  }
0x10e: {  	_ = 	snop  }
0x10f: {  	[tilespmem:s26], [sflag:$0x4] =	stream.indirect_vreg.gather [hbm4b:s9+s5], $0x80, v6, vm0, $0xb8;
	[tilespmem:$0x12200] =	vst v63  }
0x110: {  	_ = 	snop  }
0x111: {  	[tilespmem:s28], [sflag:$0x4] =	stream.indirect_vreg.gather [hbm4b:s10+s5], $0x80, v6, vm0, $0xb8;
	[tilespmem:$0x12200] =	vst v63  }
0x112: {  	s28 =	simm.s32 $0x11A00  }
0x113: {  	[tilespmem:s28], [sflag:$0x4] =	stream.indirect_vreg.gather [hbm4b:s11+s5], $0x80, v6, vm0, $0xb8;
	[tilespmem:$0x12200] =	vst v63  }
0x114: {  	_ =	swait.ge [sflag:s16], $0x4000  }
0x115: {  	[sflag:s16] =	ssyncset.done $0x0  }
0x116: {  	s4 =	rddreg [dreg:$0xc];
	[sflag:s16] =	ssyncadd.s32 $0xFFFFC000  }
0x117: {  	[hbm4b:s4+s5] =	stream.linear.scatter [tilespmem:s6], [sflag:$0x5], $0x4000, $0x38;
	[tilespmem:$0x12200] =	vst v63  }
0x118: {  	_ =	swait.ge [sflag:s23], $0x4000  }
0x119: {  	[sflag:s23] =	ssyncset.done $0x0  }
0x11a: {  	[sflag:s23] =	ssyncadd.s32 $0xFFFFC000  }
0x11b: {  	v6 =	vld [tilespmem:$0x2080];
	_ =	sdelay $0x4  }
0x11c: {  	v7 =	vshll.u32 v6, $0x3  }
0x11d: {  	v6 =	vand.u32 $0x7, v6;
	v7 =	vand.u32 $0xFFFFFFC0, v7  }
0x11e: {  	v6 =	vor.u32 v6, v7  }
0x11f: {  	v7 =	vperm.xlane v6, v3;
	_ =	sdelay $0x1  }
0x120: {  	v7 =	vadd.s32 v4, v7;
	_ =	sdelay $0x4  }
0x121: {  	[tilespmem:s6], [sflag:$0x1] =	stream.indirect_vreg.gather [hbm4b:s1+s5], $0x80, v7, vm0, $0xb8;
	[tilespmem:$0x12200] =	vst v63  }
0x122: {  	s8 =	simm.s32 $0x2A00;
	v6 =	vperm.xlane v6, v5  }
0x123: {  	[tilespmem:s8], [sflag:$0x1] =	stream.indirect_vreg.gather [hbm4b:s9+s5], $0x80, v7, vm0, $0xb8;
	[tilespmem:$0x12200] =	vst v63  }
0x124: {  	s25 =	simm.s32 $0x3200;
	v6 =	vadd.s32 v4, v6  }
0x125: {  	[tilespmem:s25], [sflag:$0x1] =	stream.indirect_vreg.gather [hbm4b:s10+s5], $0x80, v7, vm0, $0xb8;
	[tilespmem:$0x12200] =	vst v63  }
0x126: {  	s26 =	simm.s32 $0x3A00  }
0x127: {  	[tilespmem:s26], [sflag:$0x1] =	stream.indirect_vreg.gather [hbm4b:s11+s5], $0x80, v7, vm0, $0xb8;
	[tilespmem:$0x12200] =	vst v63  }
0x128: {  	s28 =	simm.s32 $0x4200  }
0x129: {  	[tilespmem:s28], [sflag:$0x1] =	stream.indirect_vreg.gather [hbm4b:s1+s5], $0x80, v6, vm0, $0xb8;
	[tilespmem:$0x12200] =	vst v63  }
0x12a: {  	s7 =	simm.s32 $0x4A00  }
0x12b: {  	[tilespmem:s7], [sflag:$0x1] =	stream.indirect_vreg.gather [hbm4b:s9+s5], $0x80, v6, vm0, $0xb8;
	[tilespmem:$0x12200] =	vst v63  }
0x12c: {  	s8 =	simm.s32 $0x5200  }
0x12d: {  	[tilespmem:s8], [sflag:$0x1] =	stream.indirect_vreg.gather [hbm4b:s10+s5], $0x80, v6, vm0, $0xb8;
	[tilespmem:$0x12200] =	vst v63  }
0x12e: {  	s25 =	simm.s32 $0x5A00  }
0x12f: {  	[tilespmem:s25], [sflag:$0x1] =	stream.indirect_vreg.gather [hbm4b:s11+s5], $0x80, v6, vm0, $0xb8;
	[tilespmem:$0x12200] =	vst v63  }
0x130: {  	_ =	swait.ge [sflag:s19], $0x4000  }
0x131: {  	[sflag:s19] =	ssyncset.done $0x0  }
0x132: {  	s26 =	rddreg [dreg:$0xd];
	[sflag:s19] =	ssyncadd.s32 $0xFFFFC000  }
0x133: {  	[hbm4b:s26+s5] =	stream.linear.scatter [tilespmem:s21], [sflag:$0x6], $0x4000, $0x38;
	[tilespmem:$0x12200] =	vst v63  }
0x134: {  	_ =	swait.ge [sflag:s12], $0x4000  }
0x135: {  	[sflag:s12] =	ssyncset.done $0x0  }
0x136: {  	[sflag:s12] =	ssyncadd.s32 $0xFFFFC000  }
0x137: {  	v6 =	vld [tilespmem:$0x2090];
	_ =	sdelay $0x4  }
0x138: {  	v7 =	vshll.u32 v6, $0x3  }
0x139: {  	v6 =	vand.u32 $0x7, v6;
	v7 =	vand.u32 $0xFFFFFFC0, v7  }
0x13a: {  	v6 =	vor.u32 v6, v7  }
0x13b: {  	v7 =	vperm.xlane v6, v3;
	_ =	sdelay $0x1  }
0x13c: {  	v7 =	vadd.s32 v4, v7;
	_ =	sdelay $0x4  }
0x13d: {  	[tilespmem:s21], [sflag:$0x2] =	stream.indirect_vreg.gather [hbm4b:s1+s5], $0x80, v7, vm0, $0xb8;
	[tilespmem:$0x12200] =	vst v63  }
0x13e: {  	s28 =	simm.s32 $0x6A00;
	v6 =	vperm.xlane v6, v5  }
0x13f: {  	[tilespmem:s28], [sflag:$0x2] =	stream.indirect_vreg.gather [hbm4b:s9+s5], $0x80, v7, vm0, $0xb8;
	[tilespmem:$0x12200] =	vst v63  }
0x140: {  	s7 =	simm.s32 $0x7200;
	v6 =	vadd.s32 v4, v6  }
0x141: {  	[tilespmem:s7], [sflag:$0x2] =	stream.indirect_vreg.gather [hbm4b:s10+s5], $0x80, v7, vm0, $0xb8;
	[tilespmem:$0x12200] =	vst v63  }
0x142: {  	s8 =	simm.s32 $0x7A00  }
0x143: {  	[tilespmem:s8], [sflag:$0x2] =	stream.indirect_vreg.gather [hbm4b:s11+s5], $0x80, v7, vm0, $0xb8;
	[tilespmem:$0x12200] =	vst v63  }
0x144: {  	s25 =	simm.s32 $0x8200  }
0x145: {  	[tilespmem:s25], [sflag:$0x2] =	stream.indirect_vreg.gather [hbm4b:s1+s5], $0x80, v6, vm0, $0xb8;
	[tilespmem:$0x12200] =	vst v63  }
0x146: {  	s26 =	simm.s32 $0x8A00  }
0x147: {  	[tilespmem:s26], [sflag:$0x2] =	stream.indirect_vreg.gather [hbm4b:s9+s5], $0x80, v6, vm0, $0xb8;
	[tilespmem:$0x12200] =	vst v63  }
0x148: {  	s28 =	simm.s32 $0x9200  }
0x149: {  	[tilespmem:s28], [sflag:$0x2] =	stream.indirect_vreg.gather [hbm4b:s10+s5], $0x80, v6, vm0, $0xb8;
	[tilespmem:$0x12200] =	vst v63  }
0x14a: {  	s7 =	simm.s32 $0x9A00  }
0x14b: {  	[tilespmem:s7], [sflag:$0x2] =	stream.indirect_vreg.gather [hbm4b:s11+s5], $0x80, v6, vm0, $0xb8;
	[tilespmem:$0x12200] =	vst v63  }
0x14c: {  	_ =	swait.ge [sflag:s14], $0x4000  }
0x14d: {  	[sflag:s14] =	ssyncset.done $0x0  }
0x14e: {  	s8 =	rddreg [dreg:$0xe];
	[sflag:s14] =	ssyncadd.s32 $0xFFFFC000  }
0x14f: {  	[hbm4b:s8+s5] =	stream.linear.scatter [tilespmem:s13], [sflag:$0x7], $0x4000, $0x38;
	[tilespmem:$0x12200] =	vst v63  }
0x150: {  	_ =	swait.ge [sflag:s0], $0x4000  }
0x151: {  	[sflag:s0] =	ssyncset.done $0x0  }
0x152: {  	s14 =	rddreg [dreg:$0xf];
	[sflag:s0] =	ssyncadd.s32 $0xFFFFC000  }
0x153: {  	[hbm4b:s14+s5] =	stream.linear.scatter [tilespmem:s31], [sflag:$0x8], $0x4000, $0x38;
	[tilespmem:$0x12200] =	vst v63  }
0x154: {  	_ =	swait.ge [sflag:s16], $0x4000  }
0x155: {  	[sflag:s16] =	ssyncset.done $0x0  }
0x156: {  	s25 =	rddreg [dreg:$0x10];
	[sflag:s16] =	ssyncadd.s32 $0xFFFFC000  }
0x157: {  	[hbm4b:s25+s5] =	stream.linear.scatter [tilespmem:s6], [sflag:$0x5], $0x4000, $0x38;
	[tilespmem:$0x12200] =	vst v63  }
0x158: {  	_ =	swait.ge [sflag:s19], $0x4000  }
0x159: {  	[sflag:s19] =	ssyncset.done $0x0  }
0x15a: {  	s26 =	rddreg [dreg:$0x11];
	[sflag:s19] =	ssyncadd.s32 $0xFFFFC000  }
0x15b: {  	[hbm4b:s26+s5] =	stream.linear.scatter [tilespmem:s21], [sflag:$0x6], $0x4000, $0x38;
	[tilespmem:$0x12200] =	vst v63  }
0x15c: {  	_ =	swait.ge [sflag:s15], $0x4000  }
0x15d: {  	[sflag:s15] =	ssyncset.done $0x0  }
0x15e: {  	[sflag:s15] =	ssyncadd.s32 $0xFFFFC000  }
0x15f: {  	_ =	swait.ge [sflag:s3], $0x4000  }
0x160: {  	[sflag:s3] =	ssyncset.done $0x0  }
0x161: {  	[sflag:s3] =	ssyncadd.s32 $0xFFFFC000  }
0x162: {  	_ =	swait.ge [sflag:s23], $0x4000  }
0x163: {  	[sflag:s23] =	ssyncset.done $0x0  }
0x164: {  	[sflag:s23] =	ssyncadd.s32 $0xFFFFC000  }
0x165: {  	_ =	swait.ge [sflag:s12], $0x4000  }
0x166: {  	s2 =	sadd.s32 $0x1, s2;
	s28 =	rddreg [dreg:$0x12]  }
0x167: {  	p0 =	sne.s32 s2, s28  }
.Ltmp2:
0x168: {  	_ = 	snop;
	(pc) =	sbr.rel @p0 .LBB2_1-.Ltmp2, $3  }
0x169: {  	_ =	sdelay $0x1  }
0x16a: {  	[sflag:s12] =	ssyncset.done $0x0  }
0x16b: {  	[sflag:s12] =	ssyncadd.s32 $0xFFFFC000  }
0x16c: {  	_ =	sfence.sel $0x180000  }
0x16d: {  	[bflag:$0x0] =	sbarrier.arrive $0xFFFF  }
0x16e: {  	_ =	strace $0x90000047  }
0x16f: {  	s0 =	stileid.u32;
	[bflag:$0x2] =	sbarrier.arrive $0xFFFF  }
0x170: {  	p0 =	sne.s32 s0, $0x0;
	s0 =	rddreg [dreg:$0x4]  }
0x171: {  	s0 =	sadd.s32 @!p0 $0x100000, s0  }
0x172: {  	[sflag:s0] =	ssyncadd.tile.s32 @!p0 $0x1;
	_ =	shalt  }
.Lfunc_end2:
_tile_overlayer_lowered:
.L_overlay_start_2:
0x173: {  	(tag) =	ssettag $0x2  }
0x174: {  	s0 =	rddreg [dreg:$0x0];
	s2 =	stileid.u32  }
0x175: {  	s1 =	rddreg [dreg:$0x1];
	p0 =	sne.s32 s2, $0x0  }
0x176: {  	s3 =	rddreg [dreg:$0x2];
	[bflag:$0x3] =	sbarrier.arrive $0xFFFF;
	s2 =	simm.s32 @!p0 $0x1C09  }
0x177: {  	[timem:s3], [sflag:s2] =	dma.local @!p0 [hbm:s0], s1  }
0x178: {  	s0 =	simm.s32 @!p0 $0x9  }
0x179: {  	_ =	swait.ge @!p0 [sflag:s0], s1  }
0x17a: {  	s1 =	ssub.s32 @!p0 $0x0, s1;
	[sflag:s0] =	ssyncset.done @!p0 $0x0  }
0x17b: {  	[sflag:s0] =	ssyncadd.s32 @!p0 s1  }
0x17c: {  	[bflag:$0x3] =	sbarrier.arrive $0xFFFF  }
0x17d: {  	_ =	shalt  }

</sc_bundles>
